<compile_context>
chip_gen: v7x
topology: tpu7x:2x2x1
jax: 0.10.2.dev20260603
libtpu: 0.0.44.dev20260713+nightly
codegen_flags: <defaults>
</compile_context>

<pallas_src>
import functools

import jax
import jax.numpy as jnp
from jax import lax
from jax.experimental import pallas as pl
from jax.experimental.pallas import tpu as pltpu
from jax.experimental.pallas import tpu_sc as plsc

_NUM_TABLE = 8
_TABLE_SIZE = 64
_CODE_LEN = 6
_P = 4
_TP = _NUM_TABLE * _P
_ROWS = _NUM_TABLE * _TABLE_SIZE

_B, _H, _S, _D = 2, 16, 2048, 64
_BH = _B * _H
_NCH = 8
_CH = _S // _NCH
_L = 16


def _codes_rows(sT):
    T = _NUM_TABLE
    N = sT.shape[-1]
    planes = [sT[8 * c:8 * (c + 1), :] for c in range(_CODE_LEN)]
    absp = [jnp.abs(p) for p in planes]
    base = jnp.zeros((T, N), jnp.int32)
    for c in range(_CODE_LEN):
        base = base + (planes[c] > 0).astype(jnp.int32) * (1 << c)
    ranks = []
    for c in range(_CODE_LEN):
        r = jnp.zeros((T, N), jnp.int32)
        for c2 in range(_CODE_LEN):
            if c2 == c:
                continue
            lt = absp[c2] < absp[c]
            if c2 < c:
                lt = lt | (absp[c2] == absp[c])
            r = r + lt.astype(jnp.int32)
        ranks.append(r)
    flips = []
    for i in range(_P - 1):
        f = jnp.zeros((T, N), jnp.int32)
        for c in range(_CODE_LEN):
            f = f + (ranks[c] == i).astype(jnp.int32) * (1 << c)
        flips.append(f)
    toff = jax.lax.broadcasted_iota(jnp.int32, (T, N), 0) * _TABLE_SIZE
    rows = [base + toff]
    for i in range(_P - 1):
        rows.append(jnp.bitwise_xor(base, flips[i]) + toff)
    return rows


def _codes_body(q_ref, k_ref, w_ref, qr_ref, kr_ref):
    q = q_ref[0, 0]
    k = k_ref[0, 0]
    w = w_ref[0]
    dn_nt = (((1,), (1,)), ((), ()))
    sq = jax.lax.dot_general(w, q, dn_nt)
    sk = jax.lax.dot_general(w, k, dn_nt)
    qr_ref[0, 0] = jnp.concatenate(_codes_rows(sq), axis=0)
    kr_ref[0, 0] = jnp.concatenate(_codes_rows(sk), axis=0)


_sc_mesh = plsc.VectorSubcoreMesh(core_axis_name="c", subcore_axis_name="s")


@functools.partial(
    pl.kernel,
    out_type=jax.ShapeDtypeStruct((_BH, _NCH, _CH * _D), jnp.float32),
    mesh=_sc_mesh,
    scratch_types=[
        pltpu.VMEM((_ROWS * _D,), jnp.float32),
        pltpu.VMEM((_ROWS,), jnp.float32),
        pltpu.VMEM((_CH * _D,), jnp.float32),
        pltpu.VMEM((_TP, _CH), jnp.int32),
        pltpu.VMEM((_CH * _D,), jnp.float32),
    ],
    compiler_params=pltpu.CompilerParams(needs_layout_passes=False),
)
def _sc_tables(v_hbm, qr_hbm, kr_hbm, out_hbm,
               tab, cnts, vbuf, tpbuf, obuf):
    bh = lax.axis_index("c") * 16 + lax.axis_index("s")
    zero16 = jnp.zeros((_L,), jnp.float32)
    ones16 = jnp.ones((_L,), jnp.float32)
    nsub = _D // _L

    def _zero(ref, n):
        def zb(j, _):
            ref[pl.ds(j * _L, _L)] = zero16
            return 0
        lax.fori_loop(0, n // _L, zb, 0, unroll=4)

    _zero(tab, _ROWS * _D)
    _zero(cnts, _ROWS)

    def build_chunk(ch, _):
        pltpu.sync_copy(v_hbm.at[bh, ch], vbuf)
        pltpu.sync_copy(qr_hbm.at[bh, :, pl.ds(ch * _CH, _CH)], tpbuf)

        def g_loop(g, _):
            gbase = g * _L

            def tp_loop(tp, _):
                rv = tpbuf[tp, pl.ds(gbase, _L)]
                plsc.addupdate_scatter(cnts, [rv], ones16)
                rv64 = rv * _D
                for nn in range(_L):
                    base = rv64[nn]
                    voff = (gbase + nn) * _D
                    for j in range(nsub):
                        vvj = vbuf[pl.ds(voff + j * _L, _L)]
                        plsc.addupdate(tab.at[pl.ds(base + j * _L, _L)], vvj)
                return 0

            return lax.fori_loop(0, _TP, tp_loop, 0)

        return lax.fori_loop(0, _CH // _L, g_loop, 0)

    lax.fori_loop(0, _NCH, build_chunk, 0)

    def query_chunk(ch, _):
        pltpu.sync_copy(kr_hbm.at[bh, :, pl.ds(ch * _CH, _CH)], tpbuf)
        _zero(obuf, _CH * _D)

        def g_loop(g, _):
            gbase = g * _L

            def tp_loop(tp, cacc):
                rv = tpbuf[tp, pl.ds(gbase, _L)]
                cacc = cacc + plsc.load_gather(cnts, [rv])
                rv64 = rv * _D
                for nn in range(_L):
                    base = rv64[nn]
                    ooff = (gbase + nn) * _D
                    for j in range(nsub):
                        val = tab[pl.ds(base + j * _L, _L)]
                        plsc.addupdate(obuf.at[pl.ds(ooff + j * _L, _L)], val)
                return cacc

            cacc = lax.fori_loop(0, _TP, tp_loop, zero16)
            recip = 1.0 / jnp.maximum(cacc, 1.0)
            for nn in range(_L):
                r = recip[nn]
                ooff = (gbase + nn) * _D
                for j in range(nsub):
                    off = ooff + j * _L
                    obuf[pl.ds(off, _L)] = obuf[pl.ds(off, _L)] * r
            return 0

        lax.fori_loop(0, _CH // _L, g_loop, 0)
        pltpu.sync_copy(obuf, out_hbm.at[bh, ch])
        return 0

    lax.fori_loop(0, _NCH, query_chunk, 0)


def kernel(query_layer, key_layer, value_layer, attention_mask, projections):
    B, H, S, D = query_layer.shape
    v = value_layer * attention_mask[:, None, :, None]
    w6 = projections.transpose(0, 2, 1, 3).reshape(H, _CODE_LEN * _NUM_TABLE, D)
    qr, kr = pl.pallas_call(
        _codes_body,
        grid=(B, H),
        in_specs=[
            pl.BlockSpec((1, 1, S, D), lambda b, h: (b, h, 0, 0)),
            pl.BlockSpec((1, 1, S, D), lambda b, h: (b, h, 0, 0)),
            pl.BlockSpec((1, _CODE_LEN * _NUM_TABLE, D), lambda b, h: (h, 0, 0)),
        ],
        out_specs=[
            pl.BlockSpec((1, 1, _TP, S), lambda b, h: (b, h, 0, 0)),
            pl.BlockSpec((1, 1, _TP, S), lambda b, h: (b, h, 0, 0)),
        ],
        out_shape=[
            jax.ShapeDtypeStruct((B, H, _TP, S), jnp.int32),
            jax.ShapeDtypeStruct((B, H, _TP, S), jnp.int32),
        ],
    )(query_layer, key_layer, w6)
    BH = B * H
    qr3 = qr.reshape(BH, _TP, S)
    kr3 = kr.reshape(BH, _TP, S)
    v3 = v.reshape(BH, _NCH, _CH * D)
    out4 = _sc_tables(v3, qr3, kr3)
    return out4.reshape(B, H, S, D)

# --- scband reference (transcript-rebuilt; emitter-appended) ---
"""Pipeline reference for scband-lookup-attention-69965017252058 (READ-ONLY COPY).

The authoritative reference and input builder live on the scoring server;
editing this copy changes nothing except your own understanding.
"""

import jax, jax.numpy as jnp
import numpy as np
import math

NUM_TABLE = 8
TABLE_SIZE = 64
CODE_LENGTH = 6  # log2(table_size)
NUM_HEADS = 16
HEAD_DIM = 64
P_BUILD = 4      # attn_num_query_per_table (multiprobe inserts)
P_QUERY = 4      # attn_num_query_per_table_val (multiprobe lookups)
COMPUTE_TYPE = "mean"


def compute_codes(scores, num_probes):
    # scores: [BH, N, T, C] -> multiprobe LSH codes [BH, N, T, P]
    C = scores.shape[-1]
    bits = (scores > 0).astype(jnp.int32)
    weights = (2 ** jnp.arange(C)).astype(jnp.int32)
    base = jnp.sum(bits * weights, axis=-1)  # [BH, N, T]
    probes = [base]
    if num_probes > 1:
        order = jnp.argsort(jnp.abs(scores), axis=-1)  # ascending confidence
        flips = weights[order[..., : num_probes - 1]]  # [BH, N, T, P-1]
        for i in range(num_probes - 1):
            probes.append(jnp.bitwise_xor(base, flips[..., i]))
    return jnp.stack(probes, axis=-1)  # [BH, N, T, P]


def construct_tables(q_hash_scores, values, num_probes, table_size):
    codes = compute_codes(q_hash_scores, num_probes)  # [BH, N, T, P]
    BH, N, T, P = codes.shape
    D = values.shape[-1]
    bh_off = (jnp.arange(BH) * table_size)[:, None]  # [BH, 1]
    v_flat = values.reshape(BH * N, D)
    ones = jnp.ones((BH * N,), values.dtype)
    tables, counts = [], []
    for t in range(T):
        tab = jnp.zeros((BH * table_size, D), values.dtype)
        cnt = jnp.zeros((BH * table_size,), values.dtype)
        for p in range(P):
            flat = (codes[:, :, t, p] + bh_off).reshape(-1)
            tab = tab.at[flat].add(v_flat)
            cnt = cnt.at[flat].add(ones)
        tables.append(tab.reshape(BH, table_size, D))
        counts.append(cnt.reshape(BH, table_size))
    return jnp.stack(tables, axis=1), jnp.stack(counts, axis=1)


def query_tables(k_hash_scores, tables, counts, num_probes, compute_type):
    codes = compute_codes(k_hash_scores, num_probes)  # [BH, N, T, P]
    BH, N, T, P = codes.shape
    table_size = tables.shape[2]
    D = tables.shape[-1]
    bh_off = (jnp.arange(BH) * table_size)[:, None]
    out_sum = jnp.zeros((BH, N, D), tables.dtype)
    cnt_sum = jnp.zeros((BH, N), tables.dtype)
    for t in range(T):
        tab_flat = tables[:, t].reshape(BH * table_size, D)
        cnt_flat = counts[:, t].reshape(BH * table_size)
        for p in range(P):
            flat = (codes[:, :, t, p] + bh_off).reshape(-1)
            out_sum = out_sum + tab_flat[flat].reshape(BH, N, D)
            cnt_sum = cnt_sum + cnt_flat[flat].reshape(BH, N)
    if compute_type == "mean":
        return out_sum / jnp.maximum(cnt_sum, 1.0)[..., None]
    return out_sum


def setup_inputs(seed: int = 0) -> dict:
    key = jax.random.key(seed)
    k1, k2, k3, k4 = jax.random.split(key, 4)
    B, H, S, D = 2, NUM_HEADS, 2048, HEAD_DIM
    query_layer = jax.random.normal(k1, (B, H, S, D), dtype=jnp.float32)
    key_layer = jax.random.normal(k2, (B, H, S, D), dtype=jnp.float32)
    value_layer = jax.random.normal(k3, (B, H, S, D), dtype=jnp.float32)
    attention_mask = jnp.ones((B, S), dtype=jnp.float32)
    # random projections generated inside torch forward; materialized here for determinism
    projections = jax.random.normal(k4, (H, NUM_TABLE, CODE_LENGTH, D), dtype=jnp.float32) / math.sqrt(D)
    return {"query_layer": query_layer, "key_layer": key_layer,
            "value_layer": value_layer, "attention_mask": attention_mask,
            "projections": projections}


def reference(query_layer, key_layer, value_layer, attention_mask, projections):
    B, H, S, D = query_layer.shape
    q_hash = jnp.einsum('bhnd,htcd->bhntc', query_layer, projections)
    k_hash = jnp.einsum('bhnd,htcd->bhntc', key_layer, projections)
    v = value_layer * attention_mask[:, None, :, None]
    q_hash = q_hash.reshape(B * H, S, NUM_TABLE, CODE_LENGTH)
    k_hash = k_hash.reshape(B * H, S, NUM_TABLE, CODE_LENGTH)
    v = v.reshape(B * H, S, D)
    tables, counts = construct_tables(q_hash, v, P_BUILD, TABLE_SIZE)
    out = query_tables(k_hash, tables, counts, P_QUERY, COMPUTE_TYPE)
    return out.reshape(B, H, S, D)

if __name__ == "__main__":
    import jax
    _d = setup_inputs()
    print(jax.jit(kernel)(*tuple(_d.values())))

</pallas_src>

<mosaic_0001>
#map = affine_map<(d0, d1) -> (0, 0, 0)>
module attributes {stable_mosaic.version = 14 : i64} {
  func.func @_sc_tables(%arg0: i32, %arg1: i32, %arg2: memref<32x8x16384xf32, #tpu.memory_space<hbm>>, %arg3: memref<32x32x2048xi32, #tpu.memory_space<hbm>>, %arg4: memref<32x32x2048xi32, #tpu.memory_space<hbm>>, %arg5: memref<32x8x16384xf32, #tpu.memory_space<hbm>>, %arg6: memref<32768xf32, #tpu.memory_space<vmem>>, %arg7: memref<512xf32, #tpu.memory_space<vmem>>, %arg8: memref<16384xf32, #tpu.memory_space<vmem>>, %arg9: memref<32x256xi32, #tpu.memory_space<vmem>>, %arg10: memref<16384xf32, #tpu.memory_space<vmem>>) attributes {dimension_semantics = [#tpu.dimension_semantics<core_parallel>, #tpu.dimension_semantics<subcore_parallel>], iteration_bounds = array<i64: 2, 16>, scalar_prefetch = 0 : i64, scratch_operands = 5 : i64, tpu.core_type = #tpu.core_type<sc_vector_subcore>, window_params = [{transform_indices = #map}, {transform_indices = #map}, {transform_indices = #map}, {transform_indices = #map}]} {
    %mul3A = arith.constant 16 : i32
    %mul3A_0 = arith.muli %arg0, %mul3A : i32
    %add3A = arith.addi %mul3A_0, %arg1 : i32
    %broadcast_in_dim3A = arith.constant 0.000000e+00 : f32
    %broadcast_in_dim3A_1 = vector.broadcast %broadcast_in_dim3A : f32 to vector<16xf32>
    %broadcast_in_dim3A_2 = arith.constant 1.000000e+00 : f32
    %broadcast_in_dim3A_3 = vector.broadcast %broadcast_in_dim3A_2 : f32 to vector<16xf32>
    %scan3A = arith.constant 0 : i32
    %scan3A_4 = arith.constant 0 : i32
    %scan3A_5 = arith.constant 2048 : i32
    %scan3A_6 = arith.addi %scan3A_4, %scan3A_5 : i32
    %scan3A_7 = arith.constant 4 : i32
    %scan3A_8 = scf.for %scan3A_31 = %scan3A_4 to %scan3A_6 step %scan3A_7 iter_args(%scan3A_32 = %scan3A) -> (i32)  : i32 {
      %mul3A_33 = arith.constant 16 : i32
      %mul3A_34 = arith.muli %scan3A_31, %mul3A_33 : i32
      %swap3A = arith.index_cast %mul3A_34 : i32 to index
      %swap3A_35 = tpu.vector_load %arg6[%swap3A] {strides = array<i32>} : memref<32768xf32, #tpu.memory_space<vmem>>, vector<16xf32>,
      tpu.vector_store %arg6[%swap3A], %broadcast_in_dim3A_1 {strides = array<i32>} : memref<32768xf32, #tpu.memory_space<vmem>>, vector<16xf32>,
      %scan3A_36 = arith.constant 0 : i32
      %scan3A_37 = arith.constant 1 : i32
      %scan3A_38 = arith.addi %scan3A_31, %scan3A_37 : i32
      %mul3A_39 = arith.constant 16 : i32
      %mul3A_40 = arith.muli %scan3A_38, %mul3A_39 : i32
      %swap3A_41 = arith.index_cast %mul3A_40 : i32 to index
      %swap3A_42 = tpu.vector_load %arg6[%swap3A_41] {strides = array<i32>} : memref<32768xf32, #tpu.memory_space<vmem>>, vector<16xf32>,
      tpu.vector_store %arg6[%swap3A_41], %broadcast_in_dim3A_1 {strides = array<i32>} : memref<32768xf32, #tpu.memory_space<vmem>>, vector<16xf32>,
      %scan3A_43 = arith.constant 0 : i32
      %scan3A_44 = arith.constant 2 : i32
      %scan3A_45 = arith.addi %scan3A_31, %scan3A_44 : i32
      %mul3A_46 = arith.constant 16 : i32
      %mul3A_47 = arith.muli %scan3A_45, %mul3A_46 : i32
      %swap3A_48 = arith.index_cast %mul3A_47 : i32 to index
      %swap3A_49 = tpu.vector_load %arg6[%swap3A_48] {strides = array<i32>} : memref<32768xf32, #tpu.memory_space<vmem>>, vector<16xf32>,
      tpu.vector_store %arg6[%swap3A_48], %broadcast_in_dim3A_1 {strides = array<i32>} : memref<32768xf32, #tpu.memory_space<vmem>>, vector<16xf32>,
      %scan3A_50 = arith.constant 0 : i32
      %scan3A_51 = arith.constant 3 : i32
      %scan3A_52 = arith.addi %scan3A_31, %scan3A_51 : i32
      %mul3A_53 = arith.constant 16 : i32
      %mul3A_54 = arith.muli %scan3A_52, %mul3A_53 : i32
      %swap3A_55 = arith.index_cast %mul3A_54 : i32 to index
      %swap3A_56 = tpu.vector_load %arg6[%swap3A_55] {strides = array<i32>} : memref<32768xf32, #tpu.memory_space<vmem>>, vector<16xf32>,
      tpu.vector_store %arg6[%swap3A_55], %broadcast_in_dim3A_1 {strides = array<i32>} : memref<32768xf32, #tpu.memory_space<vmem>>, vector<16xf32>,
      %scan3A_57 = arith.constant 0 : i32
      scf.yield %scan3A_57 : i32
    }
    %scan3A_9 = arith.constant 2048 : i32
    %scan3A_10 = arith.constant 0 : i32
    %scan3A_11 = arith.constant 0 : i32
    %scan3A_12 = arith.constant 32 : i32
    %scan3A_13 = arith.addi %scan3A_11, %scan3A_12 : i32
    %scan3A_14 = arith.constant 4 : i32
    %scan3A_15 = scf.for %scan3A_31 = %scan3A_11 to %scan3A_13 step %scan3A_14 iter_args(%scan3A_32 = %scan3A_10) -> (i32)  : i32 {
      %mul3A_33 = arith.constant 16 : i32
      %mul3A_34 = arith.muli %scan3A_31, %mul3A_33 : i32
      %swap3A = arith.index_cast %mul3A_34 : i32 to index
      %swap3A_35 = tpu.vector_load %arg7[%swap3A] {strides = array<i32>} : memref<512xf32, #tpu.memory_space<vmem>>, vector<16xf32>,
      tpu.vector_store %arg7[%swap3A], %broadcast_in_dim3A_1 {strides = array<i32>} : memref<512xf32, #tpu.memory_space<vmem>>, vector<16xf32>,
      %scan3A_36 = arith.constant 0 : i32
      %scan3A_37 = arith.constant 1 : i32
      %scan3A_38 = arith.addi %scan3A_31, %scan3A_37 : i32
      %mul3A_39 = arith.constant 16 : i32
      %mul3A_40 = arith.muli %scan3A_38, %mul3A_39 : i32
      %swap3A_41 = arith.index_cast %mul3A_40 : i32 to index
      %swap3A_42 = tpu.vector_load %arg7[%swap3A_41] {strides = array<i32>} : memref<512xf32, #tpu.memory_space<vmem>>, vector<16xf32>,
      tpu.vector_store %arg7[%swap3A_41], %broadcast_in_dim3A_1 {strides = array<i32>} : memref<512xf32, #tpu.memory_space<vmem>>, vector<16xf32>,
      %scan3A_43 = arith.constant 0 : i32
      %scan3A_44 = arith.constant 2 : i32
      %scan3A_45 = arith.addi %scan3A_31, %scan3A_44 : i32
      %mul3A_46 = arith.constant 16 : i32
      %mul3A_47 = arith.muli %scan3A_45, %mul3A_46 : i32
      %swap3A_48 = arith.index_cast %mul3A_47 : i32 to index
      %swap3A_49 = tpu.vector_load %arg7[%swap3A_48] {strides = array<i32>} : memref<512xf32, #tpu.memory_space<vmem>>, vector<16xf32>,
      tpu.vector_store %arg7[%swap3A_48], %broadcast_in_dim3A_1 {strides = array<i32>} : memref<512xf32, #tpu.memory_space<vmem>>, vector<16xf32>,
      %scan3A_50 = arith.constant 0 : i32
      %scan3A_51 = arith.constant 3 : i32
      %scan3A_52 = arith.addi %scan3A_31, %scan3A_51 : i32
      %mul3A_53 = arith.constant 16 : i32
      %mul3A_54 = arith.muli %scan3A_52, %mul3A_53 : i32
      %swap3A_55 = arith.index_cast %mul3A_54 : i32 to index
      %swap3A_56 = tpu.vector_load %arg7[%swap3A_55] {strides = array<i32>} : memref<512xf32, #tpu.memory_space<vmem>>, vector<16xf32>,
      tpu.vector_store %arg7[%swap3A_55], %broadcast_in_dim3A_1 {strides = array<i32>} : memref<512xf32, #tpu.memory_space<vmem>>, vector<16xf32>,
      %scan3A_57 = arith.constant 0 : i32
      scf.yield %scan3A_57 : i32
    }
    %scan3A_16 = arith.constant 32 : i32
    %scan3A_17 = arith.constant 0 : i32
    %scan3A_18 = arith.constant 0 : i32
    %scan3A_19 = arith.constant 8 : i32
    %scan3A_20 = arith.addi %scan3A_18, %scan3A_19 : i32
    %scan3A_21 = arith.constant 1 : i32
    %scan3A_22 = scf.for %scan3A_31 = %scan3A_18 to %scan3A_20 step %scan3A_21 iter_args(%scan3A_32 = %scan3A_17) -> (i32)  : i32 {
      "tpu.region"() ({
        %run_scoped3A = tpu.sem_alloc : memref<!tpu.dma_semaphore, #tpu.memory_space<semaphore_mem>>
        %dma_start3A = arith.constant 0 : i32
        %dma_start3A_42 = tpu.memref_slice %arg2[%add3A, %scan3A_31, %dma_start3A] : memref<32x8x16384xf32, #tpu.memory_space<hbm>> -> memref<1x1x16384xf32, #tpu.memory_space<hbm>>
        %dma_start3A_43 = tpu.memref_squeeze %dma_start3A_42 : memref<1x1x16384xf32, #tpu.memory_space<hbm>> -> memref<16384xf32, #tpu.memory_space<hbm>>
        %dma_start3A_44 = arith.constant 0 : i32
        %dma_start3A_45 = tpu.memref_slice %arg2[%add3A, %scan3A_31, %dma_start3A_44] : memref<32x8x16384xf32, #tpu.memory_space<hbm>> -> memref<1x1x16384xf32, #tpu.memory_space<hbm>>
        %dma_start3A_46 = tpu.memref_squeeze %dma_start3A_45 : memref<1x1x16384xf32, #tpu.memory_space<hbm>> -> memref<16384xf32, #tpu.memory_space<hbm>>
        tpu.enqueue_dma source(%dma_start3A_46 : memref<16384xf32, #tpu.memory_space<hbm>>) target(%arg8 : memref<16384xf32, #tpu.memory_space<vmem>>) target_semaphore(%run_scoped3A : memref<!tpu.dma_semaphore, #tpu.memory_space<semaphore_mem>>)
        %dma_wait3A = arith.constant 0 : i32
        %dma_wait3A_47 = tpu.memref_slice %arg2[%add3A, %scan3A_31, %dma_wait3A] : memref<32x8x16384xf32, #tpu.memory_space<hbm>> -> memref<1x1x16384xf32, #tpu.memory_space<hbm>>
        %dma_wait3A_48 = tpu.memref_squeeze %dma_wait3A_47 : memref<1x1x16384xf32, #tpu.memory_space<hbm>> -> memref<16384xf32, #tpu.memory_space<hbm>>
        %dma_wait3A_49 = arith.constant 0 : i32
        %dma_wait3A_50 = tpu.memref_slice %arg2[%add3A, %scan3A_31, %dma_wait3A_49] : memref<32x8x16384xf32, #tpu.memory_space<hbm>> -> memref<1x1x16384xf32, #tpu.memory_space<hbm>>
        %dma_wait3A_51 = tpu.memref_squeeze %dma_wait3A_50 : memref<1x1x16384xf32, #tpu.memory_space<hbm>> -> memref<16384xf32, #tpu.memory_space<hbm>>
        tpu.wait_dma2 semaphore(%run_scoped3A : memref<!tpu.dma_semaphore, #tpu.memory_space<semaphore_mem>>) src(%dma_wait3A_51 : memref<16384xf32, #tpu.memory_space<hbm>>) dst(%arg8 : memref<16384xf32, #tpu.memory_space<vmem>>)
        tpu.yield
      }) : () -> ()
      %mul3A_33 = arith.constant 256 : i32
      %mul3A_34 = arith.muli %scan3A_31, %mul3A_33 : i32
      "tpu.region"() ({
        %run_scoped3A = tpu.sem_alloc : memref<!tpu.dma_semaphore, #tpu.memory_space<semaphore_mem>>
        %dma_start3A = arith.constant 0 : i32
        %dma_start3A_42 = tpu.memref_slice %arg3[%add3A, %dma_start3A, %mul3A_34] : memref<32x32x2048xi32, #tpu.memory_space<hbm>> -> memref<1x32x256xi32, #tpu.memory_space<hbm>>
        %dma_start3A_43 = tpu.memref_squeeze %dma_start3A_42 : memref<1x32x256xi32, #tpu.memory_space<hbm>> -> memref<32x256xi32, #tpu.memory_space<hbm>>
        %dma_start3A_44 = arith.constant 0 : i32
        %dma_start3A_45 = tpu.memref_slice %arg3[%add3A, %dma_start3A_44, %mul3A_34] : memref<32x32x2048xi32, #tpu.memory_space<hbm>> -> memref<1x32x256xi32, #tpu.memory_space<hbm>>
        %dma_start3A_46 = tpu.memref_squeeze %dma_start3A_45 : memref<1x32x256xi32, #tpu.memory_space<hbm>> -> memref<32x256xi32, #tpu.memory_space<hbm>>
        tpu.enqueue_dma source(%dma_start3A_46 : memref<32x256xi32, #tpu.memory_space<hbm>>) target(%arg9 : memref<32x256xi32, #tpu.memory_space<vmem>>) target_semaphore(%run_scoped3A : memref<!tpu.dma_semaphore, #tpu.memory_space<semaphore_mem>>)
        %dma_wait3A = arith.constant 0 : i32
        %dma_wait3A_47 = tpu.memref_slice %arg3[%add3A, %dma_wait3A, %mul3A_34] : memref<32x32x2048xi32, #tpu.memory_space<hbm>> -> memref<1x32x256xi32, #tpu.memory_space<hbm>>
        %dma_wait3A_48 = tpu.memref_squeeze %dma_wait3A_47 : memref<1x32x256xi32, #tpu.memory_space<hbm>> -> memref<32x256xi32, #tpu.memory_space<hbm>>
        %dma_wait3A_49 = arith.constant 0 : i32
        %dma_wait3A_50 = tpu.memref_slice %arg3[%add3A, %dma_wait3A_49, %mul3A_34] : memref<32x32x2048xi32, #tpu.memory_space<hbm>> -> memref<1x32x256xi32, #tpu.memory_space<hbm>>
        %dma_wait3A_51 = tpu.memref_squeeze %dma_wait3A_50 : memref<1x32x256xi32, #tpu.memory_space<hbm>> -> memref<32x256xi32, #tpu.memory_space<hbm>>
        tpu.wait_dma2 semaphore(%run_scoped3A : memref<!tpu.dma_semaphore, #tpu.memory_space<semaphore_mem>>) src(%dma_wait3A_51 : memref<32x256xi32, #tpu.memory_space<hbm>>) dst(%arg9 : memref<32x256xi32, #tpu.memory_space<vmem>>)
        tpu.yield
      }) : () -> ()
      %scan3A_35 = arith.constant 0 : i32
      %scan3A_36 = arith.constant 0 : i32
      %scan3A_37 = arith.constant 16 : i32
      %scan3A_38 = arith.addi %scan3A_36, %scan3A_37 : i32
      %scan3A_39 = arith.constant 1 : i32
      %scan3A_40 = scf.for %scan3A_42 = %scan3A_36 to %scan3A_38 step %scan3A_39 iter_args(%scan3A_43 = %scan3A_35) -> (i32)  : i32 {
        %mul3A_44 = arith.constant 16 : i32
        %mul3A_45 = arith.muli %scan3A_42, %mul3A_44 : i32
        %scan3A_46 = arith.constant 0 : i32
        %scan3A_47 = arith.constant 0 : i32
        %scan3A_48 = arith.constant 32 : i32
        %scan3A_49 = arith.addi %scan3A_47, %scan3A_48 : i32
        %scan3A_50 = arith.constant 1 : i32
        %scan3A_51 = scf.for %scan3A_53 = %scan3A_47 to %scan3A_49 step %scan3A_50 iter_args(%scan3A_54 = %scan3A_46) -> (i32)  : i32 {
          %get3A = arith.index_cast %scan3A_53 : i32 to index
          %get3A_55 = arith.index_cast %mul3A_45 : i32 to index
          %get3A_56 = tpu.vector_load %arg9[%get3A, %get3A_55] {strides = array<i32>} : memref<32x256xi32, #tpu.memory_space<vmem>>, vector<16xi32>,
          tpu.vector_store_idx %arg7[%get3A_56], %broadcast_in_dim3A_3 {add = true} : memref<512xf32, #tpu.memory_space<vmem>>[vector<16xi32>], vector<16xf32>,
          %mul3A_57 = arith.constant 64 : i32
          %mul3A_58 = vector.broadcast %mul3A_57 : i32 to vector<16xi32>
          %mul3A_59 = arith.muli %get3A_56, %mul3A_58 : vector<16xi32>
          %slice3A = vector.extract_strided_slice %mul3A_59 {offsets = [0], sizes = [1], strides = [1]} : vector<16xi32> to vector<1xi32>
          %squeeze3A = vector.extract %slice3A[0] : i32 from vector<1xi32>
          %add3A_60 = arith.constant 0 : i32
          %add3A_61 = arith.addi %mul3A_45, %add3A_60 : i32
          %mul3A_62 = arith.constant 64 : i32
          %mul3A_63 = arith.muli %add3A_61, %mul3A_62 : i32
          %add3A_64 = arith.constant 0 : i32
          %add3A_65 = arith.addi %mul3A_63, %add3A_64 : i32
          %get3A_66 = arith.index_cast %add3A_65 : i32 to index
          %get3A_67 = tpu.vector_load %arg8[%get3A_66] {strides = array<i32>} : memref<16384xf32, #tpu.memory_space<vmem>>, vector<16xf32>,
          %add3A_68 = arith.constant 0 : i32
          %add3A_69 = arith.addi %squeeze3A, %add3A_68 : i32
          %swap3A = arith.index_cast %add3A_69 : i32 to index
          %swap3A_70 = tpu.vector_load %arg6[%swap3A] {strides = array<i32>} : memref<32768xf32, #tpu.memory_space<vmem>>, vector<16xf32>,
          tpu.vector_store %arg6[%swap3A], %get3A_67 {add = true, strides = array<i32>} : memref<32768xf32, #tpu.memory_space<vmem>>, vector<16xf32>,
          %add3A_71 = arith.constant 16 : i32
          %add3A_72 = arith.addi %mul3A_63, %add3A_71 : i32
          %get3A_73 = arith.index_cast %add3A_72 : i32 to index
          %get3A_74 = tpu.vector_load %arg8[%get3A_73] {strides = array<i32>} : memref<16384xf32, #tpu.memory_space<vmem>>, vector<16xf32>,
          %add3A_75 = arith.constant 16 : i32
          %add3A_76 = arith.addi %squeeze3A, %add3A_75 : i32
          %swap3A_77 = arith.index_cast %add3A_76 : i32 to index
          %swap3A_78 = tpu.vector_load %arg6[%swap3A_77] {strides = array<i32>} : memref<32768xf32, #tpu.memory_space<vmem>>, vector<16xf32>,
          tpu.vector_store %arg6[%swap3A_77], %get3A_74 {add = true, strides = array<i32>} : memref<32768xf32, #tpu.memory_space<vmem>>, vector<16xf32>,
          %add3A_79 = arith.constant 32 : i32
          %add3A_80 = arith.addi %mul3A_63, %add3A_79 : i32
          %get3A_81 = arith.index_cast %add3A_80 : i32 to index
          %get3A_82 = tpu.vector_load %arg8[%get3A_81] {strides = array<i32>} : memref<16384xf32, #tpu.memory_space<vmem>>, vector<16xf32>,
          %add3A_83 = arith.constant 32 : i32
          %add3A_84 = arith.addi %squeeze3A, %add3A_83 : i32
          %swap3A_85 = arith.index_cast %add3A_84 : i32 to index
          %swap3A_86 = tpu.vector_load %arg6[%swap3A_85] {strides = array<i32>} : memref<32768xf32, #tpu.memory_space<vmem>>, vector<16xf32>,
          tpu.vector_store %arg6[%swap3A_85], %get3A_82 {add = true, strides = array<i32>} : memref<32768xf32, #tpu.memory_space<vmem>>, vector<16xf32>,
          %add3A_87 = arith.constant 48 : i32
          %add3A_88 = arith.addi %mul3A_63, %add3A_87 : i32
          %get3A_89 = arith.index_cast %add3A_88 : i32 to index
          %get3A_90 = tpu.vector_load %arg8[%get3A_89] {strides = array<i32>} : memref<16384xf32, #tpu.memory_space<vmem>>, vector<16xf32>,
          %add3A_91 = arith.constant 48 : i32
          %add3A_92 = arith.addi %squeeze3A, %add3A_91 : i32
          %swap3A_93 = arith.index_cast %add3A_92 : i32 to index
          %swap3A_94 = tpu.vector_load %arg6[%swap3A_93] {strides = array<i32>} : memref<32768xf32, #tpu.memory_space<vmem>>, vector<16xf32>,
          tpu.vector_store %arg6[%swap3A_93], %get3A_90 {add = true, strides = array<i32>} : memref<32768xf32, #tpu.memory_space<vmem>>, vector<16xf32>,
          %slice3A_95 = vector.extract_strided_slice %mul3A_59 {offsets = [1], sizes = [1], strides = [1]} : vector<16xi32> to vector<1xi32>
          %squeeze3A_96 = vector.extract %slice3A_95[0] : i32 from vector<1xi32>
          %add3A_97 = arith.constant 1 : i32
          %add3A_98 = arith.addi %mul3A_45, %add3A_97 : i32
          %mul3A_99 = arith.constant 64 : i32
          %mul3A_100 = arith.muli %add3A_98, %mul3A_99 : i32
          %add3A_101 = arith.constant 0 : i32
          %add3A_102 = arith.addi %mul3A_100, %add3A_101 : i32
          %get3A_103 = arith.index_cast %add3A_102 : i32 to index
          %get3A_104 = tpu.vector_load %arg8[%get3A_103] {strides = array<i32>} : memref<16384xf32, #tpu.memory_space<vmem>>, vector<16xf32>,
          %add3A_105 = arith.constant 0 : i32
          %add3A_106 = arith.addi %squeeze3A_96, %add3A_105 : i32
          %swap3A_107 = arith.index_cast %add3A_106 : i32 to index
          %swap3A_108 = tpu.vector_load %arg6[%swap3A_107] {strides = array<i32>} : memref<32768xf32, #tpu.memory_space<vmem>>, vector<16xf32>,
          tpu.vector_store %arg6[%swap3A_107], %get3A_104 {add = true, strides = array<i32>} : memref<32768xf32, #tpu.memory_space<vmem>>, vector<16xf32>,
          %add3A_109 = arith.constant 16 : i32
          %add3A_110 = arith.addi %mul3A_100, %add3A_109 : i32
          %get3A_111 = arith.index_cast %add3A_110 : i32 to index
          %get3A_112 = tpu.vector_load %arg8[%get3A_111] {strides = array<i32>} : memref<16384xf32, #tpu.memory_space<vmem>>, vector<16xf32>,
          %add3A_113 = arith.constant 16 : i32
          %add3A_114 = arith.addi %squeeze3A_96, %add3A_113 : i32
          %swap3A_115 = arith.index_cast %add3A_114 : i32 to index
          %swap3A_116 = tpu.vector_load %arg6[%swap3A_115] {strides = array<i32>} : memref<32768xf32, #tpu.memory_space<vmem>>, vector<16xf32>,
          tpu.vector_store %arg6[%swap3A_115], %get3A_112 {add = true, strides = array<i32>} : memref<32768xf32, #tpu.memory_space<vmem>>, vector<16xf32>,
          %add3A_117 = arith.constant 32 : i32
          %add3A_118 = arith.addi %mul3A_100, %add3A_117 : i32
          %get3A_119 = arith.index_cast %add3A_118 : i32 to index
          %get3A_120 = tpu.vector_load %arg8[%get3A_119] {strides = array<i32>} : memref<16384xf32, #tpu.memory_space<vmem>>, vector<16xf32>,
          %add3A_121 = arith.constant 32 : i32
          %add3A_122 = arith.addi %squeeze3A_96, %add3A_121 : i32
          %swap3A_123 = arith.index_cast %add3A_122 : i32 to index
          %swap3A_124 = tpu.vector_load %arg6[%swap3A_123] {strides = array<i32>} : memref<32768xf32, #tpu.memory_space<vmem>>, vector<16xf32>,
          tpu.vector_store %arg6[%swap3A_123], %get3A_120 {add = true, strides = array<i32>} : memref<32768xf32, #tpu.memory_space<vmem>>, vector<16xf32>,
          %add3A_125 = arith.constant 48 : i32
          %add3A_126 = arith.addi %mul3A_100, %add3A_125 : i32
          %get3A_127 = arith.index_cast %add3A_126 : i32 to index
          %get3A_128 = tpu.vector_load %arg8[%get3A_127] {strides = array<i32>} : memref<16384xf32, #tpu.memory_space<vmem>>, vector<16xf32>,
          %add3A_129 = arith.constant 48 : i32
          %add3A_130 = arith.addi %squeeze3A_96, %add3A_129 : i32
          %swap3A_131 = arith.index_cast %add3A_130 : i32 to index
          %swap3A_132 = tpu.vector_load %arg6[%swap3A_131] {strides = array<i32>} : memref<32768xf32, #tpu.memory_space<vmem>>, vector<16xf32>,
          tpu.vector_store %arg6[%swap3A_131], %get3A_128 {add = true, strides = array<i32>} : memref<32768xf32, #tpu.memory_space<vmem>>, vector<16xf32>,
          %slice3A_133 = vector.extract_strided_slice %mul3A_59 {offsets = [2], sizes = [1], strides = [1]} : vector<16xi32> to vector<1xi32>
          %squeeze3A_134 = vector.extract %slice3A_133[0] : i32 from vector<1xi32>
          %add3A_135 = arith.constant 2 : i32
          %add3A_136 = arith.addi %mul3A_45, %add3A_135 : i32
          %mul3A_137 = arith.constant 64 : i32
          %mul3A_138 = arith.muli %add3A_136, %mul3A_137 : i32
          %add3A_139 = arith.constant 0 : i32
          %add3A_140 = arith.addi %mul3A_138, %add3A_139 : i32
          %get3A_141 = arith.index_cast %add3A_140 : i32 to index
          %get3A_142 = tpu.vector_load %arg8[%get3A_141] {strides = array<i32>} : memref<16384xf32, #tpu.memory_space<vmem>>, vector<16xf32>,
          %add3A_143 = arith.constant 0 : i32
          %add3A_144 = arith.addi %squeeze3A_134, %add3A_143 : i32
          %swap3A_145 = arith.index_cast %add3A_144 : i32 to index
          %swap3A_146 = tpu.vector_load %arg6[%swap3A_145] {strides = array<i32>} : memref<32768xf32, #tpu.memory_space<vmem>>, vector<16xf32>,
          tpu.vector_store %arg6[%swap3A_145], %get3A_142 {add = true, strides = array<i32>} : memref<32768xf32, #tpu.memory_space<vmem>>, vector<16xf32>,
          %add3A_147 = arith.constant 16 : i32
          %add3A_148 = arith.addi %mul3A_138, %add3A_147 : i32
          %get3A_149 = arith.index_cast %add3A_148 : i32 to index
          %get3A_150 = tpu.vector_load %arg8[%get3A_149] {strides = array<i32>} : memref<16384xf32, #tpu.memory_space<vmem>>, vector<16xf32>,
          %add3A_151 = arith.constant 16 : i32
          %add3A_152 = arith.addi %squeeze3A_134, %add3A_151 : i32
          %swap3A_153 = arith.index_cast %add3A_152 : i32 to index
          %swap3A_154 = tpu.vector_load %arg6[%swap3A_153] {strides = array<i32>} : memref<32768xf32, #tpu.memory_space<vmem>>, vector<16xf32>,
          tpu.vector_store %arg6[%swap3A_153], %get3A_150 {add = true, strides = array<i32>} : memref<32768xf32, #tpu.memory_space<vmem>>, vector<16xf32>,
          %add3A_155 = arith.constant 32 : i32
          %add3A_156 = arith.addi %mul3A_138, %add3A_155 : i32
          %get3A_157 = arith.index_cast %add3A_156 : i32 to index
          %get3A_158 = tpu.vector_load %arg8[%get3A_157] {strides = array<i32>} : memref<16384xf32, #tpu.memory_space<vmem>>, vector<16xf32>,
          %add3A_159 = arith.constant 32 : i32
          %add3A_160 = arith.addi %squeeze3A_134, %add3A_159 : i32
          %swap3A_161 = arith.index_cast %add3A_160 : i32 to index
          %swap3A_162 = tpu.vector_load %arg6[%swap3A_161] {strides = array<i32>} : memref<32768xf32, #tpu.memory_space<vmem>>, vector<16xf32>,
          tpu.vector_store %arg6[%swap3A_161], %get3A_158 {add = true, strides = array<i32>} : memref<32768xf32, #tpu.memory_space<vmem>>, vector<16xf32>,
          %add3A_163 = arith.constant 48 : i32
          %add3A_164 = arith.addi %mul3A_138, %add3A_163 : i32
          %get3A_165 = arith.index_cast %add3A_164 : i32 to index
          %get3A_166 = tpu.vector_load %arg8[%get3A_165] {strides = array<i32>} : memref<16384xf32, #tpu.memory_space<vmem>>, vector<16xf32>,
          %add3A_167 = arith.constant 48 : i32
          %add3A_168 = arith.addi %squeeze3A_134, %add3A_167 : i32
          %swap3A_169 = arith.index_cast %add3A_168 : i32 to index
          %swap3A_170 = tpu.vector_load %arg6[%swap3A_169] {strides = array<i32>} : memref<32768xf32, #tpu.memory_space<vmem>>, vector<16xf32>,
          tpu.vector_store %arg6[%swap3A_169], %get3A_166 {add = true, strides = array<i32>} : memref<32768xf32, #tpu.memory_space<vmem>>, vector<16xf32>,
          %slice3A_171 = vector.extract_strided_slice %mul3A_59 {offsets = [3], sizes = [1], strides = [1]} : vector<16xi32> to vector<1xi32>
          %squeeze3A_172 = vector.extract %slice3A_171[0] : i32 from vector<1xi32>
          %add3A_173 = arith.constant 3 : i32
          %add3A_174 = arith.addi %mul3A_45, %add3A_173 : i32
          %mul3A_175 = arith.constant 64 : i32
          %mul3A_176 = arith.muli %add3A_174, %mul3A_175 : i32
          %add3A_177 = arith.constant 0 : i32
          %add3A_178 = arith.addi %mul3A_176, %add3A_177 : i32
          %get3A_179 = arith.index_cast %add3A_178 : i32 to index
          %get3A_180 = tpu.vector_load %arg8[%get3A_179] {strides = array<i32>} : memref<16384xf32, #tpu.memory_space<vmem>>, vector<16xf32>,
          %add3A_181 = arith.constant 0 : i32
          %add3A_182 = arith.addi %squeeze3A_172, %add3A_181 : i32
          %swap3A_183 = arith.index_cast %add3A_182 : i32 to index
          %swap3A_184 = tpu.vector_load %arg6[%swap3A_183] {strides = array<i32>} : memref<32768xf32, #tpu.memory_space<vmem>>, vector<16xf32>,
          tpu.vector_store %arg6[%swap3A_183], %get3A_180 {add = true, strides = array<i32>} : memref<32768xf32, #tpu.memory_space<vmem>>, vector<16xf32>,
          %add3A_185 = arith.constant 16 : i32
          %add3A_186 = arith.addi %mul3A_176, %add3A_185 : i32
          %get3A_187 = arith.index_cast %add3A_186 : i32 to index
          %get3A_188 = tpu.vector_load %arg8[%get3A_187] {strides = array<i32>} : memref<16384xf32, #tpu.memory_space<vmem>>, vector<16xf32>,
          %add3A_189 = arith.constant 16 : i32
          %add3A_190 = arith.addi %squeeze3A_172, %add3A_189 : i32
          %swap3A_191 = arith.index_cast %add3A_190 : i32 to index
          %swap3A_192 = tpu.vector_load %arg6[%swap3A_191] {strides = array<i32>} : memref<32768xf32, #tpu.memory_space<vmem>>, vector<16xf32>,
          tpu.vector_store %arg6[%swap3A_191], %get3A_188 {add = true, strides = array<i32>} : memref<32768xf32, #tpu.memory_space<vmem>>, vector<16xf32>,
          %add3A_193 = arith.constant 32 : i32
          %add3A_194 = arith.addi %mul3A_176, %add3A_193 : i32
          %get3A_195 = arith.index_cast %add3A_194 : i32 to index
          %get3A_196 = tpu.vector_load %arg8[%get3A_195] {strides = array<i32>} : memref<16384xf32, #tpu.memory_space<vmem>>, vector<16xf32>,
          %add3A_197 = arith.constant 32 : i32
          %add3A_198 = arith.addi %squeeze3A_172, %add3A_197 : i32
          %swap3A_199 = arith.index_cast %add3A_198 : i32 to index
          %swap3A_200 = tpu.vector_load %arg6[%swap3A_199] {strides = array<i32>} : memref<32768xf32, #tpu.memory_space<vmem>>, vector<16xf32>,
          tpu.vector_store %arg6[%swap3A_199], %get3A_196 {add = true, strides = array<i32>} : memref<32768xf32, #tpu.memory_space<vmem>>, vector<16xf32>,
          %add3A_201 = arith.constant 48 : i32
          %add3A_202 = arith.addi %mul3A_176, %add3A_201 : i32
          %get3A_203 = arith.index_cast %add3A_202 : i32 to index
          %get3A_204 = tpu.vector_load %arg8[%get3A_203] {strides = array<i32>} : memref<16384xf32, #tpu.memory_space<vmem>>, vector<16xf32>,
          %add3A_205 = arith.constant 48 : i32
          %add3A_206 = arith.addi %squeeze3A_172, %add3A_205 : i32
          %swap3A_207 = arith.index_cast %add3A_206 : i32 to index
          %swap3A_208 = tpu.vector_load %arg6[%swap3A_207] {strides = array<i32>} : memref<32768xf32, #tpu.memory_space<vmem>>, vector<16xf32>,
          tpu.vector_store %arg6[%swap3A_207], %get3A_204 {add = true, strides = array<i32>} : memref<32768xf32, #tpu.memory_space<vmem>>, vector<16xf32>,
          %slice3A_209 = vector.extract_strided_slice %mul3A_59 {offsets = [4], sizes = [1], strides = [1]} : vector<16xi32> to vector<1xi32>
          %squeeze3A_210 = vector.extract %slice3A_209[0] : i32 from vector<1xi32>
          %add3A_211 = arith.constant 4 : i32
          %add3A_212 = arith.addi %mul3A_45, %add3A_211 : i32
          %mul3A_213 = arith.constant 64 : i32
          %mul3A_214 = arith.muli %add3A_212, %mul3A_213 : i32
          %add3A_215 = arith.constant 0 : i32
          %add3A_216 = arith.addi %mul3A_214, %add3A_215 : i32
          %get3A_217 = arith.index_cast %add3A_216 : i32 to index
          %get3A_218 = tpu.vector_load %arg8[%get3A_217] {strides = array<i32>} : memref<16384xf32, #tpu.memory_space<vmem>>, vector<16xf32>,
          %add3A_219 = arith.constant 0 : i32
          %add3A_220 = arith.addi %squeeze3A_210, %add3A_219 : i32
          %swap3A_221 = arith.index_cast %add3A_220 : i32 to index
          %swap3A_222 = tpu.vector_load %arg6[%swap3A_221] {strides = array<i32>} : memref<32768xf32, #tpu.memory_space<vmem>>, vector<16xf32>,
          tpu.vector_store %arg6[%swap3A_221], %get3A_218 {add = true, strides = array<i32>} : memref<32768xf32, #tpu.memory_space<vmem>>, vector<16xf32>,
          %add3A_223 = arith.constant 16 : i32
          %add3A_224 = arith.addi %mul3A_214, %add3A_223 : i32
          %get3A_225 = arith.index_cast %add3A_224 : i32 to index
          %get3A_226 = tpu.vector_load %arg8[%get3A_225] {strides = array<i32>} : memref<16384xf32, #tpu.memory_space<vmem>>, vector<16xf32>,
          %add3A_227 = arith.constant 16 : i32
          %add3A_228 = arith.addi %squeeze3A_210, %add3A_227 : i32
          %swap3A_229 = arith.index_cast %add3A_228 : i32 to index
          %swap3A_230 = tpu.vector_load %arg6[%swap3A_229] {strides = array<i32>} : memref<32768xf32, #tpu.memory_space<vmem>>, vector<16xf32>,
          tpu.vector_store %arg6[%swap3A_229], %get3A_226 {add = true, strides = array<i32>} : memref<32768xf32, #tpu.memory_space<vmem>>, vector<16xf32>,
          %add3A_231 = arith.constant 32 : i32
          %add3A_232 = arith.addi %mul3A_214, %add3A_231 : i32
          %get3A_233 = arith.index_cast %add3A_232 : i32 to index
          %get3A_234 = tpu.vector_load %arg8[%get3A_233] {strides = array<i32>} : memref<16384xf32, #tpu.memory_space<vmem>>, vector<16xf32>,
          %add3A_235 = arith.constant 32 : i32
          %add3A_236 = arith.addi %squeeze3A_210, %add3A_235 : i32
          %swap3A_237 = arith.index_cast %add3A_236 : i32 to index
          %swap3A_238 = tpu.vector_load %arg6[%swap3A_237] {strides = array<i32>} : memref<32768xf32, #tpu.memory_space<vmem>>, vector<16xf32>,
          tpu.vector_store %arg6[%swap3A_237], %get3A_234 {add = true, strides = array<i32>} : memref<32768xf32, #tpu.memory_space<vmem>>, vector<16xf32>,
          %add3A_239 = arith.constant 48 : i32
          %add3A_240 = arith.addi %mul3A_214, %add3A_239 : i32
          %get3A_241 = arith.index_cast %add3A_240 : i32 to index
          %get3A_242 = tpu.vector_load %arg8[%get3A_241] {strides = array<i32>} : memref<16384xf32, #tpu.memory_space<vmem>>, vector<16xf32>,
          %add3A_243 = arith.constant 48 : i32
          %add3A_244 = arith.addi %squeeze3A_210, %add3A_243 : i32
          %swap3A_245 = arith.index_cast %add3A_244 : i32 to index
          %swap3A_246 = tpu.vector_load %arg6[%swap3A_245] {strides = array<i32>} : memref<32768xf32, #tpu.memory_space<vmem>>, vector<16xf32>,
          tpu.vector_store %arg6[%swap3A_245], %get3A_242 {add = true, strides = array<i32>} : memref<32768xf32, #tpu.memory_space<vmem>>, vector<16xf32>,
          %slice3A_247 = vector.extract_strided_slice %mul3A_59 {offsets = [5], sizes = [1], strides = [1]} : vector<16xi32> to vector<1xi32>
          %squeeze3A_248 = vector.extract %slice3A_247[0] : i32 from vector<1xi32>
          %add3A_249 = arith.constant 5 : i32
          %add3A_250 = arith.addi %mul3A_45, %add3A_249 : i32
          %mul3A_251 = arith.constant 64 : i32
          %mul3A_252 = arith.muli %add3A_250, %mul3A_251 : i32
          %add3A_253 = arith.constant 0 : i32
          %add3A_254 = arith.addi %mul3A_252, %add3A_253 : i32
          %get3A_255 = arith.index_cast %add3A_254 : i32 to index
          %get3A_256 = tpu.vector_load %arg8[%get3A_255] {strides = array<i32>} : memref<16384xf32, #tpu.memory_space<vmem>>, vector<16xf32>,
          %add3A_257 = arith.constant 0 : i32
          %add3A_258 = arith.addi %squeeze3A_248, %add3A_257 : i32
          %swap3A_259 = arith.index_cast %add3A_258 : i32 to index
          %swap3A_260 = tpu.vector_load %arg6[%swap3A_259] {strides = array<i32>} : memref<32768xf32, #tpu.memory_space<vmem>>, vector<16xf32>,
          tpu.vector_store %arg6[%swap3A_259], %get3A_256 {add = true, strides = array<i32>} : memref<32768xf32, #tpu.memory_space<vmem>>, vector<16xf32>,
          %add3A_261 = arith.constant 16 : i32
          %add3A_262 = arith.addi %mul3A_252, %add3A_261 : i32
          %get3A_263 = arith.index_cast %add3A_262 : i32 to index
          %get3A_264 = tpu.vector_load %arg8[%get3A_263] {strides = array<i32>} : memref<16384xf32, #tpu.memory_space<vmem>>, vector<16xf32>,
          %add3A_265 = arith.constant 16 : i32
          %add3A_266 = arith.addi %squeeze3A_248, %add3A_265 : i32
          %swap3A_267 = arith.index_cast %add3A_266 : i32 to index
          %swap3A_268 = tpu.vector_load %arg6[%swap3A_267] {strides = array<i32>} : memref<32768xf32, #tpu.memory_space<vmem>>, vector<16xf32>,
          tpu.vector_store %arg6[%swap3A_267], %get3A_264 {add = true, strides = array<i32>} : memref<32768xf32, #tpu.memory_space<vmem>>, vector<16xf32>,
          %add3A_269 = arith.constant 32 : i32
          %add3A_270 = arith.addi %mul3A_252, %add3A_269 : i32
          %get3A_271 = arith.index_cast %add3A_270 : i32 to index
          %get3A_272 = tpu.vector_load %arg8[%get3A_271] {strides = array<i32>} : memref<16384xf32, #tpu.memory_space<vmem>>, vector<16xf32>,
          %add3A_273 = arith.constant 32 : i32
          %add3A_274 = arith.addi %squeeze3A_248, %add3A_273 : i32
          %swap3A_275 = arith.index_cast %add3A_274 : i32 to index
          %swap3A_276 = tpu.vector_load %arg6[%swap3A_275] {strides = array<i32>} : memref<32768xf32, #tpu.memory_space<vmem>>, vector<16xf32>,
          tpu.vector_store %arg6[%swap3A_275], %get3A_272 {add = true, strides = array<i32>} : memref<32768xf32, #tpu.memory_space<vmem>>, vector<16xf32>,
          %add3A_277 = arith.constant 48 : i32
          %add3A_278 = arith.addi %mul3A_252, %add3A_277 : i32
          %get3A_279 = arith.index_cast %add3A_278 : i32 to index
          %get3A_280 = tpu.vector_load %arg8[%get3A_279] {strides = array<i32>} : memref<16384xf32, #tpu.memory_space<vmem>>, vector<16xf32>,
          %add3A_281 = arith.constant 48 : i32
          %add3A_282 = arith.addi %squeeze3A_248, %add3A_281 : i32
          %swap3A_283 = arith.index_cast %add3A_282 : i32 to index
          %swap3A_284 = tpu.vector_load %arg6[%swap3A_283] {strides = array<i32>} : memref<32768xf32, #tpu.memory_space<vmem>>, vector<16xf32>,
          tpu.vector_store %arg6[%swap3A_283], %get3A_280 {add = true, strides = array<i32>} : memref<32768xf32, #tpu.memory_space<vmem>>, vector<16xf32>,
          %slice3A_285 = vector.extract_strided_slice %mul3A_59 {offsets = [6], sizes = [1], strides = [1]} : vector<16xi32> to vector<1xi32>
          %squeeze3A_286 = vector.extract %slice3A_285[0] : i32 from vector<1xi32>
          %add3A_287 = arith.constant 6 : i32
          %add3A_288 = arith.addi %mul3A_45, %add3A_287 : i32
          %mul3A_289 = arith.constant 64 : i32
          %mul3A_290 = arith.muli %add3A_288, %mul3A_289 : i32
          %add3A_291 = arith.constant 0 : i32
          %add3A_292 = arith.addi %mul3A_290, %add3A_291 : i32
          %get3A_293 = arith.index_cast %add3A_292 : i32 to index
          %get3A_294 = tpu.vector_load %arg8[%get3A_293] {strides = array<i32>} : memref<16384xf32, #tpu.memory_space<vmem>>, vector<16xf32>,
          %add3A_295 = arith.constant 0 : i32
          %add3A_296 = arith.addi %squeeze3A_286, %add3A_295 : i32
          %swap3A_297 = arith.index_cast %add3A_296 : i32 to index
          %swap3A_298 = tpu.vector_load %arg6[%swap3A_297] {strides = array<i32>} : memref<32768xf32, #tpu.memory_space<vmem>>, vector<16xf32>,
          tpu.vector_store %arg6[%swap3A_297], %get3A_294 {add = true, strides = array<i32>} : memref<32768xf32, #tpu.memory_space<vmem>>, vector<16xf32>,
          %add3A_299 = arith.constant 16 : i32
          %add3A_300 = arith.addi %mul3A_290, %add3A_299 : i32
          %get3A_301 = arith.index_cast %add3A_300 : i32 to index
          %get3A_302 = tpu.vector_load %arg8[%get3A_301] {strides = array<i32>} : memref<16384xf32, #tpu.memory_space<vmem>>, vector<16xf32>,
          %add3A_303 = arith.constant 16 : i32
          %add3A_304 = arith.addi %squeeze3A_286, %add3A_303 : i32
          %swap3A_305 = arith.index_cast %add3A_304 : i32 to index
          %swap3A_306 = tpu.vector_load %arg6[%swap3A_305] {strides = array<i32>} : memref<32768xf32, #tpu.memory_space<vmem>>, vector<16xf32>,
          tpu.vector_store %arg6[%swap3A_305], %get3A_302 {add = true, strides = array<i32>} : memref<32768xf32, #tpu.memory_space<vmem>>, vector<16xf32>,
          %add3A_307 = arith.constant 32 : i32
          %add3A_308 = arith.addi %mul3A_290, %add3A_307 : i32
          %get3A_309 = arith.index_cast %add3A_308 : i32 to index
          %get3A_310 = tpu.vector_load %arg8[%get3A_309] {strides = array<i32>} : memref<16384xf32, #tpu.memory_space<vmem>>, vector<16xf32>,
          %add3A_311 = arith.constant 32 : i32
          %add3A_312 = arith.addi %squeeze3A_286, %add3A_311 : i32
          %swap3A_313 = arith.index_cast %add3A_312 : i32 to index
          %swap3A_314 = tpu.vector_load %arg6[%swap3A_313] {strides = array<i32>} : memref<32768xf32, #tpu.memory_space<vmem>>, vector<16xf32>,
          tpu.vector_store %arg6[%swap3A_313], %get3A_310 {add = true, strides = array<i32>} : memref<32768xf32, #tpu.memory_space<vmem>>, vector<16xf32>,
          %add3A_315 = arith.constant 48 : i32
          %add3A_316 = arith.addi %mul3A_290, %add3A_315 : i32
          %get3A_317 = arith.index_cast %add3A_316 : i32 to index
          %get3A_318 = tpu.vector_load %arg8[%get3A_317] {strides = array<i32>} : memref<16384xf32, #tpu.memory_space<vmem>>, vector<16xf32>,
          %add3A_319 = arith.constant 48 : i32
          %add3A_320 = arith.addi %squeeze3A_286, %add3A_319 : i32
          %swap3A_321 = arith.index_cast %add3A_320 : i32 to index
          %swap3A_322 = tpu.vector_load %arg6[%swap3A_321] {strides = array<i32>} : memref<32768xf32, #tpu.memory_space<vmem>>, vector<16xf32>,
          tpu.vector_store %arg6[%swap3A_321], %get3A_318 {add = true, strides = array<i32>} : memref<32768xf32, #tpu.memory_space<vmem>>, vector<16xf32>,
          %slice3A_323 = vector.extract_strided_slice %mul3A_59 {offsets = [7], sizes = [1], strides = [1]} : vector<16xi32> to vector<1xi32>
          %squeeze3A_324 = vector.extract %slice3A_323[0] : i32 from vector<1xi32>
          %add3A_325 = arith.constant 7 : i32
          %add3A_326 = arith.addi %mul3A_45, %add3A_325 : i32
          %mul3A_327 = arith.constant 64 : i32
          %mul3A_328 = arith.muli %add3A_326, %mul3A_327 : i32
          %add3A_329 = arith.constant 0 : i32
          %add3A_330 = arith.addi %mul3A_328, %add3A_329 : i32
          %get3A_331 = arith.index_cast %add3A_330 : i32 to index
          %get3A_332 = tpu.vector_load %arg8[%get3A_331] {strides = array<i32>} : memref<16384xf32, #tpu.memory_space<vmem>>, vector<16xf32>,
          %add3A_333 = arith.constant 0 : i32
          %add3A_334 = arith.addi %squeeze3A_324, %add3A_333 : i32
          %swap3A_335 = arith.index_cast %add3A_334 : i32 to index
          %swap3A_336 = tpu.vector_load %arg6[%swap3A_335] {strides = array<i32>} : memref<32768xf32, #tpu.memory_space<vmem>>, vector<16xf32>,
          tpu.vector_store %arg6[%swap3A_335], %get3A_332 {add = true, strides = array<i32>} : memref<32768xf32, #tpu.memory_space<vmem>>, vector<16xf32>,
          %add3A_337 = arith.constant 16 : i32
          %add3A_338 = arith.addi %mul3A_328, %add3A_337 : i32
          %get3A_339 = arith.index_cast %add3A_338 : i32 to index
          %get3A_340 = tpu.vector_load %arg8[%get3A_339] {strides = array<i32>} : memref<16384xf32, #tpu.memory_space<vmem>>, vector<16xf32>,
          %add3A_341 = arith.constant 16 : i32
          %add3A_342 = arith.addi %squeeze3A_324, %add3A_341 : i32
          %swap3A_343 = arith.index_cast %add3A_342 : i32 to index
          %swap3A_344 = tpu.vector_load %arg6[%swap3A_343] {strides = array<i32>} : memref<32768xf32, #tpu.memory_space<vmem>>, vector<16xf32>,
          tpu.vector_store %arg6[%swap3A_343], %get3A_340 {add = true, strides = array<i32>} : memref<32768xf32, #tpu.memory_space<vmem>>, vector<16xf32>,
          %add3A_345 = arith.constant 32 : i32
          %add3A_346 = arith.addi %mul3A_328, %add3A_345 : i32
          %get3A_347 = arith.index_cast %add3A_346 : i32 to index
          %get3A_348 = tpu.vector_load %arg8[%get3A_347] {strides = array<i32>} : memref<16384xf32, #tpu.memory_space<vmem>>, vector<16xf32>,
          %add3A_349 = arith.constant 32 : i32
          %add3A_350 = arith.addi %squeeze3A_324, %add3A_349 : i32
          %swap3A_351 = arith.index_cast %add3A_350 : i32 to index
          %swap3A_352 = tpu.vector_load %arg6[%swap3A_351] {strides = array<i32>} : memref<32768xf32, #tpu.memory_space<vmem>>, vector<16xf32>,
          tpu.vector_store %arg6[%swap3A_351], %get3A_348 {add = true, strides = array<i32>} : memref<32768xf32, #tpu.memory_space<vmem>>, vector<16xf32>,
          %add3A_353 = arith.constant 48 : i32
          %add3A_354 = arith.addi %mul3A_328, %add3A_353 : i32
          %get3A_355 = arith.index_cast %add3A_354 : i32 to index
          %get3A_356 = tpu.vector_load %arg8[%get3A_355] {strides = array<i32>} : memref<16384xf32, #tpu.memory_space<vmem>>, vector<16xf32>,
          %add3A_357 = arith.constant 48 : i32
          %add3A_358 = arith.addi %squeeze3A_324, %add3A_357 : i32
          %swap3A_359 = arith.index_cast %add3A_358 : i32 to index
          %swap3A_360 = tpu.vector_load %arg6[%swap3A_359] {strides = array<i32>} : memref<32768xf32, #tpu.memory_space<vmem>>, vector<16xf32>,
          tpu.vector_store %arg6[%swap3A_359], %get3A_356 {add = true, strides = array<i32>} : memref<32768xf32, #tpu.memory_space<vmem>>, vector<16xf32>,
          %slice3A_361 = vector.extract_strided_slice %mul3A_59 {offsets = [8], sizes = [1], strides = [1]} : vector<16xi32> to vector<1xi32>
          %squeeze3A_362 = vector.extract %slice3A_361[0] : i32 from vector<1xi32>
          %add3A_363 = arith.constant 8 : i32
          %add3A_364 = arith.addi %mul3A_45, %add3A_363 : i32
          %mul3A_365 = arith.constant 64 : i32
          %mul3A_366 = arith.muli %add3A_364, %mul3A_365 : i32
          %add3A_367 = arith.constant 0 : i32
          %add3A_368 = arith.addi %mul3A_366, %add3A_367 : i32
          %get3A_369 = arith.index_cast %add3A_368 : i32 to index
          %get3A_370 = tpu.vector_load %arg8[%get3A_369] {strides = array<i32>} : memref<16384xf32, #tpu.memory_space<vmem>>, vector<16xf32>,
          %add3A_371 = arith.constant 0 : i32
          %add3A_372 = arith.addi %squeeze3A_362, %add3A_371 : i32
          %swap3A_373 = arith.index_cast %add3A_372 : i32 to index
          %swap3A_374 = tpu.vector_load %arg6[%swap3A_373] {strides = array<i32>} : memref<32768xf32, #tpu.memory_space<vmem>>, vector<16xf32>,
          tpu.vector_store %arg6[%swap3A_373], %get3A_370 {add = true, strides = array<i32>} : memref<32768xf32, #tpu.memory_space<vmem>>, vector<16xf32>,
          %add3A_375 = arith.constant 16 : i32
          %add3A_376 = arith.addi %mul3A_366, %add3A_375 : i32
          %get3A_377 = arith.index_cast %add3A_376 : i32 to index
          %get3A_378 = tpu.vector_load %arg8[%get3A_377] {strides = array<i32>} : memref<16384xf32, #tpu.memory_space<vmem>>, vector<16xf32>,
          %add3A_379 = arith.constant 16 : i32
          %add3A_380 = arith.addi %squeeze3A_362, %add3A_379 : i32
          %swap3A_381 = arith.index_cast %add3A_380 : i32 to index
          %swap3A_382 = tpu.vector_load %arg6[%swap3A_381] {strides = array<i32>} : memref<32768xf32, #tpu.memory_space<vmem>>, vector<16xf32>,
          tpu.vector_store %arg6[%swap3A_381], %get3A_378 {add = true, strides = array<i32>} : memref<32768xf32, #tpu.memory_space<vmem>>, vector<16xf32>,
          %add3A_383 = arith.constant 32 : i32
          %add3A_384 = arith.addi %mul3A_366, %add3A_383 : i32
          %get3A_385 = arith.index_cast %add3A_384 : i32 to index
          %get3A_386 = tpu.vector_load %arg8[%get3A_385] {strides = array<i32>} : memref<16384xf32, #tpu.memory_space<vmem>>, vector<16xf32>,
          %add3A_387 = arith.constant 32 : i32
          %add3A_388 = arith.addi %squeeze3A_362, %add3A_387 : i32
          %swap3A_389 = arith.index_cast %add3A_388 : i32 to index
          %swap3A_390 = tpu.vector_load %arg6[%swap3A_389] {strides = array<i32>} : memref<32768xf32, #tpu.memory_space<vmem>>, vector<16xf32>,
          tpu.vector_store %arg6[%swap3A_389], %get3A_386 {add = true, strides = array<i32>} : memref<32768xf32, #tpu.memory_space<vmem>>, vector<16xf32>,
          %add3A_391 = arith.constant 48 : i32
          %add3A_392 = arith.addi %mul3A_366, %add3A_391 : i32
          %get3A_393 = arith.index_cast %add3A_392 : i32 to index
          %get3A_394 = tpu.vector_load %arg8[%get3A_393] {strides = array<i32>} : memref<16384xf32, #tpu.memory_space<vmem>>, vector<16xf32>,
          %add3A_395 = arith.constant 48 : i32
          %add3A_396 = arith.addi %squeeze3A_362, %add3A_395 : i32
          %swap3A_397 = arith.index_cast %add3A_396 : i32 to index
          %swap3A_398 = tpu.vector_load %arg6[%swap3A_397] {strides = array<i32>} : memref<32768xf32, #tpu.memory_space<vmem>>, vector<16xf32>,
          tpu.vector_store %arg6[%swap3A_397], %get3A_394 {add = true, strides = array<i32>} : memref<32768xf32, #tpu.memory_space<vmem>>, vector<16xf32>,
          %slice3A_399 = vector.extract_strided_slice %mul3A_59 {offsets = [9], sizes = [1], strides = [1]} : vector<16xi32> to vector<1xi32>
          %squeeze3A_400 = vector.extract %slice3A_399[0] : i32 from vector<1xi32>
          %add3A_401 = arith.constant 9 : i32
          %add3A_402 = arith.addi %mul3A_45, %add3A_401 : i32
          %mul3A_403 = arith.constant 64 : i32
          %mul3A_404 = arith.muli %add3A_402, %mul3A_403 : i32
          %add3A_405 = arith.constant 0 : i32
          %add3A_406 = arith.addi %mul3A_404, %add3A_405 : i32
          %get3A_407 = arith.index_cast %add3A_406 : i32 to index
          %get3A_408 = tpu.vector_load %arg8[%get3A_407] {strides = array<i32>} : memref<16384xf32, #tpu.memory_space<vmem>>, vector<16xf32>,
          %add3A_409 = arith.constant 0 : i32
          %add3A_410 = arith.addi %squeeze3A_400, %add3A_409 : i32
          %swap3A_411 = arith.index_cast %add3A_410 : i32 to index
          %swap3A_412 = tpu.vector_load %arg6[%swap3A_411] {strides = array<i32>} : memref<32768xf32, #tpu.memory_space<vmem>>, vector<16xf32>,
          tpu.vector_store %arg6[%swap3A_411], %get3A_408 {add = true, strides = array<i32>} : memref<32768xf32, #tpu.memory_space<vmem>>, vector<16xf32>,
          %add3A_413 = arith.constant 16 : i32
          %add3A_414 = arith.addi %mul3A_404, %add3A_413 : i32
          %get3A_415 = arith.index_cast %add3A_414 : i32 to index
          %get3A_416 = tpu.vector_load %arg8[%get3A_415] {strides = array<i32>} : memref<16384xf32, #tpu.memory_space<vmem>>, vector<16xf32>,
          %add3A_417 = arith.constant 16 : i32
          %add3A_418 = arith.addi %squeeze3A_400, %add3A_417 : i32
          %swap3A_419 = arith.index_cast %add3A_418 : i32 to index
          %swap3A_420 = tpu.vector_load %arg6[%swap3A_419] {strides = array<i32>} : memref<32768xf32, #tpu.memory_space<vmem>>, vector<16xf32>,
          tpu.vector_store %arg6[%swap3A_419], %get3A_416 {add = true, strides = array<i32>} : memref<32768xf32, #tpu.memory_space<vmem>>, vector<16xf32>,
          %add3A_421 = arith.constant 32 : i32
          %add3A_422 = arith.addi %mul3A_404, %add3A_421 : i32
          %get3A_423 = arith.index_cast %add3A_422 : i32 to index
          %get3A_424 = tpu.vector_load %arg8[%get3A_423] {strides = array<i32>} : memref<16384xf32, #tpu.memory_space<vmem>>, vector<16xf32>,
          %add3A_425 = arith.constant 32 : i32
          %add3A_426 = arith.addi %squeeze3A_400, %add3A_425 : i32
          %swap3A_427 = arith.index_cast %add3A_426 : i32 to index
          %swap3A_428 = tpu.vector_load %arg6[%swap3A_427] {strides = array<i32>} : memref<32768xf32, #tpu.memory_space<vmem>>, vector<16xf32>,
          tpu.vector_store %arg6[%swap3A_427], %get3A_424 {add = true, strides = array<i32>} : memref<32768xf32, #tpu.memory_space<vmem>>, vector<16xf32>,
          %add3A_429 = arith.constant 48 : i32
          %add3A_430 = arith.addi %mul3A_404, %add3A_429 : i32
          %get3A_431 = arith.index_cast %add3A_430 : i32 to index
          %get3A_432 = tpu.vector_load %arg8[%get3A_431] {strides = array<i32>} : memref<16384xf32, #tpu.memory_space<vmem>>, vector<16xf32>,
          %add3A_433 = arith.constant 48 : i32
          %add3A_434 = arith.addi %squeeze3A_400, %add3A_433 : i32
          %swap3A_435 = arith.index_cast %add3A_434 : i32 to index
          %swap3A_436 = tpu.vector_load %arg6[%swap3A_435] {strides = array<i32>} : memref<32768xf32, #tpu.memory_space<vmem>>, vector<16xf32>,
          tpu.vector_store %arg6[%swap3A_435], %get3A_432 {add = true, strides = array<i32>} : memref<32768xf32, #tpu.memory_space<vmem>>, vector<16xf32>,
          %slice3A_437 = vector.extract_strided_slice %mul3A_59 {offsets = [10], sizes = [1], strides = [1]} : vector<16xi32> to vector<1xi32>
          %squeeze3A_438 = vector.extract %slice3A_437[0] : i32 from vector<1xi32>
          %add3A_439 = arith.constant 10 : i32
          %add3A_440 = arith.addi %mul3A_45, %add3A_439 : i32
          %mul3A_441 = arith.constant 64 : i32
          %mul3A_442 = arith.muli %add3A_440, %mul3A_441 : i32
          %add3A_443 = arith.constant 0 : i32
          %add3A_444 = arith.addi %mul3A_442, %add3A_443 : i32
          %get3A_445 = arith.index_cast %add3A_444 : i32 to index
          %get3A_446 = tpu.vector_load %arg8[%get3A_445] {strides = array<i32>} : memref<16384xf32, #tpu.memory_space<vmem>>, vector<16xf32>,
          %add3A_447 = arith.constant 0 : i32
          %add3A_448 = arith.addi %squeeze3A_438, %add3A_447 : i32
          %swap3A_449 = arith.index_cast %add3A_448 : i32 to index
          %swap3A_450 = tpu.vector_load %arg6[%swap3A_449] {strides = array<i32>} : memref<32768xf32, #tpu.memory_space<vmem>>, vector<16xf32>,
          tpu.vector_store %arg6[%swap3A_449], %get3A_446 {add = true, strides = array<i32>} : memref<32768xf32, #tpu.memory_space<vmem>>, vector<16xf32>,
          %add3A_451 = arith.constant 16 : i32
          %add3A_452 = arith.addi %mul3A_442, %add3A_451 : i32
          %get3A_453 = arith.index_cast %add3A_452 : i32 to index
          %get3A_454 = tpu.vector_load %arg8[%get3A_453] {strides = array<i32>} : memref<16384xf32, #tpu.memory_space<vmem>>, vector<16xf32>,
          %add3A_455 = arith.constant 16 : i32
          %add3A_456 = arith.addi %squeeze3A_438, %add3A_455 : i32
          %swap3A_457 = arith.index_cast %add3A_456 : i32 to index
          %swap3A_458 = tpu.vector_load %arg6[%swap3A_457] {strides = array<i32>} : memref<32768xf32, #tpu.memory_space<vmem>>, vector<16xf32>,
          tpu.vector_store %arg6[%swap3A_457], %get3A_454 {add = true, strides = array<i32>} : memref<32768xf32, #tpu.memory_space<vmem>>, vector<16xf32>,
          %add3A_459 = arith.constant 32 : i32
          %add3A_460 = arith.addi %mul3A_442, %add3A_459 : i32
          %get3A_461 = arith.index_cast %add3A_460 : i32 to index
          %get3A_462 = tpu.vector_load %arg8[%get3A_461] {strides = array<i32>} : memref<16384xf32, #tpu.memory_space<vmem>>, vector<16xf32>,
          %add3A_463 = arith.constant 32 : i32
          %add3A_464 = arith.addi %squeeze3A_438, %add3A_463 : i32
          %swap3A_465 = arith.index_cast %add3A_464 : i32 to index
          %swap3A_466 = tpu.vector_load %arg6[%swap3A_465] {strides = array<i32>} : memref<32768xf32, #tpu.memory_space<vmem>>, vector<16xf32>,
          tpu.vector_store %arg6[%swap3A_465], %get3A_462 {add = true, strides = array<i32>} : memref<32768xf32, #tpu.memory_space<vmem>>, vector<16xf32>,
          %add3A_467 = arith.constant 48 : i32
          %add3A_468 = arith.addi %mul3A_442, %add3A_467 : i32
          %get3A_469 = arith.index_cast %add3A_468 : i32 to index
          %get3A_470 = tpu.vector_load %arg8[%get3A_469] {strides = array<i32>} : memref<16384xf32, #tpu.memory_space<vmem>>, vector<16xf32>,
          %add3A_471 = arith.constant 48 : i32
          %add3A_472 = arith.addi %squeeze3A_438, %add3A_471 : i32
          %swap3A_473 = arith.index_cast %add3A_472 : i32 to index
          %swap3A_474 = tpu.vector_load %arg6[%swap3A_473] {strides = array<i32>} : memref<32768xf32, #tpu.memory_space<vmem>>, vector<16xf32>,
          tpu.vector_store %arg6[%swap3A_473], %get3A_470 {add = true, strides = array<i32>} : memref<32768xf32, #tpu.memory_space<vmem>>, vector<16xf32>,
          %slice3A_475 = vector.extract_strided_slice %mul3A_59 {offsets = [11], sizes = [1], strides = [1]} : vector<16xi32> to vector<1xi32>
          %squeeze3A_476 = vector.extract %slice3A_475[0] : i32 from vector<1xi32>
          %add3A_477 = arith.constant 11 : i32
          %add3A_478 = arith.addi %mul3A_45, %add3A_477 : i32
          %mul3A_479 = arith.constant 64 : i32
          %mul3A_480 = arith.muli %add3A_478, %mul3A_479 : i32
          %add3A_481 = arith.constant 0 : i32
          %add3A_482 = arith.addi %mul3A_480, %add3A_481 : i32
          %get3A_483 = arith.index_cast %add3A_482 : i32 to index
          %get3A_484 = tpu.vector_load %arg8[%get3A_483] {strides = array<i32>} : memref<16384xf32, #tpu.memory_space<vmem>>, vector<16xf32>,
          %add3A_485 = arith.constant 0 : i32
          %add3A_486 = arith.addi %squeeze3A_476, %add3A_485 : i32
          %swap3A_487 = arith.index_cast %add3A_486 : i32 to index
          %swap3A_488 = tpu.vector_load %arg6[%swap3A_487] {strides = array<i32>} : memref<32768xf32, #tpu.memory_space<vmem>>, vector<16xf32>,
          tpu.vector_store %arg6[%swap3A_487], %get3A_484 {add = true, strides = array<i32>} : memref<32768xf32, #tpu.memory_space<vmem>>, vector<16xf32>,
          %add3A_489 = arith.constant 16 : i32
          %add3A_490 = arith.addi %mul3A_480, %add3A_489 : i32
          %get3A_491 = arith.index_cast %add3A_490 : i32 to index
          %get3A_492 = tpu.vector_load %arg8[%get3A_491] {strides = array<i32>} : memref<16384xf32, #tpu.memory_space<vmem>>, vector<16xf32>,
          %add3A_493 = arith.constant 16 : i32
          %add3A_494 = arith.addi %squeeze3A_476, %add3A_493 : i32
          %swap3A_495 = arith.index_cast %add3A_494 : i32 to index
          %swap3A_496 = tpu.vector_load %arg6[%swap3A_495] {strides = array<i32>} : memref<32768xf32, #tpu.memory_space<vmem>>, vector<16xf32>,
          tpu.vector_store %arg6[%swap3A_495], %get3A_492 {add = true, strides = array<i32>} : memref<32768xf32, #tpu.memory_space<vmem>>, vector<16xf32>,
          %add3A_497 = arith.constant 32 : i32
          %add3A_498 = arith.addi %mul3A_480, %add3A_497 : i32
          %get3A_499 = arith.index_cast %add3A_498 : i32 to index
          %get3A_500 = tpu.vector_load %arg8[%get3A_499] {strides = array<i32>} : memref<16384xf32, #tpu.memory_space<vmem>>, vector<16xf32>,
          %add3A_501 = arith.constant 32 : i32
          %add3A_502 = arith.addi %squeeze3A_476, %add3A_501 : i32
          %swap3A_503 = arith.index_cast %add3A_502 : i32 to index
          %swap3A_504 = tpu.vector_load %arg6[%swap3A_503] {strides = array<i32>} : memref<32768xf32, #tpu.memory_space<vmem>>, vector<16xf32>,
          tpu.vector_store %arg6[%swap3A_503], %get3A_500 {add = true, strides = array<i32>} : memref<32768xf32, #tpu.memory_space<vmem>>, vector<16xf32>,
          %add3A_505 = arith.constant 48 : i32
          %add3A_506 = arith.addi %mul3A_480, %add3A_505 : i32
          %get3A_507 = arith.index_cast %add3A_506 : i32 to index
          %get3A_508 = tpu.vector_load %arg8[%get3A_507] {strides = array<i32>} : memref<16384xf32, #tpu.memory_space<vmem>>, vector<16xf32>,
          %add3A_509 = arith.constant 48 : i32
          %add3A_510 = arith.addi %squeeze3A_476, %add3A_509 : i32
          %swap3A_511 = arith.index_cast %add3A_510 : i32 to index
          %swap3A_512 = tpu.vector_load %arg6[%swap3A_511] {strides = array<i32>} : memref<32768xf32, #tpu.memory_space<vmem>>, vector<16xf32>,
          tpu.vector_store %arg6[%swap3A_511], %get3A_508 {add = true, strides = array<i32>} : memref<32768xf32, #tpu.memory_space<vmem>>, vector<16xf32>,
          %slice3A_513 = vector.extract_strided_slice %mul3A_59 {offsets = [12], sizes = [1], strides = [1]} : vector<16xi32> to vector<1xi32>
          %squeeze3A_514 = vector.extract %slice3A_513[0] : i32 from vector<1xi32>
          %add3A_515 = arith.constant 12 : i32
          %add3A_516 = arith.addi %mul3A_45, %add3A_515 : i32
          %mul3A_517 = arith.constant 64 : i32
          %mul3A_518 = arith.muli %add3A_516, %mul3A_517 : i32
          %add3A_519 = arith.constant 0 : i32
          %add3A_520 = arith.addi %mul3A_518, %add3A_519 : i32
          %get3A_521 = arith.index_cast %add3A_520 : i32 to index
          %get3A_522 = tpu.vector_load %arg8[%get3A_521] {strides = array<i32>} : memref<16384xf32, #tpu.memory_space<vmem>>, vector<16xf32>,
          %add3A_523 = arith.constant 0 : i32
          %add3A_524 = arith.addi %squeeze3A_514, %add3A_523 : i32
          %swap3A_525 = arith.index_cast %add3A_524 : i32 to index
          %swap3A_526 = tpu.vector_load %arg6[%swap3A_525] {strides = array<i32>} : memref<32768xf32, #tpu.memory_space<vmem>>, vector<16xf32>,
          tpu.vector_store %arg6[%swap3A_525], %get3A_522 {add = true, strides = array<i32>} : memref<32768xf32, #tpu.memory_space<vmem>>, vector<16xf32>,
          %add3A_527 = arith.constant 16 : i32
          %add3A_528 = arith.addi %mul3A_518, %add3A_527 : i32
          %get3A_529 = arith.index_cast %add3A_528 : i32 to index
          %get3A_530 = tpu.vector_load %arg8[%get3A_529] {strides = array<i32>} : memref<16384xf32, #tpu.memory_space<vmem>>, vector<16xf32>,
          %add3A_531 = arith.constant 16 : i32
          %add3A_532 = arith.addi %squeeze3A_514, %add3A_531 : i32
          %swap3A_533 = arith.index_cast %add3A_532 : i32 to index
          %swap3A_534 = tpu.vector_load %arg6[%swap3A_533] {strides = array<i32>} : memref<32768xf32, #tpu.memory_space<vmem>>, vector<16xf32>,
          tpu.vector_store %arg6[%swap3A_533], %get3A_530 {add = true, strides = array<i32>} : memref<32768xf32, #tpu.memory_space<vmem>>, vector<16xf32>,
          %add3A_535 = arith.constant 32 : i32
          %add3A_536 = arith.addi %mul3A_518, %add3A_535 : i32
          %get3A_537 = arith.index_cast %add3A_536 : i32 to index
          %get3A_538 = tpu.vector_load %arg8[%get3A_537] {strides = array<i32>} : memref<16384xf32, #tpu.memory_space<vmem>>, vector<16xf32>,
          %add3A_539 = arith.constant 32 : i32
          %add3A_540 = arith.addi %squeeze3A_514, %add3A_539 : i32
          %swap3A_541 = arith.index_cast %add3A_540 : i32 to index
          %swap3A_542 = tpu.vector_load %arg6[%swap3A_541] {strides = array<i32>} : memref<32768xf32, #tpu.memory_space<vmem>>, vector<16xf32>,
          tpu.vector_store %arg6[%swap3A_541], %get3A_538 {add = true, strides = array<i32>} : memref<32768xf32, #tpu.memory_space<vmem>>, vector<16xf32>,
          %add3A_543 = arith.constant 48 : i32
          %add3A_544 = arith.addi %mul3A_518, %add3A_543 : i32
          %get3A_545 = arith.index_cast %add3A_544 : i32 to index
          %get3A_546 = tpu.vector_load %arg8[%get3A_545] {strides = array<i32>} : memref<16384xf32, #tpu.memory_space<vmem>>, vector<16xf32>,
          %add3A_547 = arith.constant 48 : i32
          %add3A_548 = arith.addi %squeeze3A_514, %add3A_547 : i32
          %swap3A_549 = arith.index_cast %add3A_548 : i32 to index
          %swap3A_550 = tpu.vector_load %arg6[%swap3A_549] {strides = array<i32>} : memref<32768xf32, #tpu.memory_space<vmem>>, vector<16xf32>,
          tpu.vector_store %arg6[%swap3A_549], %get3A_546 {add = true, strides = array<i32>} : memref<32768xf32, #tpu.memory_space<vmem>>, vector<16xf32>,
          %slice3A_551 = vector.extract_strided_slice %mul3A_59 {offsets = [13], sizes = [1], strides = [1]} : vector<16xi32> to vector<1xi32>
          %squeeze3A_552 = vector.extract %slice3A_551[0] : i32 from vector<1xi32>
          %add3A_553 = arith.constant 13 : i32
          %add3A_554 = arith.addi %mul3A_45, %add3A_553 : i32
          %mul3A_555 = arith.constant 64 : i32
          %mul3A_556 = arith.muli %add3A_554, %mul3A_555 : i32
          %add3A_557 = arith.constant 0 : i32
          %add3A_558 = arith.addi %mul3A_556, %add3A_557 : i32
          %get3A_559 = arith.index_cast %add3A_558 : i32 to index
          %get3A_560 = tpu.vector_load %arg8[%get3A_559] {strides = array<i32>} : memref<16384xf32, #tpu.memory_space<vmem>>, vector<16xf32>,
          %add3A_561 = arith.constant 0 : i32
          %add3A_562 = arith.addi %squeeze3A_552, %add3A_561 : i32
          %swap3A_563 = arith.index_cast %add3A_562 : i32 to index
          %swap3A_564 = tpu.vector_load %arg6[%swap3A_563] {strides = array<i32>} : memref<32768xf32, #tpu.memory_space<vmem>>, vector<16xf32>,
          tpu.vector_store %arg6[%swap3A_563], %get3A_560 {add = true, strides = array<i32>} : memref<32768xf32, #tpu.memory_space<vmem>>, vector<16xf32>,
          %add3A_565 = arith.constant 16 : i32
          %add3A_566 = arith.addi %mul3A_556, %add3A_565 : i32
          %get3A_567 = arith.index_cast %add3A_566 : i32 to index
          %get3A_568 = tpu.vector_load %arg8[%get3A_567] {strides = array<i32>} : memref<16384xf32, #tpu.memory_space<vmem>>, vector<16xf32>,
          %add3A_569 = arith.constant 16 : i32
          %add3A_570 = arith.addi %squeeze3A_552, %add3A_569 : i32
          %swap3A_571 = arith.index_cast %add3A_570 : i32 to index
          %swap3A_572 = tpu.vector_load %arg6[%swap3A_571] {strides = array<i32>} : memref<32768xf32, #tpu.memory_space<vmem>>, vector<16xf32>,
          tpu.vector_store %arg6[%swap3A_571], %get3A_568 {add = true, strides = array<i32>} : memref<32768xf32, #tpu.memory_space<vmem>>, vector<16xf32>,
          %add3A_573 = arith.constant 32 : i32
          %add3A_574 = arith.addi %mul3A_556, %add3A_573 : i32
          %get3A_575 = arith.index_cast %add3A_574 : i32 to index
          %get3A_576 = tpu.vector_load %arg8[%get3A_575] {strides = array<i32>} : memref<16384xf32, #tpu.memory_space<vmem>>, vector<16xf32>,
          %add3A_577 = arith.constant 32 : i32
          %add3A_578 = arith.addi %squeeze3A_552, %add3A_577 : i32
          %swap3A_579 = arith.index_cast %add3A_578 : i32 to index
          %swap3A_580 = tpu.vector_load %arg6[%swap3A_579] {strides = array<i32>} : memref<32768xf32, #tpu.memory_space<vmem>>, vector<16xf32>,
          tpu.vector_store %arg6[%swap3A_579], %get3A_576 {add = true, strides = array<i32>} : memref<32768xf32, #tpu.memory_space<vmem>>, vector<16xf32>,
          %add3A_581 = arith.constant 48 : i32
          %add3A_582 = arith.addi %mul3A_556, %add3A_581 : i32
          %get3A_583 = arith.index_cast %add3A_582 : i32 to index
          %get3A_584 = tpu.vector_load %arg8[%get3A_583] {strides = array<i32>} : memref<16384xf32, #tpu.memory_space<vmem>>, vector<16xf32>,
          %add3A_585 = arith.constant 48 : i32
          %add3A_586 = arith.addi %squeeze3A_552, %add3A_585 : i32
          %swap3A_587 = arith.index_cast %add3A_586 : i32 to index
          %swap3A_588 = tpu.vector_load %arg6[%swap3A_587] {strides = array<i32>} : memref<32768xf32, #tpu.memory_space<vmem>>, vector<16xf32>,
          tpu.vector_store %arg6[%swap3A_587], %get3A_584 {add = true, strides = array<i32>} : memref<32768xf32, #tpu.memory_space<vmem>>, vector<16xf32>,
          %slice3A_589 = vector.extract_strided_slice %mul3A_59 {offsets = [14], sizes = [1], strides = [1]} : vector<16xi32> to vector<1xi32>
          %squeeze3A_590 = vector.extract %slice3A_589[0] : i32 from vector<1xi32>
          %add3A_591 = arith.constant 14 : i32
          %add3A_592 = arith.addi %mul3A_45, %add3A_591 : i32
          %mul3A_593 = arith.constant 64 : i32
          %mul3A_594 = arith.muli %add3A_592, %mul3A_593 : i32
          %add3A_595 = arith.constant 0 : i32
          %add3A_596 = arith.addi %mul3A_594, %add3A_595 : i32
          %get3A_597 = arith.index_cast %add3A_596 : i32 to index
          %get3A_598 = tpu.vector_load %arg8[%get3A_597] {strides = array<i32>} : memref<16384xf32, #tpu.memory_space<vmem>>, vector<16xf32>,
          %add3A_599 = arith.constant 0 : i32
          %add3A_600 = arith.addi %squeeze3A_590, %add3A_599 : i32
          %swap3A_601 = arith.index_cast %add3A_600 : i32 to index
          %swap3A_602 = tpu.vector_load %arg6[%swap3A_601] {strides = array<i32>} : memref<32768xf32, #tpu.memory_space<vmem>>, vector<16xf32>,
          tpu.vector_store %arg6[%swap3A_601], %get3A_598 {add = true, strides = array<i32>} : memref<32768xf32, #tpu.memory_space<vmem>>, vector<16xf32>,
          %add3A_603 = arith.constant 16 : i32
          %add3A_604 = arith.addi %mul3A_594, %add3A_603 : i32
          %get3A_605 = arith.index_cast %add3A_604 : i32 to index
          %get3A_606 = tpu.vector_load %arg8[%get3A_605] {strides = array<i32>} : memref<16384xf32, #tpu.memory_space<vmem>>, vector<16xf32>,
          %add3A_607 = arith.constant 16 : i32
          %add3A_608 = arith.addi %squeeze3A_590, %add3A_607 : i32
          %swap3A_609 = arith.index_cast %add3A_608 : i32 to index
          %swap3A_610 = tpu.vector_load %arg6[%swap3A_609] {strides = array<i32>} : memref<32768xf32, #tpu.memory_space<vmem>>, vector<16xf32>,
          tpu.vector_store %arg6[%swap3A_609], %get3A_606 {add = true, strides = array<i32>} : memref<32768xf32, #tpu.memory_space<vmem>>, vector<16xf32>,
          %add3A_611 = arith.constant 32 : i32
          %add3A_612 = arith.addi %mul3A_594, %add3A_611 : i32
          %get3A_613 = arith.index_cast %add3A_612 : i32 to index
          %get3A_614 = tpu.vector_load %arg8[%get3A_613] {strides = array<i32>} : memref<16384xf32, #tpu.memory_space<vmem>>, vector<16xf32>,
          %add3A_615 = arith.constant 32 : i32
          %add3A_616 = arith.addi %squeeze3A_590, %add3A_615 : i32
          %swap3A_617 = arith.index_cast %add3A_616 : i32 to index
          %swap3A_618 = tpu.vector_load %arg6[%swap3A_617] {strides = array<i32>} : memref<32768xf32, #tpu.memory_space<vmem>>, vector<16xf32>,
          tpu.vector_store %arg6[%swap3A_617], %get3A_614 {add = true, strides = array<i32>} : memref<32768xf32, #tpu.memory_space<vmem>>, vector<16xf32>,
          %add3A_619 = arith.constant 48 : i32
          %add3A_620 = arith.addi %mul3A_594, %add3A_619 : i32
          %get3A_621 = arith.index_cast %add3A_620 : i32 to index
          %get3A_622 = tpu.vector_load %arg8[%get3A_621] {strides = array<i32>} : memref<16384xf32, #tpu.memory_space<vmem>>, vector<16xf32>,
          %add3A_623 = arith.constant 48 : i32
          %add3A_624 = arith.addi %squeeze3A_590, %add3A_623 : i32
          %swap3A_625 = arith.index_cast %add3A_624 : i32 to index
          %swap3A_626 = tpu.vector_load %arg6[%swap3A_625] {strides = array<i32>} : memref<32768xf32, #tpu.memory_space<vmem>>, vector<16xf32>,
          tpu.vector_store %arg6[%swap3A_625], %get3A_622 {add = true, strides = array<i32>} : memref<32768xf32, #tpu.memory_space<vmem>>, vector<16xf32>,
          %slice3A_627 = vector.extract_strided_slice %mul3A_59 {offsets = [15], sizes = [1], strides = [1]} : vector<16xi32> to vector<1xi32>
          %squeeze3A_628 = vector.extract %slice3A_627[0] : i32 from vector<1xi32>
          %add3A_629 = arith.constant 15 : i32
          %add3A_630 = arith.addi %mul3A_45, %add3A_629 : i32
          %mul3A_631 = arith.constant 64 : i32
          %mul3A_632 = arith.muli %add3A_630, %mul3A_631 : i32
          %add3A_633 = arith.constant 0 : i32
          %add3A_634 = arith.addi %mul3A_632, %add3A_633 : i32
          %get3A_635 = arith.index_cast %add3A_634 : i32 to index
          %get3A_636 = tpu.vector_load %arg8[%get3A_635] {strides = array<i32>} : memref<16384xf32, #tpu.memory_space<vmem>>, vector<16xf32>,
          %add3A_637 = arith.constant 0 : i32
          %add3A_638 = arith.addi %squeeze3A_628, %add3A_637 : i32
          %swap3A_639 = arith.index_cast %add3A_638 : i32 to index
          %swap3A_640 = tpu.vector_load %arg6[%swap3A_639] {strides = array<i32>} : memref<32768xf32, #tpu.memory_space<vmem>>, vector<16xf32>,
          tpu.vector_store %arg6[%swap3A_639], %get3A_636 {add = true, strides = array<i32>} : memref<32768xf32, #tpu.memory_space<vmem>>, vector<16xf32>,
          %add3A_641 = arith.constant 16 : i32
          %add3A_642 = arith.addi %mul3A_632, %add3A_641 : i32
          %get3A_643 = arith.index_cast %add3A_642 : i32 to index
          %get3A_644 = tpu.vector_load %arg8[%get3A_643] {strides = array<i32>} : memref<16384xf32, #tpu.memory_space<vmem>>, vector<16xf32>,
          %add3A_645 = arith.constant 16 : i32
          %add3A_646 = arith.addi %squeeze3A_628, %add3A_645 : i32
          %swap3A_647 = arith.index_cast %add3A_646 : i32 to index
          %swap3A_648 = tpu.vector_load %arg6[%swap3A_647] {strides = array<i32>} : memref<32768xf32, #tpu.memory_space<vmem>>, vector<16xf32>,
          tpu.vector_store %arg6[%swap3A_647], %get3A_644 {add = true, strides = array<i32>} : memref<32768xf32, #tpu.memory_space<vmem>>, vector<16xf32>,
          %add3A_649 = arith.constant 32 : i32
          %add3A_650 = arith.addi %mul3A_632, %add3A_649 : i32
          %get3A_651 = arith.index_cast %add3A_650 : i32 to index
          %get3A_652 = tpu.vector_load %arg8[%get3A_651] {strides = array<i32>} : memref<16384xf32, #tpu.memory_space<vmem>>, vector<16xf32>,
          %add3A_653 = arith.constant 32 : i32
          %add3A_654 = arith.addi %squeeze3A_628, %add3A_653 : i32
          %swap3A_655 = arith.index_cast %add3A_654 : i32 to index
          %swap3A_656 = tpu.vector_load %arg6[%swap3A_655] {strides = array<i32>} : memref<32768xf32, #tpu.memory_space<vmem>>, vector<16xf32>,
          tpu.vector_store %arg6[%swap3A_655], %get3A_652 {add = true, strides = array<i32>} : memref<32768xf32, #tpu.memory_space<vmem>>, vector<16xf32>,
          %add3A_657 = arith.constant 48 : i32
          %add3A_658 = arith.addi %mul3A_632, %add3A_657 : i32
          %get3A_659 = arith.index_cast %add3A_658 : i32 to index
          %get3A_660 = tpu.vector_load %arg8[%get3A_659] {strides = array<i32>} : memref<16384xf32, #tpu.memory_space<vmem>>, vector<16xf32>,
          %add3A_661 = arith.constant 48 : i32
          %add3A_662 = arith.addi %squeeze3A_628, %add3A_661 : i32
          %swap3A_663 = arith.index_cast %add3A_662 : i32 to index
          %swap3A_664 = tpu.vector_load %arg6[%swap3A_663] {strides = array<i32>} : memref<32768xf32, #tpu.memory_space<vmem>>, vector<16xf32>,
          tpu.vector_store %arg6[%swap3A_663], %get3A_660 {add = true, strides = array<i32>} : memref<32768xf32, #tpu.memory_space<vmem>>, vector<16xf32>,
          %scan3A_665 = arith.constant 0 : i32
          scf.yield %scan3A_665 : i32
        }
        %scan3A_52 = arith.constant 32 : i32
        scf.yield %scan3A_51 : i32
      }
      %scan3A_41 = arith.constant 16 : i32
      scf.yield %scan3A_40 : i32
    }
    %scan3A_23 = arith.constant 8 : i32
    %scan3A_24 = arith.constant 0 : i32
    %scan3A_25 = arith.constant 0 : i32
    %scan3A_26 = arith.constant 8 : i32
    %scan3A_27 = arith.addi %scan3A_25, %scan3A_26 : i32
    %scan3A_28 = arith.constant 1 : i32
    %scan3A_29 = scf.for %scan3A_31 = %scan3A_25 to %scan3A_27 step %scan3A_28 iter_args(%scan3A_32 = %scan3A_24) -> (i32)  : i32 {
      %mul3A_33 = arith.constant 256 : i32
      %mul3A_34 = arith.muli %scan3A_31, %mul3A_33 : i32
      "tpu.region"() ({
        %run_scoped3A = tpu.sem_alloc : memref<!tpu.dma_semaphore, #tpu.memory_space<semaphore_mem>>
        %dma_start3A = arith.constant 0 : i32
        %dma_start3A_50 = tpu.memref_slice %arg4[%add3A, %dma_start3A, %mul3A_34] : memref<32x32x2048xi32, #tpu.memory_space<hbm>> -> memref<1x32x256xi32, #tpu.memory_space<hbm>>
        %dma_start3A_51 = tpu.memref_squeeze %dma_start3A_50 : memref<1x32x256xi32, #tpu.memory_space<hbm>> -> memref<32x256xi32, #tpu.memory_space<hbm>>
        %dma_start3A_52 = arith.constant 0 : i32
        %dma_start3A_53 = tpu.memref_slice %arg4[%add3A, %dma_start3A_52, %mul3A_34] : memref<32x32x2048xi32, #tpu.memory_space<hbm>> -> memref<1x32x256xi32, #tpu.memory_space<hbm>>
        %dma_start3A_54 = tpu.memref_squeeze %dma_start3A_53 : memref<1x32x256xi32, #tpu.memory_space<hbm>> -> memref<32x256xi32, #tpu.memory_space<hbm>>
        tpu.enqueue_dma source(%dma_start3A_54 : memref<32x256xi32, #tpu.memory_space<hbm>>) target(%arg9 : memref<32x256xi32, #tpu.memory_space<vmem>>) target_semaphore(%run_scoped3A : memref<!tpu.dma_semaphore, #tpu.memory_space<semaphore_mem>>)
        %dma_wait3A = arith.constant 0 : i32
        %dma_wait3A_55 = tpu.memref_slice %arg4[%add3A, %dma_wait3A, %mul3A_34] : memref<32x32x2048xi32, #tpu.memory_space<hbm>> -> memref<1x32x256xi32, #tpu.memory_space<hbm>>
        %dma_wait3A_56 = tpu.memref_squeeze %dma_wait3A_55 : memref<1x32x256xi32, #tpu.memory_space<hbm>> -> memref<32x256xi32, #tpu.memory_space<hbm>>
        %dma_wait3A_57 = arith.constant 0 : i32
        %dma_wait3A_58 = tpu.memref_slice %arg4[%add3A, %dma_wait3A_57, %mul3A_34] : memref<32x32x2048xi32, #tpu.memory_space<hbm>> -> memref<1x32x256xi32, #tpu.memory_space<hbm>>
        %dma_wait3A_59 = tpu.memref_squeeze %dma_wait3A_58 : memref<1x32x256xi32, #tpu.memory_space<hbm>> -> memref<32x256xi32, #tpu.memory_space<hbm>>
        tpu.wait_dma2 semaphore(%run_scoped3A : memref<!tpu.dma_semaphore, #tpu.memory_space<semaphore_mem>>) src(%dma_wait3A_59 : memref<32x256xi32, #tpu.memory_space<hbm>>) dst(%arg9 : memref<32x256xi32, #tpu.memory_space<vmem>>)
        tpu.yield
      }) : () -> ()
      %scan3A_35 = arith.constant 0 : i32
      %scan3A_36 = arith.constant 0 : i32
      %scan3A_37 = arith.constant 1024 : i32
      %scan3A_38 = arith.addi %scan3A_36, %scan3A_37 : i32
      %scan3A_39 = arith.constant 4 : i32
      %scan3A_40 = scf.for %scan3A_50 = %scan3A_36 to %scan3A_38 step %scan3A_39 iter_args(%scan3A_51 = %scan3A_35) -> (i32)  : i32 {
        %mul3A_52 = arith.constant 16 : i32
        %mul3A_53 = arith.muli %scan3A_50, %mul3A_52 : i32
        %swap3A = arith.index_cast %mul3A_53 : i32 to index
        %swap3A_54 = tpu.vector_load %arg10[%swap3A] {strides = array<i32>} : memref<16384xf32, #tpu.memory_space<vmem>>, vector<16xf32>,
        tpu.vector_store %arg10[%swap3A], %broadcast_in_dim3A_1 {strides = array<i32>} : memref<16384xf32, #tpu.memory_space<vmem>>, vector<16xf32>,
        %scan3A_55 = arith.constant 0 : i32
        %scan3A_56 = arith.constant 1 : i32
        %scan3A_57 = arith.addi %scan3A_50, %scan3A_56 : i32
        %mul3A_58 = arith.constant 16 : i32
        %mul3A_59 = arith.muli %scan3A_57, %mul3A_58 : i32
        %swap3A_60 = arith.index_cast %mul3A_59 : i32 to index
        %swap3A_61 = tpu.vector_load %arg10[%swap3A_60] {strides = array<i32>} : memref<16384xf32, #tpu.memory_space<vmem>>, vector<16xf32>,
        tpu.vector_store %arg10[%swap3A_60], %broadcast_in_dim3A_1 {strides = array<i32>} : memref<16384xf32, #tpu.memory_space<vmem>>, vector<16xf32>,
        %scan3A_62 = arith.constant 0 : i32
        %scan3A_63 = arith.constant 2 : i32
        %scan3A_64 = arith.addi %scan3A_50, %scan3A_63 : i32
        %mul3A_65 = arith.constant 16 : i32
        %mul3A_66 = arith.muli %scan3A_64, %mul3A_65 : i32
        %swap3A_67 = arith.index_cast %mul3A_66 : i32 to index
        %swap3A_68 = tpu.vector_load %arg10[%swap3A_67] {strides = array<i32>} : memref<16384xf32, #tpu.memory_space<vmem>>, vector<16xf32>,
        tpu.vector_store %arg10[%swap3A_67], %broadcast_in_dim3A_1 {strides = array<i32>} : memref<16384xf32, #tpu.memory_space<vmem>>, vector<16xf32>,
        %scan3A_69 = arith.constant 0 : i32
        %scan3A_70 = arith.constant 3 : i32
        %scan3A_71 = arith.addi %scan3A_50, %scan3A_70 : i32
        %mul3A_72 = arith.constant 16 : i32
        %mul3A_73 = arith.muli %scan3A_71, %mul3A_72 : i32
        %swap3A_74 = arith.index_cast %mul3A_73 : i32 to index
        %swap3A_75 = tpu.vector_load %arg10[%swap3A_74] {strides = array<i32>} : memref<16384xf32, #tpu.memory_space<vmem>>, vector<16xf32>,
        tpu.vector_store %arg10[%swap3A_74], %broadcast_in_dim3A_1 {strides = array<i32>} : memref<16384xf32, #tpu.memory_space<vmem>>, vector<16xf32>,
        %scan3A_76 = arith.constant 0 : i32
        scf.yield %scan3A_76 : i32
      }
      %scan3A_41 = arith.constant 1024 : i32
      %scan3A_42 = arith.constant 0 : i32
      %scan3A_43 = arith.constant 0 : i32
      %scan3A_44 = arith.constant 16 : i32
      %scan3A_45 = arith.addi %scan3A_43, %scan3A_44 : i32
      %scan3A_46 = arith.constant 1 : i32
      %scan3A_47 = scf.for %scan3A_50 = %scan3A_43 to %scan3A_45 step %scan3A_46 iter_args(%scan3A_51 = %scan3A_42) -> (i32)  : i32 {
        %mul3A_52 = arith.constant 16 : i32
        %mul3A_53 = arith.muli %scan3A_50, %mul3A_52 : i32
        %scan3A_54 = arith.constant 0 : i32
        %scan3A_55 = arith.constant 32 : i32
        %scan3A_56 = arith.addi %scan3A_54, %scan3A_55 : i32
        %scan3A_57 = arith.constant 1 : i32
        %scan3A_58 = scf.for %scan3A_669 = %scan3A_54 to %scan3A_56 step %scan3A_57 iter_args(%scan3A_670 = %broadcast_in_dim3A_1) -> (vector<16xf32>)  : i32 {
          %get3A_671 = arith.index_cast %scan3A_669 : i32 to index
          %get3A_672 = arith.index_cast %mul3A_53 : i32 to index
          %get3A_673 = tpu.vector_load %arg9[%get3A_671, %get3A_672] {strides = array<i32>} : memref<32x256xi32, #tpu.memory_space<vmem>>, vector<16xi32>,
          %gather3A = tpu.vector_load_idx %arg7[%get3A_673] : memref<512xf32, #tpu.memory_space<vmem>>[vector<16xi32>], vector<16xf32>,
          %add3A_674 = arith.addf %scan3A_670, %gather3A : vector<16xf32>
          %mul3A_675 = arith.constant 64 : i32
          %mul3A_676 = vector.broadcast %mul3A_675 : i32 to vector<16xi32>
          %mul3A_677 = arith.muli %get3A_673, %mul3A_676 : vector<16xi32>
          %slice3A_678 = vector.extract_strided_slice %mul3A_677 {offsets = [0], sizes = [1], strides = [1]} : vector<16xi32> to vector<1xi32>
          %squeeze3A_679 = vector.extract %slice3A_678[0] : i32 from vector<1xi32>
          %add3A_680 = arith.constant 0 : i32
          %add3A_681 = arith.addi %mul3A_53, %add3A_680 : i32
          %mul3A_682 = arith.constant 64 : i32
          %mul3A_683 = arith.muli %add3A_681, %mul3A_682 : i32
          %add3A_684 = arith.constant 0 : i32
          %add3A_685 = arith.addi %squeeze3A_679, %add3A_684 : i32
          %get3A_686 = arith.index_cast %add3A_685 : i32 to index
          %get3A_687 = tpu.vector_load %arg6[%get3A_686] {strides = array<i32>} : memref<32768xf32, #tpu.memory_space<vmem>>, vector<16xf32>,
          %add3A_688 = arith.constant 0 : i32
          %add3A_689 = arith.addi %mul3A_683, %add3A_688 : i32
          %swap3A_690 = arith.index_cast %add3A_689 : i32 to index
          %swap3A_691 = tpu.vector_load %arg10[%swap3A_690] {strides = array<i32>} : memref<16384xf32, #tpu.memory_space<vmem>>, vector<16xf32>,
          tpu.vector_store %arg10[%swap3A_690], %get3A_687 {add = true, strides = array<i32>} : memref<16384xf32, #tpu.memory_space<vmem>>, vector<16xf32>,
          %add3A_692 = arith.constant 16 : i32
          %add3A_693 = arith.addi %squeeze3A_679, %add3A_692 : i32
          %get3A_694 = arith.index_cast %add3A_693 : i32 to index
          %get3A_695 = tpu.vector_load %arg6[%get3A_694] {strides = array<i32>} : memref<32768xf32, #tpu.memory_space<vmem>>, vector<16xf32>,
          %add3A_696 = arith.constant 16 : i32
          %add3A_697 = arith.addi %mul3A_683, %add3A_696 : i32
          %swap3A_698 = arith.index_cast %add3A_697 : i32 to index
          %swap3A_699 = tpu.vector_load %arg10[%swap3A_698] {strides = array<i32>} : memref<16384xf32, #tpu.memory_space<vmem>>, vector<16xf32>,
          tpu.vector_store %arg10[%swap3A_698], %get3A_695 {add = true, strides = array<i32>} : memref<16384xf32, #tpu.memory_space<vmem>>, vector<16xf32>,
          %add3A_700 = arith.constant 32 : i32
          %add3A_701 = arith.addi %squeeze3A_679, %add3A_700 : i32
          %get3A_702 = arith.index_cast %add3A_701 : i32 to index
          %get3A_703 = tpu.vector_load %arg6[%get3A_702] {strides = array<i32>} : memref<32768xf32, #tpu.memory_space<vmem>>, vector<16xf32>,
          %add3A_704 = arith.constant 32 : i32
          %add3A_705 = arith.addi %mul3A_683, %add3A_704 : i32
          %swap3A_706 = arith.index_cast %add3A_705 : i32 to index
          %swap3A_707 = tpu.vector_load %arg10[%swap3A_706] {strides = array<i32>} : memref<16384xf32, #tpu.memory_space<vmem>>, vector<16xf32>,
          tpu.vector_store %arg10[%swap3A_706], %get3A_703 {add = true, strides = array<i32>} : memref<16384xf32, #tpu.memory_space<vmem>>, vector<16xf32>,
          %add3A_708 = arith.constant 48 : i32
          %add3A_709 = arith.addi %squeeze3A_679, %add3A_708 : i32
          %get3A_710 = arith.index_cast %add3A_709 : i32 to index
          %get3A_711 = tpu.vector_load %arg6[%get3A_710] {strides = array<i32>} : memref<32768xf32, #tpu.memory_space<vmem>>, vector<16xf32>,
          %add3A_712 = arith.constant 48 : i32
          %add3A_713 = arith.addi %mul3A_683, %add3A_712 : i32
          %swap3A_714 = arith.index_cast %add3A_713 : i32 to index
          %swap3A_715 = tpu.vector_load %arg10[%swap3A_714] {strides = array<i32>} : memref<16384xf32, #tpu.memory_space<vmem>>, vector<16xf32>,
          tpu.vector_store %arg10[%swap3A_714], %get3A_711 {add = true, strides = array<i32>} : memref<16384xf32, #tpu.memory_space<vmem>>, vector<16xf32>,
          %slice3A_716 = vector.extract_strided_slice %mul3A_677 {offsets = [1], sizes = [1], strides = [1]} : vector<16xi32> to vector<1xi32>
          %squeeze3A_717 = vector.extract %slice3A_716[0] : i32 from vector<1xi32>
          %add3A_718 = arith.constant 1 : i32
          %add3A_719 = arith.addi %mul3A_53, %add3A_718 : i32
          %mul3A_720 = arith.constant 64 : i32
          %mul3A_721 = arith.muli %add3A_719, %mul3A_720 : i32
          %add3A_722 = arith.constant 0 : i32
          %add3A_723 = arith.addi %squeeze3A_717, %add3A_722 : i32
          %get3A_724 = arith.index_cast %add3A_723 : i32 to index
          %get3A_725 = tpu.vector_load %arg6[%get3A_724] {strides = array<i32>} : memref<32768xf32, #tpu.memory_space<vmem>>, vector<16xf32>,
          %add3A_726 = arith.constant 0 : i32
          %add3A_727 = arith.addi %mul3A_721, %add3A_726 : i32
          %swap3A_728 = arith.index_cast %add3A_727 : i32 to index
          %swap3A_729 = tpu.vector_load %arg10[%swap3A_728] {strides = array<i32>} : memref<16384xf32, #tpu.memory_space<vmem>>, vector<16xf32>,
          tpu.vector_store %arg10[%swap3A_728], %get3A_725 {add = true, strides = array<i32>} : memref<16384xf32, #tpu.memory_space<vmem>>, vector<16xf32>,
          %add3A_730 = arith.constant 16 : i32
          %add3A_731 = arith.addi %squeeze3A_717, %add3A_730 : i32
          %get3A_732 = arith.index_cast %add3A_731 : i32 to index
          %get3A_733 = tpu.vector_load %arg6[%get3A_732] {strides = array<i32>} : memref<32768xf32, #tpu.memory_space<vmem>>, vector<16xf32>,
          %add3A_734 = arith.constant 16 : i32
          %add3A_735 = arith.addi %mul3A_721, %add3A_734 : i32
          %swap3A_736 = arith.index_cast %add3A_735 : i32 to index
          %swap3A_737 = tpu.vector_load %arg10[%swap3A_736] {strides = array<i32>} : memref<16384xf32, #tpu.memory_space<vmem>>, vector<16xf32>,
          tpu.vector_store %arg10[%swap3A_736], %get3A_733 {add = true, strides = array<i32>} : memref<16384xf32, #tpu.memory_space<vmem>>, vector<16xf32>,
          %add3A_738 = arith.constant 32 : i32
          %add3A_739 = arith.addi %squeeze3A_717, %add3A_738 : i32
          %get3A_740 = arith.index_cast %add3A_739 : i32 to index
          %get3A_741 = tpu.vector_load %arg6[%get3A_740] {strides = array<i32>} : memref<32768xf32, #tpu.memory_space<vmem>>, vector<16xf32>,
          %add3A_742 = arith.constant 32 : i32
          %add3A_743 = arith.addi %mul3A_721, %add3A_742 : i32
          %swap3A_744 = arith.index_cast %add3A_743 : i32 to index
          %swap3A_745 = tpu.vector_load %arg10[%swap3A_744] {strides = array<i32>} : memref<16384xf32, #tpu.memory_space<vmem>>, vector<16xf32>,
          tpu.vector_store %arg10[%swap3A_744], %get3A_741 {add = true, strides = array<i32>} : memref<16384xf32, #tpu.memory_space<vmem>>, vector<16xf32>,
          %add3A_746 = arith.constant 48 : i32
          %add3A_747 = arith.addi %squeeze3A_717, %add3A_746 : i32
          %get3A_748 = arith.index_cast %add3A_747 : i32 to index
          %get3A_749 = tpu.vector_load %arg6[%get3A_748] {strides = array<i32>} : memref<32768xf32, #tpu.memory_space<vmem>>, vector<16xf32>,
          %add3A_750 = arith.constant 48 : i32
          %add3A_751 = arith.addi %mul3A_721, %add3A_750 : i32
          %swap3A_752 = arith.index_cast %add3A_751 : i32 to index
          %swap3A_753 = tpu.vector_load %arg10[%swap3A_752] {strides = array<i32>} : memref<16384xf32, #tpu.memory_space<vmem>>, vector<16xf32>,
          tpu.vector_store %arg10[%swap3A_752], %get3A_749 {add = true, strides = array<i32>} : memref<16384xf32, #tpu.memory_space<vmem>>, vector<16xf32>,
          %slice3A_754 = vector.extract_strided_slice %mul3A_677 {offsets = [2], sizes = [1], strides = [1]} : vector<16xi32> to vector<1xi32>
          %squeeze3A_755 = vector.extract %slice3A_754[0] : i32 from vector<1xi32>
          %add3A_756 = arith.constant 2 : i32
          %add3A_757 = arith.addi %mul3A_53, %add3A_756 : i32
          %mul3A_758 = arith.constant 64 : i32
          %mul3A_759 = arith.muli %add3A_757, %mul3A_758 : i32
          %add3A_760 = arith.constant 0 : i32
          %add3A_761 = arith.addi %squeeze3A_755, %add3A_760 : i32
          %get3A_762 = arith.index_cast %add3A_761 : i32 to index
          %get3A_763 = tpu.vector_load %arg6[%get3A_762] {strides = array<i32>} : memref<32768xf32, #tpu.memory_space<vmem>>, vector<16xf32>,
          %add3A_764 = arith.constant 0 : i32
          %add3A_765 = arith.addi %mul3A_759, %add3A_764 : i32
          %swap3A_766 = arith.index_cast %add3A_765 : i32 to index
          %swap3A_767 = tpu.vector_load %arg10[%swap3A_766] {strides = array<i32>} : memref<16384xf32, #tpu.memory_space<vmem>>, vector<16xf32>,
          tpu.vector_store %arg10[%swap3A_766], %get3A_763 {add = true, strides = array<i32>} : memref<16384xf32, #tpu.memory_space<vmem>>, vector<16xf32>,
          %add3A_768 = arith.constant 16 : i32
          %add3A_769 = arith.addi %squeeze3A_755, %add3A_768 : i32
          %get3A_770 = arith.index_cast %add3A_769 : i32 to index
          %get3A_771 = tpu.vector_load %arg6[%get3A_770] {strides = array<i32>} : memref<32768xf32, #tpu.memory_space<vmem>>, vector<16xf32>,
          %add3A_772 = arith.constant 16 : i32
          %add3A_773 = arith.addi %mul3A_759, %add3A_772 : i32
          %swap3A_774 = arith.index_cast %add3A_773 : i32 to index
          %swap3A_775 = tpu.vector_load %arg10[%swap3A_774] {strides = array<i32>} : memref<16384xf32, #tpu.memory_space<vmem>>, vector<16xf32>,
          tpu.vector_store %arg10[%swap3A_774], %get3A_771 {add = true, strides = array<i32>} : memref<16384xf32, #tpu.memory_space<vmem>>, vector<16xf32>,
          %add3A_776 = arith.constant 32 : i32
          %add3A_777 = arith.addi %squeeze3A_755, %add3A_776 : i32
          %get3A_778 = arith.index_cast %add3A_777 : i32 to index
          %get3A_779 = tpu.vector_load %arg6[%get3A_778] {strides = array<i32>} : memref<32768xf32, #tpu.memory_space<vmem>>, vector<16xf32>,
          %add3A_780 = arith.constant 32 : i32
          %add3A_781 = arith.addi %mul3A_759, %add3A_780 : i32
          %swap3A_782 = arith.index_cast %add3A_781 : i32 to index
          %swap3A_783 = tpu.vector_load %arg10[%swap3A_782] {strides = array<i32>} : memref<16384xf32, #tpu.memory_space<vmem>>, vector<16xf32>,
          tpu.vector_store %arg10[%swap3A_782], %get3A_779 {add = true, strides = array<i32>} : memref<16384xf32, #tpu.memory_space<vmem>>, vector<16xf32>,
          %add3A_784 = arith.constant 48 : i32
          %add3A_785 = arith.addi %squeeze3A_755, %add3A_784 : i32
          %get3A_786 = arith.index_cast %add3A_785 : i32 to index
          %get3A_787 = tpu.vector_load %arg6[%get3A_786] {strides = array<i32>} : memref<32768xf32, #tpu.memory_space<vmem>>, vector<16xf32>,
          %add3A_788 = arith.constant 48 : i32
          %add3A_789 = arith.addi %mul3A_759, %add3A_788 : i32
          %swap3A_790 = arith.index_cast %add3A_789 : i32 to index
          %swap3A_791 = tpu.vector_load %arg10[%swap3A_790] {strides = array<i32>} : memref<16384xf32, #tpu.memory_space<vmem>>, vector<16xf32>,
          tpu.vector_store %arg10[%swap3A_790], %get3A_787 {add = true, strides = array<i32>} : memref<16384xf32, #tpu.memory_space<vmem>>, vector<16xf32>,
          %slice3A_792 = vector.extract_strided_slice %mul3A_677 {offsets = [3], sizes = [1], strides = [1]} : vector<16xi32> to vector<1xi32>
          %squeeze3A_793 = vector.extract %slice3A_792[0] : i32 from vector<1xi32>
          %add3A_794 = arith.constant 3 : i32
          %add3A_795 = arith.addi %mul3A_53, %add3A_794 : i32
          %mul3A_796 = arith.constant 64 : i32
          %mul3A_797 = arith.muli %add3A_795, %mul3A_796 : i32
          %add3A_798 = arith.constant 0 : i32
          %add3A_799 = arith.addi %squeeze3A_793, %add3A_798 : i32
          %get3A_800 = arith.index_cast %add3A_799 : i32 to index
          %get3A_801 = tpu.vector_load %arg6[%get3A_800] {strides = array<i32>} : memref<32768xf32, #tpu.memory_space<vmem>>, vector<16xf32>,
          %add3A_802 = arith.constant 0 : i32
          %add3A_803 = arith.addi %mul3A_797, %add3A_802 : i32
          %swap3A_804 = arith.index_cast %add3A_803 : i32 to index
          %swap3A_805 = tpu.vector_load %arg10[%swap3A_804] {strides = array<i32>} : memref<16384xf32, #tpu.memory_space<vmem>>, vector<16xf32>,
          tpu.vector_store %arg10[%swap3A_804], %get3A_801 {add = true, strides = array<i32>} : memref<16384xf32, #tpu.memory_space<vmem>>, vector<16xf32>,
          %add3A_806 = arith.constant 16 : i32
          %add3A_807 = arith.addi %squeeze3A_793, %add3A_806 : i32
          %get3A_808 = arith.index_cast %add3A_807 : i32 to index
          %get3A_809 = tpu.vector_load %arg6[%get3A_808] {strides = array<i32>} : memref<32768xf32, #tpu.memory_space<vmem>>, vector<16xf32>,
          %add3A_810 = arith.constant 16 : i32
          %add3A_811 = arith.addi %mul3A_797, %add3A_810 : i32
          %swap3A_812 = arith.index_cast %add3A_811 : i32 to index
          %swap3A_813 = tpu.vector_load %arg10[%swap3A_812] {strides = array<i32>} : memref<16384xf32, #tpu.memory_space<vmem>>, vector<16xf32>,
          tpu.vector_store %arg10[%swap3A_812], %get3A_809 {add = true, strides = array<i32>} : memref<16384xf32, #tpu.memory_space<vmem>>, vector<16xf32>,
          %add3A_814 = arith.constant 32 : i32
          %add3A_815 = arith.addi %squeeze3A_793, %add3A_814 : i32
          %get3A_816 = arith.index_cast %add3A_815 : i32 to index
          %get3A_817 = tpu.vector_load %arg6[%get3A_816] {strides = array<i32>} : memref<32768xf32, #tpu.memory_space<vmem>>, vector<16xf32>,
          %add3A_818 = arith.constant 32 : i32
          %add3A_819 = arith.addi %mul3A_797, %add3A_818 : i32
          %swap3A_820 = arith.index_cast %add3A_819 : i32 to index
          %swap3A_821 = tpu.vector_load %arg10[%swap3A_820] {strides = array<i32>} : memref<16384xf32, #tpu.memory_space<vmem>>, vector<16xf32>,
          tpu.vector_store %arg10[%swap3A_820], %get3A_817 {add = true, strides = array<i32>} : memref<16384xf32, #tpu.memory_space<vmem>>, vector<16xf32>,
          %add3A_822 = arith.constant 48 : i32
          %add3A_823 = arith.addi %squeeze3A_793, %add3A_822 : i32
          %get3A_824 = arith.index_cast %add3A_823 : i32 to index
          %get3A_825 = tpu.vector_load %arg6[%get3A_824] {strides = array<i32>} : memref<32768xf32, #tpu.memory_space<vmem>>, vector<16xf32>,
          %add3A_826 = arith.constant 48 : i32
          %add3A_827 = arith.addi %mul3A_797, %add3A_826 : i32
          %swap3A_828 = arith.index_cast %add3A_827 : i32 to index
          %swap3A_829 = tpu.vector_load %arg10[%swap3A_828] {strides = array<i32>} : memref<16384xf32, #tpu.memory_space<vmem>>, vector<16xf32>,
          tpu.vector_store %arg10[%swap3A_828], %get3A_825 {add = true, strides = array<i32>} : memref<16384xf32, #tpu.memory_space<vmem>>, vector<16xf32>,
          %slice3A_830 = vector.extract_strided_slice %mul3A_677 {offsets = [4], sizes = [1], strides = [1]} : vector<16xi32> to vector<1xi32>
          %squeeze3A_831 = vector.extract %slice3A_830[0] : i32 from vector<1xi32>
          %add3A_832 = arith.constant 4 : i32
          %add3A_833 = arith.addi %mul3A_53, %add3A_832 : i32
          %mul3A_834 = arith.constant 64 : i32
          %mul3A_835 = arith.muli %add3A_833, %mul3A_834 : i32
          %add3A_836 = arith.constant 0 : i32
          %add3A_837 = arith.addi %squeeze3A_831, %add3A_836 : i32
          %get3A_838 = arith.index_cast %add3A_837 : i32 to index
          %get3A_839 = tpu.vector_load %arg6[%get3A_838] {strides = array<i32>} : memref<32768xf32, #tpu.memory_space<vmem>>, vector<16xf32>,
          %add3A_840 = arith.constant 0 : i32
          %add3A_841 = arith.addi %mul3A_835, %add3A_840 : i32
          %swap3A_842 = arith.index_cast %add3A_841 : i32 to index
          %swap3A_843 = tpu.vector_load %arg10[%swap3A_842] {strides = array<i32>} : memref<16384xf32, #tpu.memory_space<vmem>>, vector<16xf32>,
          tpu.vector_store %arg10[%swap3A_842], %get3A_839 {add = true, strides = array<i32>} : memref<16384xf32, #tpu.memory_space<vmem>>, vector<16xf32>,
          %add3A_844 = arith.constant 16 : i32
          %add3A_845 = arith.addi %squeeze3A_831, %add3A_844 : i32
          %get3A_846 = arith.index_cast %add3A_845 : i32 to index
          %get3A_847 = tpu.vector_load %arg6[%get3A_846] {strides = array<i32>} : memref<32768xf32, #tpu.memory_space<vmem>>, vector<16xf32>,
          %add3A_848 = arith.constant 16 : i32
          %add3A_849 = arith.addi %mul3A_835, %add3A_848 : i32
          %swap3A_850 = arith.index_cast %add3A_849 : i32 to index
          %swap3A_851 = tpu.vector_load %arg10[%swap3A_850] {strides = array<i32>} : memref<16384xf32, #tpu.memory_space<vmem>>, vector<16xf32>,
          tpu.vector_store %arg10[%swap3A_850], %get3A_847 {add = true, strides = array<i32>} : memref<16384xf32, #tpu.memory_space<vmem>>, vector<16xf32>,
          %add3A_852 = arith.constant 32 : i32
          %add3A_853 = arith.addi %squeeze3A_831, %add3A_852 : i32
          %get3A_854 = arith.index_cast %add3A_853 : i32 to index
          %get3A_855 = tpu.vector_load %arg6[%get3A_854] {strides = array<i32>} : memref<32768xf32, #tpu.memory_space<vmem>>, vector<16xf32>,
          %add3A_856 = arith.constant 32 : i32
          %add3A_857 = arith.addi %mul3A_835, %add3A_856 : i32
          %swap3A_858 = arith.index_cast %add3A_857 : i32 to index
          %swap3A_859 = tpu.vector_load %arg10[%swap3A_858] {strides = array<i32>} : memref<16384xf32, #tpu.memory_space<vmem>>, vector<16xf32>,
          tpu.vector_store %arg10[%swap3A_858], %get3A_855 {add = true, strides = array<i32>} : memref<16384xf32, #tpu.memory_space<vmem>>, vector<16xf32>,
          %add3A_860 = arith.constant 48 : i32
          %add3A_861 = arith.addi %squeeze3A_831, %add3A_860 : i32
          %get3A_862 = arith.index_cast %add3A_861 : i32 to index
          %get3A_863 = tpu.vector_load %arg6[%get3A_862] {strides = array<i32>} : memref<32768xf32, #tpu.memory_space<vmem>>, vector<16xf32>,
          %add3A_864 = arith.constant 48 : i32
          %add3A_865 = arith.addi %mul3A_835, %add3A_864 : i32
          %swap3A_866 = arith.index_cast %add3A_865 : i32 to index
          %swap3A_867 = tpu.vector_load %arg10[%swap3A_866] {strides = array<i32>} : memref<16384xf32, #tpu.memory_space<vmem>>, vector<16xf32>,
          tpu.vector_store %arg10[%swap3A_866], %get3A_863 {add = true, strides = array<i32>} : memref<16384xf32, #tpu.memory_space<vmem>>, vector<16xf32>,
          %slice3A_868 = vector.extract_strided_slice %mul3A_677 {offsets = [5], sizes = [1], strides = [1]} : vector<16xi32> to vector<1xi32>
          %squeeze3A_869 = vector.extract %slice3A_868[0] : i32 from vector<1xi32>
          %add3A_870 = arith.constant 5 : i32
          %add3A_871 = arith.addi %mul3A_53, %add3A_870 : i32
          %mul3A_872 = arith.constant 64 : i32
          %mul3A_873 = arith.muli %add3A_871, %mul3A_872 : i32
          %add3A_874 = arith.constant 0 : i32
          %add3A_875 = arith.addi %squeeze3A_869, %add3A_874 : i32
          %get3A_876 = arith.index_cast %add3A_875 : i32 to index
          %get3A_877 = tpu.vector_load %arg6[%get3A_876] {strides = array<i32>} : memref<32768xf32, #tpu.memory_space<vmem>>, vector<16xf32>,
          %add3A_878 = arith.constant 0 : i32
          %add3A_879 = arith.addi %mul3A_873, %add3A_878 : i32
          %swap3A_880 = arith.index_cast %add3A_879 : i32 to index
          %swap3A_881 = tpu.vector_load %arg10[%swap3A_880] {strides = array<i32>} : memref<16384xf32, #tpu.memory_space<vmem>>, vector<16xf32>,
          tpu.vector_store %arg10[%swap3A_880], %get3A_877 {add = true, strides = array<i32>} : memref<16384xf32, #tpu.memory_space<vmem>>, vector<16xf32>,
          %add3A_882 = arith.constant 16 : i32
          %add3A_883 = arith.addi %squeeze3A_869, %add3A_882 : i32
          %get3A_884 = arith.index_cast %add3A_883 : i32 to index
          %get3A_885 = tpu.vector_load %arg6[%get3A_884] {strides = array<i32>} : memref<32768xf32, #tpu.memory_space<vmem>>, vector<16xf32>,
          %add3A_886 = arith.constant 16 : i32
          %add3A_887 = arith.addi %mul3A_873, %add3A_886 : i32
          %swap3A_888 = arith.index_cast %add3A_887 : i32 to index
          %swap3A_889 = tpu.vector_load %arg10[%swap3A_888] {strides = array<i32>} : memref<16384xf32, #tpu.memory_space<vmem>>, vector<16xf32>,
          tpu.vector_store %arg10[%swap3A_888], %get3A_885 {add = true, strides = array<i32>} : memref<16384xf32, #tpu.memory_space<vmem>>, vector<16xf32>,
          %add3A_890 = arith.constant 32 : i32
          %add3A_891 = arith.addi %squeeze3A_869, %add3A_890 : i32
          %get3A_892 = arith.index_cast %add3A_891 : i32 to index
          %get3A_893 = tpu.vector_load %arg6[%get3A_892] {strides = array<i32>} : memref<32768xf32, #tpu.memory_space<vmem>>, vector<16xf32>,
          %add3A_894 = arith.constant 32 : i32
          %add3A_895 = arith.addi %mul3A_873, %add3A_894 : i32
          %swap3A_896 = arith.index_cast %add3A_895 : i32 to index
          %swap3A_897 = tpu.vector_load %arg10[%swap3A_896] {strides = array<i32>} : memref<16384xf32, #tpu.memory_space<vmem>>, vector<16xf32>,
          tpu.vector_store %arg10[%swap3A_896], %get3A_893 {add = true, strides = array<i32>} : memref<16384xf32, #tpu.memory_space<vmem>>, vector<16xf32>,
          %add3A_898 = arith.constant 48 : i32
          %add3A_899 = arith.addi %squeeze3A_869, %add3A_898 : i32
          %get3A_900 = arith.index_cast %add3A_899 : i32 to index
          %get3A_901 = tpu.vector_load %arg6[%get3A_900] {strides = array<i32>} : memref<32768xf32, #tpu.memory_space<vmem>>, vector<16xf32>,
          %add3A_902 = arith.constant 48 : i32
          %add3A_903 = arith.addi %mul3A_873, %add3A_902 : i32
          %swap3A_904 = arith.index_cast %add3A_903 : i32 to index
          %swap3A_905 = tpu.vector_load %arg10[%swap3A_904] {strides = array<i32>} : memref<16384xf32, #tpu.memory_space<vmem>>, vector<16xf32>,
          tpu.vector_store %arg10[%swap3A_904], %get3A_901 {add = true, strides = array<i32>} : memref<16384xf32, #tpu.memory_space<vmem>>, vector<16xf32>,
          %slice3A_906 = vector.extract_strided_slice %mul3A_677 {offsets = [6], sizes = [1], strides = [1]} : vector<16xi32> to vector<1xi32>
          %squeeze3A_907 = vector.extract %slice3A_906[0] : i32 from vector<1xi32>
          %add3A_908 = arith.constant 6 : i32
          %add3A_909 = arith.addi %mul3A_53, %add3A_908 : i32
          %mul3A_910 = arith.constant 64 : i32
          %mul3A_911 = arith.muli %add3A_909, %mul3A_910 : i32
          %add3A_912 = arith.constant 0 : i32
          %add3A_913 = arith.addi %squeeze3A_907, %add3A_912 : i32
          %get3A_914 = arith.index_cast %add3A_913 : i32 to index
          %get3A_915 = tpu.vector_load %arg6[%get3A_914] {strides = array<i32>} : memref<32768xf32, #tpu.memory_space<vmem>>, vector<16xf32>,
          %add3A_916 = arith.constant 0 : i32
          %add3A_917 = arith.addi %mul3A_911, %add3A_916 : i32
          %swap3A_918 = arith.index_cast %add3A_917 : i32 to index
          %swap3A_919 = tpu.vector_load %arg10[%swap3A_918] {strides = array<i32>} : memref<16384xf32, #tpu.memory_space<vmem>>, vector<16xf32>,
          tpu.vector_store %arg10[%swap3A_918], %get3A_915 {add = true, strides = array<i32>} : memref<16384xf32, #tpu.memory_space<vmem>>, vector<16xf32>,
          %add3A_920 = arith.constant 16 : i32
          %add3A_921 = arith.addi %squeeze3A_907, %add3A_920 : i32
          %get3A_922 = arith.index_cast %add3A_921 : i32 to index
          %get3A_923 = tpu.vector_load %arg6[%get3A_922] {strides = array<i32>} : memref<32768xf32, #tpu.memory_space<vmem>>, vector<16xf32>,
          %add3A_924 = arith.constant 16 : i32
          %add3A_925 = arith.addi %mul3A_911, %add3A_924 : i32
          %swap3A_926 = arith.index_cast %add3A_925 : i32 to index
          %swap3A_927 = tpu.vector_load %arg10[%swap3A_926] {strides = array<i32>} : memref<16384xf32, #tpu.memory_space<vmem>>, vector<16xf32>,
          tpu.vector_store %arg10[%swap3A_926], %get3A_923 {add = true, strides = array<i32>} : memref<16384xf32, #tpu.memory_space<vmem>>, vector<16xf32>,
          %add3A_928 = arith.constant 32 : i32
          %add3A_929 = arith.addi %squeeze3A_907, %add3A_928 : i32
          %get3A_930 = arith.index_cast %add3A_929 : i32 to index
          %get3A_931 = tpu.vector_load %arg6[%get3A_930] {strides = array<i32>} : memref<32768xf32, #tpu.memory_space<vmem>>, vector<16xf32>,
          %add3A_932 = arith.constant 32 : i32
          %add3A_933 = arith.addi %mul3A_911, %add3A_932 : i32
          %swap3A_934 = arith.index_cast %add3A_933 : i32 to index
          %swap3A_935 = tpu.vector_load %arg10[%swap3A_934] {strides = array<i32>} : memref<16384xf32, #tpu.memory_space<vmem>>, vector<16xf32>,
          tpu.vector_store %arg10[%swap3A_934], %get3A_931 {add = true, strides = array<i32>} : memref<16384xf32, #tpu.memory_space<vmem>>, vector<16xf32>,
          %add3A_936 = arith.constant 48 : i32
          %add3A_937 = arith.addi %squeeze3A_907, %add3A_936 : i32
          %get3A_938 = arith.index_cast %add3A_937 : i32 to index
          %get3A_939 = tpu.vector_load %arg6[%get3A_938] {strides = array<i32>} : memref<32768xf32, #tpu.memory_space<vmem>>, vector<16xf32>,
          %add3A_940 = arith.constant 48 : i32
          %add3A_941 = arith.addi %mul3A_911, %add3A_940 : i32
          %swap3A_942 = arith.index_cast %add3A_941 : i32 to index
          %swap3A_943 = tpu.vector_load %arg10[%swap3A_942] {strides = array<i32>} : memref<16384xf32, #tpu.memory_space<vmem>>, vector<16xf32>,
          tpu.vector_store %arg10[%swap3A_942], %get3A_939 {add = true, strides = array<i32>} : memref<16384xf32, #tpu.memory_space<vmem>>, vector<16xf32>,
          %slice3A_944 = vector.extract_strided_slice %mul3A_677 {offsets = [7], sizes = [1], strides = [1]} : vector<16xi32> to vector<1xi32>
          %squeeze3A_945 = vector.extract %slice3A_944[0] : i32 from vector<1xi32>
          %add3A_946 = arith.constant 7 : i32
          %add3A_947 = arith.addi %mul3A_53, %add3A_946 : i32
          %mul3A_948 = arith.constant 64 : i32
          %mul3A_949 = arith.muli %add3A_947, %mul3A_948 : i32
          %add3A_950 = arith.constant 0 : i32
          %add3A_951 = arith.addi %squeeze3A_945, %add3A_950 : i32
          %get3A_952 = arith.index_cast %add3A_951 : i32 to index
          %get3A_953 = tpu.vector_load %arg6[%get3A_952] {strides = array<i32>} : memref<32768xf32, #tpu.memory_space<vmem>>, vector<16xf32>,
          %add3A_954 = arith.constant 0 : i32
          %add3A_955 = arith.addi %mul3A_949, %add3A_954 : i32
          %swap3A_956 = arith.index_cast %add3A_955 : i32 to index
          %swap3A_957 = tpu.vector_load %arg10[%swap3A_956] {strides = array<i32>} : memref<16384xf32, #tpu.memory_space<vmem>>, vector<16xf32>,
          tpu.vector_store %arg10[%swap3A_956], %get3A_953 {add = true, strides = array<i32>} : memref<16384xf32, #tpu.memory_space<vmem>>, vector<16xf32>,
          %add3A_958 = arith.constant 16 : i32
          %add3A_959 = arith.addi %squeeze3A_945, %add3A_958 : i32
          %get3A_960 = arith.index_cast %add3A_959 : i32 to index
          %get3A_961 = tpu.vector_load %arg6[%get3A_960] {strides = array<i32>} : memref<32768xf32, #tpu.memory_space<vmem>>, vector<16xf32>,
          %add3A_962 = arith.constant 16 : i32
          %add3A_963 = arith.addi %mul3A_949, %add3A_962 : i32
          %swap3A_964 = arith.index_cast %add3A_963 : i32 to index
          %swap3A_965 = tpu.vector_load %arg10[%swap3A_964] {strides = array<i32>} : memref<16384xf32, #tpu.memory_space<vmem>>, vector<16xf32>,
          tpu.vector_store %arg10[%swap3A_964], %get3A_961 {add = true, strides = array<i32>} : memref<16384xf32, #tpu.memory_space<vmem>>, vector<16xf32>,
          %add3A_966 = arith.constant 32 : i32
          %add3A_967 = arith.addi %squeeze3A_945, %add3A_966 : i32
          %get3A_968 = arith.index_cast %add3A_967 : i32 to index
          %get3A_969 = tpu.vector_load %arg6[%get3A_968] {strides = array<i32>} : memref<32768xf32, #tpu.memory_space<vmem>>, vector<16xf32>,
          %add3A_970 = arith.constant 32 : i32
          %add3A_971 = arith.addi %mul3A_949, %add3A_970 : i32
          %swap3A_972 = arith.index_cast %add3A_971 : i32 to index
          %swap3A_973 = tpu.vector_load %arg10[%swap3A_972] {strides = array<i32>} : memref<16384xf32, #tpu.memory_space<vmem>>, vector<16xf32>,
          tpu.vector_store %arg10[%swap3A_972], %get3A_969 {add = true, strides = array<i32>} : memref<16384xf32, #tpu.memory_space<vmem>>, vector<16xf32>,
          %add3A_974 = arith.constant 48 : i32
          %add3A_975 = arith.addi %squeeze3A_945, %add3A_974 : i32
          %get3A_976 = arith.index_cast %add3A_975 : i32 to index
          %get3A_977 = tpu.vector_load %arg6[%get3A_976] {strides = array<i32>} : memref<32768xf32, #tpu.memory_space<vmem>>, vector<16xf32>,
          %add3A_978 = arith.constant 48 : i32
          %add3A_979 = arith.addi %mul3A_949, %add3A_978 : i32
          %swap3A_980 = arith.index_cast %add3A_979 : i32 to index
          %swap3A_981 = tpu.vector_load %arg10[%swap3A_980] {strides = array<i32>} : memref<16384xf32, #tpu.memory_space<vmem>>, vector<16xf32>,
          tpu.vector_store %arg10[%swap3A_980], %get3A_977 {add = true, strides = array<i32>} : memref<16384xf32, #tpu.memory_space<vmem>>, vector<16xf32>,
          %slice3A_982 = vector.extract_strided_slice %mul3A_677 {offsets = [8], sizes = [1], strides = [1]} : vector<16xi32> to vector<1xi32>
          %squeeze3A_983 = vector.extract %slice3A_982[0] : i32 from vector<1xi32>
          %add3A_984 = arith.constant 8 : i32
          %add3A_985 = arith.addi %mul3A_53, %add3A_984 : i32
          %mul3A_986 = arith.constant 64 : i32
          %mul3A_987 = arith.muli %add3A_985, %mul3A_986 : i32
          %add3A_988 = arith.constant 0 : i32
          %add3A_989 = arith.addi %squeeze3A_983, %add3A_988 : i32
          %get3A_990 = arith.index_cast %add3A_989 : i32 to index
          %get3A_991 = tpu.vector_load %arg6[%get3A_990] {strides = array<i32>} : memref<32768xf32, #tpu.memory_space<vmem>>, vector<16xf32>,
          %add3A_992 = arith.constant 0 : i32
          %add3A_993 = arith.addi %mul3A_987, %add3A_992 : i32
          %swap3A_994 = arith.index_cast %add3A_993 : i32 to index
          %swap3A_995 = tpu.vector_load %arg10[%swap3A_994] {strides = array<i32>} : memref<16384xf32, #tpu.memory_space<vmem>>, vector<16xf32>,
          tpu.vector_store %arg10[%swap3A_994], %get3A_991 {add = true, strides = array<i32>} : memref<16384xf32, #tpu.memory_space<vmem>>, vector<16xf32>,
          %add3A_996 = arith.constant 16 : i32
          %add3A_997 = arith.addi %squeeze3A_983, %add3A_996 : i32
          %get3A_998 = arith.index_cast %add3A_997 : i32 to index
          %get3A_999 = tpu.vector_load %arg6[%get3A_998] {strides = array<i32>} : memref<32768xf32, #tpu.memory_space<vmem>>, vector<16xf32>,
          %add3A_1000 = arith.constant 16 : i32
          %add3A_1001 = arith.addi %mul3A_987, %add3A_1000 : i32
          %swap3A_1002 = arith.index_cast %add3A_1001 : i32 to index
          %swap3A_1003 = tpu.vector_load %arg10[%swap3A_1002] {strides = array<i32>} : memref<16384xf32, #tpu.memory_space<vmem>>, vector<16xf32>,
          tpu.vector_store %arg10[%swap3A_1002], %get3A_999 {add = true, strides = array<i32>} : memref<16384xf32, #tpu.memory_space<vmem>>, vector<16xf32>,
          %add3A_1004 = arith.constant 32 : i32
          %add3A_1005 = arith.addi %squeeze3A_983, %add3A_1004 : i32
          %get3A_1006 = arith.index_cast %add3A_1005 : i32 to index
          %get3A_1007 = tpu.vector_load %arg6[%get3A_1006] {strides = array<i32>} : memref<32768xf32, #tpu.memory_space<vmem>>, vector<16xf32>,
          %add3A_1008 = arith.constant 32 : i32
          %add3A_1009 = arith.addi %mul3A_987, %add3A_1008 : i32
          %swap3A_1010 = arith.index_cast %add3A_1009 : i32 to index
          %swap3A_1011 = tpu.vector_load %arg10[%swap3A_1010] {strides = array<i32>} : memref<16384xf32, #tpu.memory_space<vmem>>, vector<16xf32>,
          tpu.vector_store %arg10[%swap3A_1010], %get3A_1007 {add = true, strides = array<i32>} : memref<16384xf32, #tpu.memory_space<vmem>>, vector<16xf32>,
          %add3A_1012 = arith.constant 48 : i32
          %add3A_1013 = arith.addi %squeeze3A_983, %add3A_1012 : i32
          %get3A_1014 = arith.index_cast %add3A_1013 : i32 to index
          %get3A_1015 = tpu.vector_load %arg6[%get3A_1014] {strides = array<i32>} : memref<32768xf32, #tpu.memory_space<vmem>>, vector<16xf32>,
          %add3A_1016 = arith.constant 48 : i32
          %add3A_1017 = arith.addi %mul3A_987, %add3A_1016 : i32
          %swap3A_1018 = arith.index_cast %add3A_1017 : i32 to index
          %swap3A_1019 = tpu.vector_load %arg10[%swap3A_1018] {strides = array<i32>} : memref<16384xf32, #tpu.memory_space<vmem>>, vector<16xf32>,
          tpu.vector_store %arg10[%swap3A_1018], %get3A_1015 {add = true, strides = array<i32>} : memref<16384xf32, #tpu.memory_space<vmem>>, vector<16xf32>,
          %slice3A_1020 = vector.extract_strided_slice %mul3A_677 {offsets = [9], sizes = [1], strides = [1]} : vector<16xi32> to vector<1xi32>
          %squeeze3A_1021 = vector.extract %slice3A_1020[0] : i32 from vector<1xi32>
          %add3A_1022 = arith.constant 9 : i32
          %add3A_1023 = arith.addi %mul3A_53, %add3A_1022 : i32
          %mul3A_1024 = arith.constant 64 : i32
          %mul3A_1025 = arith.muli %add3A_1023, %mul3A_1024 : i32
          %add3A_1026 = arith.constant 0 : i32
          %add3A_1027 = arith.addi %squeeze3A_1021, %add3A_1026 : i32
          %get3A_1028 = arith.index_cast %add3A_1027 : i32 to index
          %get3A_1029 = tpu.vector_load %arg6[%get3A_1028] {strides = array<i32>} : memref<32768xf32, #tpu.memory_space<vmem>>, vector<16xf32>,
          %add3A_1030 = arith.constant 0 : i32
          %add3A_1031 = arith.addi %mul3A_1025, %add3A_1030 : i32
          %swap3A_1032 = arith.index_cast %add3A_1031 : i32 to index
          %swap3A_1033 = tpu.vector_load %arg10[%swap3A_1032] {strides = array<i32>} : memref<16384xf32, #tpu.memory_space<vmem>>, vector<16xf32>,
          tpu.vector_store %arg10[%swap3A_1032], %get3A_1029 {add = true, strides = array<i32>} : memref<16384xf32, #tpu.memory_space<vmem>>, vector<16xf32>,
          %add3A_1034 = arith.constant 16 : i32
          %add3A_1035 = arith.addi %squeeze3A_1021, %add3A_1034 : i32
          %get3A_1036 = arith.index_cast %add3A_1035 : i32 to index
          %get3A_1037 = tpu.vector_load %arg6[%get3A_1036] {strides = array<i32>} : memref<32768xf32, #tpu.memory_space<vmem>>, vector<16xf32>,
          %add3A_1038 = arith.constant 16 : i32
          %add3A_1039 = arith.addi %mul3A_1025, %add3A_1038 : i32
          %swap3A_1040 = arith.index_cast %add3A_1039 : i32 to index
          %swap3A_1041 = tpu.vector_load %arg10[%swap3A_1040] {strides = array<i32>} : memref<16384xf32, #tpu.memory_space<vmem>>, vector<16xf32>,
          tpu.vector_store %arg10[%swap3A_1040], %get3A_1037 {add = true, strides = array<i32>} : memref<16384xf32, #tpu.memory_space<vmem>>, vector<16xf32>,
          %add3A_1042 = arith.constant 32 : i32
          %add3A_1043 = arith.addi %squeeze3A_1021, %add3A_1042 : i32
          %get3A_1044 = arith.index_cast %add3A_1043 : i32 to index
          %get3A_1045 = tpu.vector_load %arg6[%get3A_1044] {strides = array<i32>} : memref<32768xf32, #tpu.memory_space<vmem>>, vector<16xf32>,
          %add3A_1046 = arith.constant 32 : i32
          %add3A_1047 = arith.addi %mul3A_1025, %add3A_1046 : i32
          %swap3A_1048 = arith.index_cast %add3A_1047 : i32 to index
          %swap3A_1049 = tpu.vector_load %arg10[%swap3A_1048] {strides = array<i32>} : memref<16384xf32, #tpu.memory_space<vmem>>, vector<16xf32>,
          tpu.vector_store %arg10[%swap3A_1048], %get3A_1045 {add = true, strides = array<i32>} : memref<16384xf32, #tpu.memory_space<vmem>>, vector<16xf32>,
          %add3A_1050 = arith.constant 48 : i32
          %add3A_1051 = arith.addi %squeeze3A_1021, %add3A_1050 : i32
          %get3A_1052 = arith.index_cast %add3A_1051 : i32 to index
          %get3A_1053 = tpu.vector_load %arg6[%get3A_1052] {strides = array<i32>} : memref<32768xf32, #tpu.memory_space<vmem>>, vector<16xf32>,
          %add3A_1054 = arith.constant 48 : i32
          %add3A_1055 = arith.addi %mul3A_1025, %add3A_1054 : i32
          %swap3A_1056 = arith.index_cast %add3A_1055 : i32 to index
          %swap3A_1057 = tpu.vector_load %arg10[%swap3A_1056] {strides = array<i32>} : memref<16384xf32, #tpu.memory_space<vmem>>, vector<16xf32>,
          tpu.vector_store %arg10[%swap3A_1056], %get3A_1053 {add = true, strides = array<i32>} : memref<16384xf32, #tpu.memory_space<vmem>>, vector<16xf32>,
          %slice3A_1058 = vector.extract_strided_slice %mul3A_677 {offsets = [10], sizes = [1], strides = [1]} : vector<16xi32> to vector<1xi32>
          %squeeze3A_1059 = vector.extract %slice3A_1058[0] : i32 from vector<1xi32>
          %add3A_1060 = arith.constant 10 : i32
          %add3A_1061 = arith.addi %mul3A_53, %add3A_1060 : i32
          %mul3A_1062 = arith.constant 64 : i32
          %mul3A_1063 = arith.muli %add3A_1061, %mul3A_1062 : i32
          %add3A_1064 = arith.constant 0 : i32
          %add3A_1065 = arith.addi %squeeze3A_1059, %add3A_1064 : i32
          %get3A_1066 = arith.index_cast %add3A_1065 : i32 to index
          %get3A_1067 = tpu.vector_load %arg6[%get3A_1066] {strides = array<i32>} : memref<32768xf32, #tpu.memory_space<vmem>>, vector<16xf32>,
          %add3A_1068 = arith.constant 0 : i32
          %add3A_1069 = arith.addi %mul3A_1063, %add3A_1068 : i32
          %swap3A_1070 = arith.index_cast %add3A_1069 : i32 to index
          %swap3A_1071 = tpu.vector_load %arg10[%swap3A_1070] {strides = array<i32>} : memref<16384xf32, #tpu.memory_space<vmem>>, vector<16xf32>,
          tpu.vector_store %arg10[%swap3A_1070], %get3A_1067 {add = true, strides = array<i32>} : memref<16384xf32, #tpu.memory_space<vmem>>, vector<16xf32>,
          %add3A_1072 = arith.constant 16 : i32
          %add3A_1073 = arith.addi %squeeze3A_1059, %add3A_1072 : i32
          %get3A_1074 = arith.index_cast %add3A_1073 : i32 to index
          %get3A_1075 = tpu.vector_load %arg6[%get3A_1074] {strides = array<i32>} : memref<32768xf32, #tpu.memory_space<vmem>>, vector<16xf32>,
          %add3A_1076 = arith.constant 16 : i32
          %add3A_1077 = arith.addi %mul3A_1063, %add3A_1076 : i32
          %swap3A_1078 = arith.index_cast %add3A_1077 : i32 to index
          %swap3A_1079 = tpu.vector_load %arg10[%swap3A_1078] {strides = array<i32>} : memref<16384xf32, #tpu.memory_space<vmem>>, vector<16xf32>,
          tpu.vector_store %arg10[%swap3A_1078], %get3A_1075 {add = true, strides = array<i32>} : memref<16384xf32, #tpu.memory_space<vmem>>, vector<16xf32>,
          %add3A_1080 = arith.constant 32 : i32
          %add3A_1081 = arith.addi %squeeze3A_1059, %add3A_1080 : i32
          %get3A_1082 = arith.index_cast %add3A_1081 : i32 to index
          %get3A_1083 = tpu.vector_load %arg6[%get3A_1082] {strides = array<i32>} : memref<32768xf32, #tpu.memory_space<vmem>>, vector<16xf32>,
          %add3A_1084 = arith.constant 32 : i32
          %add3A_1085 = arith.addi %mul3A_1063, %add3A_1084 : i32
          %swap3A_1086 = arith.index_cast %add3A_1085 : i32 to index
          %swap3A_1087 = tpu.vector_load %arg10[%swap3A_1086] {strides = array<i32>} : memref<16384xf32, #tpu.memory_space<vmem>>, vector<16xf32>,
          tpu.vector_store %arg10[%swap3A_1086], %get3A_1083 {add = true, strides = array<i32>} : memref<16384xf32, #tpu.memory_space<vmem>>, vector<16xf32>,
          %add3A_1088 = arith.constant 48 : i32
          %add3A_1089 = arith.addi %squeeze3A_1059, %add3A_1088 : i32
          %get3A_1090 = arith.index_cast %add3A_1089 : i32 to index
          %get3A_1091 = tpu.vector_load %arg6[%get3A_1090] {strides = array<i32>} : memref<32768xf32, #tpu.memory_space<vmem>>, vector<16xf32>,
          %add3A_1092 = arith.constant 48 : i32
          %add3A_1093 = arith.addi %mul3A_1063, %add3A_1092 : i32
          %swap3A_1094 = arith.index_cast %add3A_1093 : i32 to index
          %swap3A_1095 = tpu.vector_load %arg10[%swap3A_1094] {strides = array<i32>} : memref<16384xf32, #tpu.memory_space<vmem>>, vector<16xf32>,
          tpu.vector_store %arg10[%swap3A_1094], %get3A_1091 {add = true, strides = array<i32>} : memref<16384xf32, #tpu.memory_space<vmem>>, vector<16xf32>,
          %slice3A_1096 = vector.extract_strided_slice %mul3A_677 {offsets = [11], sizes = [1], strides = [1]} : vector<16xi32> to vector<1xi32>
          %squeeze3A_1097 = vector.extract %slice3A_1096[0] : i32 from vector<1xi32>
          %add3A_1098 = arith.constant 11 : i32
          %add3A_1099 = arith.addi %mul3A_53, %add3A_1098 : i32
          %mul3A_1100 = arith.constant 64 : i32
          %mul3A_1101 = arith.muli %add3A_1099, %mul3A_1100 : i32
          %add3A_1102 = arith.constant 0 : i32
          %add3A_1103 = arith.addi %squeeze3A_1097, %add3A_1102 : i32
          %get3A_1104 = arith.index_cast %add3A_1103 : i32 to index
          %get3A_1105 = tpu.vector_load %arg6[%get3A_1104] {strides = array<i32>} : memref<32768xf32, #tpu.memory_space<vmem>>, vector<16xf32>,
          %add3A_1106 = arith.constant 0 : i32
          %add3A_1107 = arith.addi %mul3A_1101, %add3A_1106 : i32
          %swap3A_1108 = arith.index_cast %add3A_1107 : i32 to index
          %swap3A_1109 = tpu.vector_load %arg10[%swap3A_1108] {strides = array<i32>} : memref<16384xf32, #tpu.memory_space<vmem>>, vector<16xf32>,
          tpu.vector_store %arg10[%swap3A_1108], %get3A_1105 {add = true, strides = array<i32>} : memref<16384xf32, #tpu.memory_space<vmem>>, vector<16xf32>,
          %add3A_1110 = arith.constant 16 : i32
          %add3A_1111 = arith.addi %squeeze3A_1097, %add3A_1110 : i32
          %get3A_1112 = arith.index_cast %add3A_1111 : i32 to index
          %get3A_1113 = tpu.vector_load %arg6[%get3A_1112] {strides = array<i32>} : memref<32768xf32, #tpu.memory_space<vmem>>, vector<16xf32>,
          %add3A_1114 = arith.constant 16 : i32
          %add3A_1115 = arith.addi %mul3A_1101, %add3A_1114 : i32
          %swap3A_1116 = arith.index_cast %add3A_1115 : i32 to index
          %swap3A_1117 = tpu.vector_load %arg10[%swap3A_1116] {strides = array<i32>} : memref<16384xf32, #tpu.memory_space<vmem>>, vector<16xf32>,
          tpu.vector_store %arg10[%swap3A_1116], %get3A_1113 {add = true, strides = array<i32>} : memref<16384xf32, #tpu.memory_space<vmem>>, vector<16xf32>,
          %add3A_1118 = arith.constant 32 : i32
          %add3A_1119 = arith.addi %squeeze3A_1097, %add3A_1118 : i32
          %get3A_1120 = arith.index_cast %add3A_1119 : i32 to index
          %get3A_1121 = tpu.vector_load %arg6[%get3A_1120] {strides = array<i32>} : memref<32768xf32, #tpu.memory_space<vmem>>, vector<16xf32>,
          %add3A_1122 = arith.constant 32 : i32
          %add3A_1123 = arith.addi %mul3A_1101, %add3A_1122 : i32
          %swap3A_1124 = arith.index_cast %add3A_1123 : i32 to index
          %swap3A_1125 = tpu.vector_load %arg10[%swap3A_1124] {strides = array<i32>} : memref<16384xf32, #tpu.memory_space<vmem>>, vector<16xf32>,
          tpu.vector_store %arg10[%swap3A_1124], %get3A_1121 {add = true, strides = array<i32>} : memref<16384xf32, #tpu.memory_space<vmem>>, vector<16xf32>,
          %add3A_1126 = arith.constant 48 : i32
          %add3A_1127 = arith.addi %squeeze3A_1097, %add3A_1126 : i32
          %get3A_1128 = arith.index_cast %add3A_1127 : i32 to index
          %get3A_1129 = tpu.vector_load %arg6[%get3A_1128] {strides = array<i32>} : memref<32768xf32, #tpu.memory_space<vmem>>, vector<16xf32>,
          %add3A_1130 = arith.constant 48 : i32
          %add3A_1131 = arith.addi %mul3A_1101, %add3A_1130 : i32
          %swap3A_1132 = arith.index_cast %add3A_1131 : i32 to index
          %swap3A_1133 = tpu.vector_load %arg10[%swap3A_1132] {strides = array<i32>} : memref<16384xf32, #tpu.memory_space<vmem>>, vector<16xf32>,
          tpu.vector_store %arg10[%swap3A_1132], %get3A_1129 {add = true, strides = array<i32>} : memref<16384xf32, #tpu.memory_space<vmem>>, vector<16xf32>,
          %slice3A_1134 = vector.extract_strided_slice %mul3A_677 {offsets = [12], sizes = [1], strides = [1]} : vector<16xi32> to vector<1xi32>
          %squeeze3A_1135 = vector.extract %slice3A_1134[0] : i32 from vector<1xi32>
          %add3A_1136 = arith.constant 12 : i32
          %add3A_1137 = arith.addi %mul3A_53, %add3A_1136 : i32
          %mul3A_1138 = arith.constant 64 : i32
          %mul3A_1139 = arith.muli %add3A_1137, %mul3A_1138 : i32
          %add3A_1140 = arith.constant 0 : i32
          %add3A_1141 = arith.addi %squeeze3A_1135, %add3A_1140 : i32
          %get3A_1142 = arith.index_cast %add3A_1141 : i32 to index
          %get3A_1143 = tpu.vector_load %arg6[%get3A_1142] {strides = array<i32>} : memref<32768xf32, #tpu.memory_space<vmem>>, vector<16xf32>,
          %add3A_1144 = arith.constant 0 : i32
          %add3A_1145 = arith.addi %mul3A_1139, %add3A_1144 : i32
          %swap3A_1146 = arith.index_cast %add3A_1145 : i32 to index
          %swap3A_1147 = tpu.vector_load %arg10[%swap3A_1146] {strides = array<i32>} : memref<16384xf32, #tpu.memory_space<vmem>>, vector<16xf32>,
          tpu.vector_store %arg10[%swap3A_1146], %get3A_1143 {add = true, strides = array<i32>} : memref<16384xf32, #tpu.memory_space<vmem>>, vector<16xf32>,
          %add3A_1148 = arith.constant 16 : i32
          %add3A_1149 = arith.addi %squeeze3A_1135, %add3A_1148 : i32
          %get3A_1150 = arith.index_cast %add3A_1149 : i32 to index
          %get3A_1151 = tpu.vector_load %arg6[%get3A_1150] {strides = array<i32>} : memref<32768xf32, #tpu.memory_space<vmem>>, vector<16xf32>,
          %add3A_1152 = arith.constant 16 : i32
          %add3A_1153 = arith.addi %mul3A_1139, %add3A_1152 : i32
          %swap3A_1154 = arith.index_cast %add3A_1153 : i32 to index
          %swap3A_1155 = tpu.vector_load %arg10[%swap3A_1154] {strides = array<i32>} : memref<16384xf32, #tpu.memory_space<vmem>>, vector<16xf32>,
          tpu.vector_store %arg10[%swap3A_1154], %get3A_1151 {add = true, strides = array<i32>} : memref<16384xf32, #tpu.memory_space<vmem>>, vector<16xf32>,
          %add3A_1156 = arith.constant 32 : i32
          %add3A_1157 = arith.addi %squeeze3A_1135, %add3A_1156 : i32
          %get3A_1158 = arith.index_cast %add3A_1157 : i32 to index
          %get3A_1159 = tpu.vector_load %arg6[%get3A_1158] {strides = array<i32>} : memref<32768xf32, #tpu.memory_space<vmem>>, vector<16xf32>,
          %add3A_1160 = arith.constant 32 : i32
          %add3A_1161 = arith.addi %mul3A_1139, %add3A_1160 : i32
          %swap3A_1162 = arith.index_cast %add3A_1161 : i32 to index
          %swap3A_1163 = tpu.vector_load %arg10[%swap3A_1162] {strides = array<i32>} : memref<16384xf32, #tpu.memory_space<vmem>>, vector<16xf32>,
          tpu.vector_store %arg10[%swap3A_1162], %get3A_1159 {add = true, strides = array<i32>} : memref<16384xf32, #tpu.memory_space<vmem>>, vector<16xf32>,
          %add3A_1164 = arith.constant 48 : i32
          %add3A_1165 = arith.addi %squeeze3A_1135, %add3A_1164 : i32
          %get3A_1166 = arith.index_cast %add3A_1165 : i32 to index
          %get3A_1167 = tpu.vector_load %arg6[%get3A_1166] {strides = array<i32>} : memref<32768xf32, #tpu.memory_space<vmem>>, vector<16xf32>,
          %add3A_1168 = arith.constant 48 : i32
          %add3A_1169 = arith.addi %mul3A_1139, %add3A_1168 : i32
          %swap3A_1170 = arith.index_cast %add3A_1169 : i32 to index
          %swap3A_1171 = tpu.vector_load %arg10[%swap3A_1170] {strides = array<i32>} : memref<16384xf32, #tpu.memory_space<vmem>>, vector<16xf32>,
          tpu.vector_store %arg10[%swap3A_1170], %get3A_1167 {add = true, strides = array<i32>} : memref<16384xf32, #tpu.memory_space<vmem>>, vector<16xf32>,
          %slice3A_1172 = vector.extract_strided_slice %mul3A_677 {offsets = [13], sizes = [1], strides = [1]} : vector<16xi32> to vector<1xi32>
          %squeeze3A_1173 = vector.extract %slice3A_1172[0] : i32 from vector<1xi32>
          %add3A_1174 = arith.constant 13 : i32
          %add3A_1175 = arith.addi %mul3A_53, %add3A_1174 : i32
          %mul3A_1176 = arith.constant 64 : i32
          %mul3A_1177 = arith.muli %add3A_1175, %mul3A_1176 : i32
          %add3A_1178 = arith.constant 0 : i32
          %add3A_1179 = arith.addi %squeeze3A_1173, %add3A_1178 : i32
          %get3A_1180 = arith.index_cast %add3A_1179 : i32 to index
          %get3A_1181 = tpu.vector_load %arg6[%get3A_1180] {strides = array<i32>} : memref<32768xf32, #tpu.memory_space<vmem>>, vector<16xf32>,
          %add3A_1182 = arith.constant 0 : i32
          %add3A_1183 = arith.addi %mul3A_1177, %add3A_1182 : i32
          %swap3A_1184 = arith.index_cast %add3A_1183 : i32 to index
          %swap3A_1185 = tpu.vector_load %arg10[%swap3A_1184] {strides = array<i32>} : memref<16384xf32, #tpu.memory_space<vmem>>, vector<16xf32>,
          tpu.vector_store %arg10[%swap3A_1184], %get3A_1181 {add = true, strides = array<i32>} : memref<16384xf32, #tpu.memory_space<vmem>>, vector<16xf32>,
          %add3A_1186 = arith.constant 16 : i32
          %add3A_1187 = arith.addi %squeeze3A_1173, %add3A_1186 : i32
          %get3A_1188 = arith.index_cast %add3A_1187 : i32 to index
          %get3A_1189 = tpu.vector_load %arg6[%get3A_1188] {strides = array<i32>} : memref<32768xf32, #tpu.memory_space<vmem>>, vector<16xf32>,
          %add3A_1190 = arith.constant 16 : i32
          %add3A_1191 = arith.addi %mul3A_1177, %add3A_1190 : i32
          %swap3A_1192 = arith.index_cast %add3A_1191 : i32 to index
          %swap3A_1193 = tpu.vector_load %arg10[%swap3A_1192] {strides = array<i32>} : memref<16384xf32, #tpu.memory_space<vmem>>, vector<16xf32>,
          tpu.vector_store %arg10[%swap3A_1192], %get3A_1189 {add = true, strides = array<i32>} : memref<16384xf32, #tpu.memory_space<vmem>>, vector<16xf32>,
          %add3A_1194 = arith.constant 32 : i32
          %add3A_1195 = arith.addi %squeeze3A_1173, %add3A_1194 : i32
          %get3A_1196 = arith.index_cast %add3A_1195 : i32 to index
          %get3A_1197 = tpu.vector_load %arg6[%get3A_1196] {strides = array<i32>} : memref<32768xf32, #tpu.memory_space<vmem>>, vector<16xf32>,
          %add3A_1198 = arith.constant 32 : i32
          %add3A_1199 = arith.addi %mul3A_1177, %add3A_1198 : i32
          %swap3A_1200 = arith.index_cast %add3A_1199 : i32 to index
          %swap3A_1201 = tpu.vector_load %arg10[%swap3A_1200] {strides = array<i32>} : memref<16384xf32, #tpu.memory_space<vmem>>, vector<16xf32>,
          tpu.vector_store %arg10[%swap3A_1200], %get3A_1197 {add = true, strides = array<i32>} : memref<16384xf32, #tpu.memory_space<vmem>>, vector<16xf32>,
          %add3A_1202 = arith.constant 48 : i32
          %add3A_1203 = arith.addi %squeeze3A_1173, %add3A_1202 : i32
          %get3A_1204 = arith.index_cast %add3A_1203 : i32 to index
          %get3A_1205 = tpu.vector_load %arg6[%get3A_1204] {strides = array<i32>} : memref<32768xf32, #tpu.memory_space<vmem>>, vector<16xf32>,
          %add3A_1206 = arith.constant 48 : i32
          %add3A_1207 = arith.addi %mul3A_1177, %add3A_1206 : i32
          %swap3A_1208 = arith.index_cast %add3A_1207 : i32 to index
          %swap3A_1209 = tpu.vector_load %arg10[%swap3A_1208] {strides = array<i32>} : memref<16384xf32, #tpu.memory_space<vmem>>, vector<16xf32>,
          tpu.vector_store %arg10[%swap3A_1208], %get3A_1205 {add = true, strides = array<i32>} : memref<16384xf32, #tpu.memory_space<vmem>>, vector<16xf32>,
          %slice3A_1210 = vector.extract_strided_slice %mul3A_677 {offsets = [14], sizes = [1], strides = [1]} : vector<16xi32> to vector<1xi32>
          %squeeze3A_1211 = vector.extract %slice3A_1210[0] : i32 from vector<1xi32>
          %add3A_1212 = arith.constant 14 : i32
          %add3A_1213 = arith.addi %mul3A_53, %add3A_1212 : i32
          %mul3A_1214 = arith.constant 64 : i32
          %mul3A_1215 = arith.muli %add3A_1213, %mul3A_1214 : i32
          %add3A_1216 = arith.constant 0 : i32
          %add3A_1217 = arith.addi %squeeze3A_1211, %add3A_1216 : i32
          %get3A_1218 = arith.index_cast %add3A_1217 : i32 to index
          %get3A_1219 = tpu.vector_load %arg6[%get3A_1218] {strides = array<i32>} : memref<32768xf32, #tpu.memory_space<vmem>>, vector<16xf32>,
          %add3A_1220 = arith.constant 0 : i32
          %add3A_1221 = arith.addi %mul3A_1215, %add3A_1220 : i32
          %swap3A_1222 = arith.index_cast %add3A_1221 : i32 to index
          %swap3A_1223 = tpu.vector_load %arg10[%swap3A_1222] {strides = array<i32>} : memref<16384xf32, #tpu.memory_space<vmem>>, vector<16xf32>,
          tpu.vector_store %arg10[%swap3A_1222], %get3A_1219 {add = true, strides = array<i32>} : memref<16384xf32, #tpu.memory_space<vmem>>, vector<16xf32>,
          %add3A_1224 = arith.constant 16 : i32
          %add3A_1225 = arith.addi %squeeze3A_1211, %add3A_1224 : i32
          %get3A_1226 = arith.index_cast %add3A_1225 : i32 to index
          %get3A_1227 = tpu.vector_load %arg6[%get3A_1226] {strides = array<i32>} : memref<32768xf32, #tpu.memory_space<vmem>>, vector<16xf32>,
          %add3A_1228 = arith.constant 16 : i32
          %add3A_1229 = arith.addi %mul3A_1215, %add3A_1228 : i32
          %swap3A_1230 = arith.index_cast %add3A_1229 : i32 to index
          %swap3A_1231 = tpu.vector_load %arg10[%swap3A_1230] {strides = array<i32>} : memref<16384xf32, #tpu.memory_space<vmem>>, vector<16xf32>,
          tpu.vector_store %arg10[%swap3A_1230], %get3A_1227 {add = true, strides = array<i32>} : memref<16384xf32, #tpu.memory_space<vmem>>, vector<16xf32>,
          %add3A_1232 = arith.constant 32 : i32
          %add3A_1233 = arith.addi %squeeze3A_1211, %add3A_1232 : i32
          %get3A_1234 = arith.index_cast %add3A_1233 : i32 to index
          %get3A_1235 = tpu.vector_load %arg6[%get3A_1234] {strides = array<i32>} : memref<32768xf32, #tpu.memory_space<vmem>>, vector<16xf32>,
          %add3A_1236 = arith.constant 32 : i32
          %add3A_1237 = arith.addi %mul3A_1215, %add3A_1236 : i32
          %swap3A_1238 = arith.index_cast %add3A_1237 : i32 to index
          %swap3A_1239 = tpu.vector_load %arg10[%swap3A_1238] {strides = array<i32>} : memref<16384xf32, #tpu.memory_space<vmem>>, vector<16xf32>,
          tpu.vector_store %arg10[%swap3A_1238], %get3A_1235 {add = true, strides = array<i32>} : memref<16384xf32, #tpu.memory_space<vmem>>, vector<16xf32>,
          %add3A_1240 = arith.constant 48 : i32
          %add3A_1241 = arith.addi %squeeze3A_1211, %add3A_1240 : i32
          %get3A_1242 = arith.index_cast %add3A_1241 : i32 to index
          %get3A_1243 = tpu.vector_load %arg6[%get3A_1242] {strides = array<i32>} : memref<32768xf32, #tpu.memory_space<vmem>>, vector<16xf32>,
          %add3A_1244 = arith.constant 48 : i32
          %add3A_1245 = arith.addi %mul3A_1215, %add3A_1244 : i32
          %swap3A_1246 = arith.index_cast %add3A_1245 : i32 to index
          %swap3A_1247 = tpu.vector_load %arg10[%swap3A_1246] {strides = array<i32>} : memref<16384xf32, #tpu.memory_space<vmem>>, vector<16xf32>,
          tpu.vector_store %arg10[%swap3A_1246], %get3A_1243 {add = true, strides = array<i32>} : memref<16384xf32, #tpu.memory_space<vmem>>, vector<16xf32>,
          %slice3A_1248 = vector.extract_strided_slice %mul3A_677 {offsets = [15], sizes = [1], strides = [1]} : vector<16xi32> to vector<1xi32>
          %squeeze3A_1249 = vector.extract %slice3A_1248[0] : i32 from vector<1xi32>
          %add3A_1250 = arith.constant 15 : i32
          %add3A_1251 = arith.addi %mul3A_53, %add3A_1250 : i32
          %mul3A_1252 = arith.constant 64 : i32
          %mul3A_1253 = arith.muli %add3A_1251, %mul3A_1252 : i32
          %add3A_1254 = arith.constant 0 : i32
          %add3A_1255 = arith.addi %squeeze3A_1249, %add3A_1254 : i32
          %get3A_1256 = arith.index_cast %add3A_1255 : i32 to index
          %get3A_1257 = tpu.vector_load %arg6[%get3A_1256] {strides = array<i32>} : memref<32768xf32, #tpu.memory_space<vmem>>, vector<16xf32>,
          %add3A_1258 = arith.constant 0 : i32
          %add3A_1259 = arith.addi %mul3A_1253, %add3A_1258 : i32
          %swap3A_1260 = arith.index_cast %add3A_1259 : i32 to index
          %swap3A_1261 = tpu.vector_load %arg10[%swap3A_1260] {strides = array<i32>} : memref<16384xf32, #tpu.memory_space<vmem>>, vector<16xf32>,
          tpu.vector_store %arg10[%swap3A_1260], %get3A_1257 {add = true, strides = array<i32>} : memref<16384xf32, #tpu.memory_space<vmem>>, vector<16xf32>,
          %add3A_1262 = arith.constant 16 : i32
          %add3A_1263 = arith.addi %squeeze3A_1249, %add3A_1262 : i32
          %get3A_1264 = arith.index_cast %add3A_1263 : i32 to index
          %get3A_1265 = tpu.vector_load %arg6[%get3A_1264] {strides = array<i32>} : memref<32768xf32, #tpu.memory_space<vmem>>, vector<16xf32>,
          %add3A_1266 = arith.constant 16 : i32
          %add3A_1267 = arith.addi %mul3A_1253, %add3A_1266 : i32
          %swap3A_1268 = arith.index_cast %add3A_1267 : i32 to index
          %swap3A_1269 = tpu.vector_load %arg10[%swap3A_1268] {strides = array<i32>} : memref<16384xf32, #tpu.memory_space<vmem>>, vector<16xf32>,
          tpu.vector_store %arg10[%swap3A_1268], %get3A_1265 {add = true, strides = array<i32>} : memref<16384xf32, #tpu.memory_space<vmem>>, vector<16xf32>,
          %add3A_1270 = arith.constant 32 : i32
          %add3A_1271 = arith.addi %squeeze3A_1249, %add3A_1270 : i32
          %get3A_1272 = arith.index_cast %add3A_1271 : i32 to index
          %get3A_1273 = tpu.vector_load %arg6[%get3A_1272] {strides = array<i32>} : memref<32768xf32, #tpu.memory_space<vmem>>, vector<16xf32>,
          %add3A_1274 = arith.constant 32 : i32
          %add3A_1275 = arith.addi %mul3A_1253, %add3A_1274 : i32
          %swap3A_1276 = arith.index_cast %add3A_1275 : i32 to index
          %swap3A_1277 = tpu.vector_load %arg10[%swap3A_1276] {strides = array<i32>} : memref<16384xf32, #tpu.memory_space<vmem>>, vector<16xf32>,
          tpu.vector_store %arg10[%swap3A_1276], %get3A_1273 {add = true, strides = array<i32>} : memref<16384xf32, #tpu.memory_space<vmem>>, vector<16xf32>,
          %add3A_1278 = arith.constant 48 : i32
          %add3A_1279 = arith.addi %squeeze3A_1249, %add3A_1278 : i32
          %get3A_1280 = arith.index_cast %add3A_1279 : i32 to index
          %get3A_1281 = tpu.vector_load %arg6[%get3A_1280] {strides = array<i32>} : memref<32768xf32, #tpu.memory_space<vmem>>, vector<16xf32>,
          %add3A_1282 = arith.constant 48 : i32
          %add3A_1283 = arith.addi %mul3A_1253, %add3A_1282 : i32
          %swap3A_1284 = arith.index_cast %add3A_1283 : i32 to index
          %swap3A_1285 = tpu.vector_load %arg10[%swap3A_1284] {strides = array<i32>} : memref<16384xf32, #tpu.memory_space<vmem>>, vector<16xf32>,
          tpu.vector_store %arg10[%swap3A_1284], %get3A_1281 {add = true, strides = array<i32>} : memref<16384xf32, #tpu.memory_space<vmem>>, vector<16xf32>,
          scf.yield %add3A_674 : vector<16xf32>
        }
        %scan3A_59 = arith.constant 32 : i32
        %max3A = arith.constant 1.000000e+00 : f32
        %max3A_60 = vector.broadcast %max3A : f32 to vector<16xf32>
        %max3A_61 = arith.maximumf %scan3A_58, %max3A_60 : vector<16xf32>
        %div3A = arith.constant 1.000000e+00 : f32
        %div3A_62 = vector.broadcast %div3A : f32 to vector<16xf32>
        %div3A_63 = arith.divf %div3A_62, %max3A_61 : vector<16xf32>
        %slice3A = vector.extract_strided_slice %div3A_63 {offsets = [0], sizes = [1], strides = [1]} : vector<16xf32> to vector<1xf32>
        %squeeze3A = vector.extract %slice3A[0] : f32 from vector<1xf32>
        %add3A_64 = arith.constant 0 : i32
        %add3A_65 = arith.addi %mul3A_53, %add3A_64 : i32
        %mul3A_66 = arith.constant 64 : i32
        %mul3A_67 = arith.muli %add3A_65, %mul3A_66 : i32
        %add3A_68 = arith.constant 0 : i32
        %add3A_69 = arith.addi %mul3A_67, %add3A_68 : i32
        %get3A = arith.index_cast %add3A_69 : i32 to index
        %get3A_70 = tpu.vector_load %arg10[%get3A] {strides = array<i32>} : memref<16384xf32, #tpu.memory_space<vmem>>, vector<16xf32>,
        %mul3A_71 = vector.broadcast %squeeze3A : f32 to vector<16xf32>
        %mul3A_72 = arith.mulf %get3A_70, %mul3A_71 : vector<16xf32>
        %swap3A = arith.index_cast %add3A_69 : i32 to index
        %swap3A_73 = tpu.vector_load %arg10[%swap3A] {strides = array<i32>} : memref<16384xf32, #tpu.memory_space<vmem>>, vector<16xf32>,
        tpu.vector_store %arg10[%swap3A], %mul3A_72 {strides = array<i32>} : memref<16384xf32, #tpu.memory_space<vmem>>, vector<16xf32>,
        %add3A_74 = arith.constant 16 : i32
        %add3A_75 = arith.addi %mul3A_67, %add3A_74 : i32
        %get3A_76 = arith.index_cast %add3A_75 : i32 to index
        %get3A_77 = tpu.vector_load %arg10[%get3A_76] {strides = array<i32>} : memref<16384xf32, #tpu.memory_space<vmem>>, vector<16xf32>,
        %mul3A_78 = vector.broadcast %squeeze3A : f32 to vector<16xf32>
        %mul3A_79 = arith.mulf %get3A_77, %mul3A_78 : vector<16xf32>
        %swap3A_80 = arith.index_cast %add3A_75 : i32 to index
        %swap3A_81 = tpu.vector_load %arg10[%swap3A_80] {strides = array<i32>} : memref<16384xf32, #tpu.memory_space<vmem>>, vector<16xf32>,
        tpu.vector_store %arg10[%swap3A_80], %mul3A_79 {strides = array<i32>} : memref<16384xf32, #tpu.memory_space<vmem>>, vector<16xf32>,
        %add3A_82 = arith.constant 32 : i32
        %add3A_83 = arith.addi %mul3A_67, %add3A_82 : i32
        %get3A_84 = arith.index_cast %add3A_83 : i32 to index
        %get3A_85 = tpu.vector_load %arg10[%get3A_84] {strides = array<i32>} : memref<16384xf32, #tpu.memory_space<vmem>>, vector<16xf32>,
        %mul3A_86 = vector.broadcast %squeeze3A : f32 to vector<16xf32>
        %mul3A_87 = arith.mulf %get3A_85, %mul3A_86 : vector<16xf32>
        %swap3A_88 = arith.index_cast %add3A_83 : i32 to index
        %swap3A_89 = tpu.vector_load %arg10[%swap3A_88] {strides = array<i32>} : memref<16384xf32, #tpu.memory_space<vmem>>, vector<16xf32>,
        tpu.vector_store %arg10[%swap3A_88], %mul3A_87 {strides = array<i32>} : memref<16384xf32, #tpu.memory_space<vmem>>, vector<16xf32>,
        %add3A_90 = arith.constant 48 : i32
        %add3A_91 = arith.addi %mul3A_67, %add3A_90 : i32
        %get3A_92 = arith.index_cast %add3A_91 : i32 to index
        %get3A_93 = tpu.vector_load %arg10[%get3A_92] {strides = array<i32>} : memref<16384xf32, #tpu.memory_space<vmem>>, vector<16xf32>,
        %mul3A_94 = vector.broadcast %squeeze3A : f32 to vector<16xf32>
        %mul3A_95 = arith.mulf %get3A_93, %mul3A_94 : vector<16xf32>
        %swap3A_96 = arith.index_cast %add3A_91 : i32 to index
        %swap3A_97 = tpu.vector_load %arg10[%swap3A_96] {strides = array<i32>} : memref<16384xf32, #tpu.memory_space<vmem>>, vector<16xf32>,
        tpu.vector_store %arg10[%swap3A_96], %mul3A_95 {strides = array<i32>} : memref<16384xf32, #tpu.memory_space<vmem>>, vector<16xf32>,
        %slice3A_98 = vector.extract_strided_slice %div3A_63 {offsets = [1], sizes = [1], strides = [1]} : vector<16xf32> to vector<1xf32>
        %squeeze3A_99 = vector.extract %slice3A_98[0] : f32 from vector<1xf32>
        %add3A_100 = arith.constant 1 : i32
        %add3A_101 = arith.addi %mul3A_53, %add3A_100 : i32
        %mul3A_102 = arith.constant 64 : i32
        %mul3A_103 = arith.muli %add3A_101, %mul3A_102 : i32
        %add3A_104 = arith.constant 0 : i32
        %add3A_105 = arith.addi %mul3A_103, %add3A_104 : i32
        %get3A_106 = arith.index_cast %add3A_105 : i32 to index
        %get3A_107 = tpu.vector_load %arg10[%get3A_106] {strides = array<i32>} : memref<16384xf32, #tpu.memory_space<vmem>>, vector<16xf32>,
        %mul3A_108 = vector.broadcast %squeeze3A_99 : f32 to vector<16xf32>
        %mul3A_109 = arith.mulf %get3A_107, %mul3A_108 : vector<16xf32>
        %swap3A_110 = arith.index_cast %add3A_105 : i32 to index
        %swap3A_111 = tpu.vector_load %arg10[%swap3A_110] {strides = array<i32>} : memref<16384xf32, #tpu.memory_space<vmem>>, vector<16xf32>,
        tpu.vector_store %arg10[%swap3A_110], %mul3A_109 {strides = array<i32>} : memref<16384xf32, #tpu.memory_space<vmem>>, vector<16xf32>,
        %add3A_112 = arith.constant 16 : i32
        %add3A_113 = arith.addi %mul3A_103, %add3A_112 : i32
        %get3A_114 = arith.index_cast %add3A_113 : i32 to index
        %get3A_115 = tpu.vector_load %arg10[%get3A_114] {strides = array<i32>} : memref<16384xf32, #tpu.memory_space<vmem>>, vector<16xf32>,
        %mul3A_116 = vector.broadcast %squeeze3A_99 : f32 to vector<16xf32>
        %mul3A_117 = arith.mulf %get3A_115, %mul3A_116 : vector<16xf32>
        %swap3A_118 = arith.index_cast %add3A_113 : i32 to index
        %swap3A_119 = tpu.vector_load %arg10[%swap3A_118] {strides = array<i32>} : memref<16384xf32, #tpu.memory_space<vmem>>, vector<16xf32>,
        tpu.vector_store %arg10[%swap3A_118], %mul3A_117 {strides = array<i32>} : memref<16384xf32, #tpu.memory_space<vmem>>, vector<16xf32>,
        %add3A_120 = arith.constant 32 : i32
        %add3A_121 = arith.addi %mul3A_103, %add3A_120 : i32
        %get3A_122 = arith.index_cast %add3A_121 : i32 to index
        %get3A_123 = tpu.vector_load %arg10[%get3A_122] {strides = array<i32>} : memref<16384xf32, #tpu.memory_space<vmem>>, vector<16xf32>,
        %mul3A_124 = vector.broadcast %squeeze3A_99 : f32 to vector<16xf32>
        %mul3A_125 = arith.mulf %get3A_123, %mul3A_124 : vector<16xf32>
        %swap3A_126 = arith.index_cast %add3A_121 : i32 to index
        %swap3A_127 = tpu.vector_load %arg10[%swap3A_126] {strides = array<i32>} : memref<16384xf32, #tpu.memory_space<vmem>>, vector<16xf32>,
        tpu.vector_store %arg10[%swap3A_126], %mul3A_125 {strides = array<i32>} : memref<16384xf32, #tpu.memory_space<vmem>>, vector<16xf32>,
        %add3A_128 = arith.constant 48 : i32
        %add3A_129 = arith.addi %mul3A_103, %add3A_128 : i32
        %get3A_130 = arith.index_cast %add3A_129 : i32 to index
        %get3A_131 = tpu.vector_load %arg10[%get3A_130] {strides = array<i32>} : memref<16384xf32, #tpu.memory_space<vmem>>, vector<16xf32>,
        %mul3A_132 = vector.broadcast %squeeze3A_99 : f32 to vector<16xf32>
        %mul3A_133 = arith.mulf %get3A_131, %mul3A_132 : vector<16xf32>
        %swap3A_134 = arith.index_cast %add3A_129 : i32 to index
        %swap3A_135 = tpu.vector_load %arg10[%swap3A_134] {strides = array<i32>} : memref<16384xf32, #tpu.memory_space<vmem>>, vector<16xf32>,
        tpu.vector_store %arg10[%swap3A_134], %mul3A_133 {strides = array<i32>} : memref<16384xf32, #tpu.memory_space<vmem>>, vector<16xf32>,
        %slice3A_136 = vector.extract_strided_slice %div3A_63 {offsets = [2], sizes = [1], strides = [1]} : vector<16xf32> to vector<1xf32>
        %squeeze3A_137 = vector.extract %slice3A_136[0] : f32 from vector<1xf32>
        %add3A_138 = arith.constant 2 : i32
        %add3A_139 = arith.addi %mul3A_53, %add3A_138 : i32
        %mul3A_140 = arith.constant 64 : i32
        %mul3A_141 = arith.muli %add3A_139, %mul3A_140 : i32
        %add3A_142 = arith.constant 0 : i32
        %add3A_143 = arith.addi %mul3A_141, %add3A_142 : i32
        %get3A_144 = arith.index_cast %add3A_143 : i32 to index
        %get3A_145 = tpu.vector_load %arg10[%get3A_144] {strides = array<i32>} : memref<16384xf32, #tpu.memory_space<vmem>>, vector<16xf32>,
        %mul3A_146 = vector.broadcast %squeeze3A_137 : f32 to vector<16xf32>
        %mul3A_147 = arith.mulf %get3A_145, %mul3A_146 : vector<16xf32>
        %swap3A_148 = arith.index_cast %add3A_143 : i32 to index
        %swap3A_149 = tpu.vector_load %arg10[%swap3A_148] {strides = array<i32>} : memref<16384xf32, #tpu.memory_space<vmem>>, vector<16xf32>,
        tpu.vector_store %arg10[%swap3A_148], %mul3A_147 {strides = array<i32>} : memref<16384xf32, #tpu.memory_space<vmem>>, vector<16xf32>,
        %add3A_150 = arith.constant 16 : i32
        %add3A_151 = arith.addi %mul3A_141, %add3A_150 : i32
        %get3A_152 = arith.index_cast %add3A_151 : i32 to index
        %get3A_153 = tpu.vector_load %arg10[%get3A_152] {strides = array<i32>} : memref<16384xf32, #tpu.memory_space<vmem>>, vector<16xf32>,
        %mul3A_154 = vector.broadcast %squeeze3A_137 : f32 to vector<16xf32>
        %mul3A_155 = arith.mulf %get3A_153, %mul3A_154 : vector<16xf32>
        %swap3A_156 = arith.index_cast %add3A_151 : i32 to index
        %swap3A_157 = tpu.vector_load %arg10[%swap3A_156] {strides = array<i32>} : memref<16384xf32, #tpu.memory_space<vmem>>, vector<16xf32>,
        tpu.vector_store %arg10[%swap3A_156], %mul3A_155 {strides = array<i32>} : memref<16384xf32, #tpu.memory_space<vmem>>, vector<16xf32>,
        %add3A_158 = arith.constant 32 : i32
        %add3A_159 = arith.addi %mul3A_141, %add3A_158 : i32
        %get3A_160 = arith.index_cast %add3A_159 : i32 to index
        %get3A_161 = tpu.vector_load %arg10[%get3A_160] {strides = array<i32>} : memref<16384xf32, #tpu.memory_space<vmem>>, vector<16xf32>,
        %mul3A_162 = vector.broadcast %squeeze3A_137 : f32 to vector<16xf32>
        %mul3A_163 = arith.mulf %get3A_161, %mul3A_162 : vector<16xf32>
        %swap3A_164 = arith.index_cast %add3A_159 : i32 to index
        %swap3A_165 = tpu.vector_load %arg10[%swap3A_164] {strides = array<i32>} : memref<16384xf32, #tpu.memory_space<vmem>>, vector<16xf32>,
        tpu.vector_store %arg10[%swap3A_164], %mul3A_163 {strides = array<i32>} : memref<16384xf32, #tpu.memory_space<vmem>>, vector<16xf32>,
        %add3A_166 = arith.constant 48 : i32
        %add3A_167 = arith.addi %mul3A_141, %add3A_166 : i32
        %get3A_168 = arith.index_cast %add3A_167 : i32 to index
        %get3A_169 = tpu.vector_load %arg10[%get3A_168] {strides = array<i32>} : memref<16384xf32, #tpu.memory_space<vmem>>, vector<16xf32>,
        %mul3A_170 = vector.broadcast %squeeze3A_137 : f32 to vector<16xf32>
        %mul3A_171 = arith.mulf %get3A_169, %mul3A_170 : vector<16xf32>
        %swap3A_172 = arith.index_cast %add3A_167 : i32 to index
        %swap3A_173 = tpu.vector_load %arg10[%swap3A_172] {strides = array<i32>} : memref<16384xf32, #tpu.memory_space<vmem>>, vector<16xf32>,
        tpu.vector_store %arg10[%swap3A_172], %mul3A_171 {strides = array<i32>} : memref<16384xf32, #tpu.memory_space<vmem>>, vector<16xf32>,
        %slice3A_174 = vector.extract_strided_slice %div3A_63 {offsets = [3], sizes = [1], strides = [1]} : vector<16xf32> to vector<1xf32>
        %squeeze3A_175 = vector.extract %slice3A_174[0] : f32 from vector<1xf32>
        %add3A_176 = arith.constant 3 : i32
        %add3A_177 = arith.addi %mul3A_53, %add3A_176 : i32
        %mul3A_178 = arith.constant 64 : i32
        %mul3A_179 = arith.muli %add3A_177, %mul3A_178 : i32
        %add3A_180 = arith.constant 0 : i32
        %add3A_181 = arith.addi %mul3A_179, %add3A_180 : i32
        %get3A_182 = arith.index_cast %add3A_181 : i32 to index
        %get3A_183 = tpu.vector_load %arg10[%get3A_182] {strides = array<i32>} : memref<16384xf32, #tpu.memory_space<vmem>>, vector<16xf32>,
        %mul3A_184 = vector.broadcast %squeeze3A_175 : f32 to vector<16xf32>
        %mul3A_185 = arith.mulf %get3A_183, %mul3A_184 : vector<16xf32>
        %swap3A_186 = arith.index_cast %add3A_181 : i32 to index
        %swap3A_187 = tpu.vector_load %arg10[%swap3A_186] {strides = array<i32>} : memref<16384xf32, #tpu.memory_space<vmem>>, vector<16xf32>,
        tpu.vector_store %arg10[%swap3A_186], %mul3A_185 {strides = array<i32>} : memref<16384xf32, #tpu.memory_space<vmem>>, vector<16xf32>,
        %add3A_188 = arith.constant 16 : i32
        %add3A_189 = arith.addi %mul3A_179, %add3A_188 : i32
        %get3A_190 = arith.index_cast %add3A_189 : i32 to index
        %get3A_191 = tpu.vector_load %arg10[%get3A_190] {strides = array<i32>} : memref<16384xf32, #tpu.memory_space<vmem>>, vector<16xf32>,
        %mul3A_192 = vector.broadcast %squeeze3A_175 : f32 to vector<16xf32>
        %mul3A_193 = arith.mulf %get3A_191, %mul3A_192 : vector<16xf32>
        %swap3A_194 = arith.index_cast %add3A_189 : i32 to index
        %swap3A_195 = tpu.vector_load %arg10[%swap3A_194] {strides = array<i32>} : memref<16384xf32, #tpu.memory_space<vmem>>, vector<16xf32>,
        tpu.vector_store %arg10[%swap3A_194], %mul3A_193 {strides = array<i32>} : memref<16384xf32, #tpu.memory_space<vmem>>, vector<16xf32>,
        %add3A_196 = arith.constant 32 : i32
        %add3A_197 = arith.addi %mul3A_179, %add3A_196 : i32
        %get3A_198 = arith.index_cast %add3A_197 : i32 to index
        %get3A_199 = tpu.vector_load %arg10[%get3A_198] {strides = array<i32>} : memref<16384xf32, #tpu.memory_space<vmem>>, vector<16xf32>,
        %mul3A_200 = vector.broadcast %squeeze3A_175 : f32 to vector<16xf32>
        %mul3A_201 = arith.mulf %get3A_199, %mul3A_200 : vector<16xf32>
        %swap3A_202 = arith.index_cast %add3A_197 : i32 to index
        %swap3A_203 = tpu.vector_load %arg10[%swap3A_202] {strides = array<i32>} : memref<16384xf32, #tpu.memory_space<vmem>>, vector<16xf32>,
        tpu.vector_store %arg10[%swap3A_202], %mul3A_201 {strides = array<i32>} : memref<16384xf32, #tpu.memory_space<vmem>>, vector<16xf32>,
        %add3A_204 = arith.constant 48 : i32
        %add3A_205 = arith.addi %mul3A_179, %add3A_204 : i32
        %get3A_206 = arith.index_cast %add3A_205 : i32 to index
        %get3A_207 = tpu.vector_load %arg10[%get3A_206] {strides = array<i32>} : memref<16384xf32, #tpu.memory_space<vmem>>, vector<16xf32>,
        %mul3A_208 = vector.broadcast %squeeze3A_175 : f32 to vector<16xf32>
        %mul3A_209 = arith.mulf %get3A_207, %mul3A_208 : vector<16xf32>
        %swap3A_210 = arith.index_cast %add3A_205 : i32 to index
        %swap3A_211 = tpu.vector_load %arg10[%swap3A_210] {strides = array<i32>} : memref<16384xf32, #tpu.memory_space<vmem>>, vector<16xf32>,
        tpu.vector_store %arg10[%swap3A_210], %mul3A_209 {strides = array<i32>} : memref<16384xf32, #tpu.memory_space<vmem>>, vector<16xf32>,
        %slice3A_212 = vector.extract_strided_slice %div3A_63 {offsets = [4], sizes = [1], strides = [1]} : vector<16xf32> to vector<1xf32>
        %squeeze3A_213 = vector.extract %slice3A_212[0] : f32 from vector<1xf32>
        %add3A_214 = arith.constant 4 : i32
        %add3A_215 = arith.addi %mul3A_53, %add3A_214 : i32
        %mul3A_216 = arith.constant 64 : i32
        %mul3A_217 = arith.muli %add3A_215, %mul3A_216 : i32
        %add3A_218 = arith.constant 0 : i32
        %add3A_219 = arith.addi %mul3A_217, %add3A_218 : i32
        %get3A_220 = arith.index_cast %add3A_219 : i32 to index
        %get3A_221 = tpu.vector_load %arg10[%get3A_220] {strides = array<i32>} : memref<16384xf32, #tpu.memory_space<vmem>>, vector<16xf32>,
        %mul3A_222 = vector.broadcast %squeeze3A_213 : f32 to vector<16xf32>
        %mul3A_223 = arith.mulf %get3A_221, %mul3A_222 : vector<16xf32>
        %swap3A_224 = arith.index_cast %add3A_219 : i32 to index
        %swap3A_225 = tpu.vector_load %arg10[%swap3A_224] {strides = array<i32>} : memref<16384xf32, #tpu.memory_space<vmem>>, vector<16xf32>,
        tpu.vector_store %arg10[%swap3A_224], %mul3A_223 {strides = array<i32>} : memref<16384xf32, #tpu.memory_space<vmem>>, vector<16xf32>,
        %add3A_226 = arith.constant 16 : i32
        %add3A_227 = arith.addi %mul3A_217, %add3A_226 : i32
        %get3A_228 = arith.index_cast %add3A_227 : i32 to index
        %get3A_229 = tpu.vector_load %arg10[%get3A_228] {strides = array<i32>} : memref<16384xf32, #tpu.memory_space<vmem>>, vector<16xf32>,
        %mul3A_230 = vector.broadcast %squeeze3A_213 : f32 to vector<16xf32>
        %mul3A_231 = arith.mulf %get3A_229, %mul3A_230 : vector<16xf32>
        %swap3A_232 = arith.index_cast %add3A_227 : i32 to index
        %swap3A_233 = tpu.vector_load %arg10[%swap3A_232] {strides = array<i32>} : memref<16384xf32, #tpu.memory_space<vmem>>, vector<16xf32>,
        tpu.vector_store %arg10[%swap3A_232], %mul3A_231 {strides = array<i32>} : memref<16384xf32, #tpu.memory_space<vmem>>, vector<16xf32>,
        %add3A_234 = arith.constant 32 : i32
        %add3A_235 = arith.addi %mul3A_217, %add3A_234 : i32
        %get3A_236 = arith.index_cast %add3A_235 : i32 to index
        %get3A_237 = tpu.vector_load %arg10[%get3A_236] {strides = array<i32>} : memref<16384xf32, #tpu.memory_space<vmem>>, vector<16xf32>,
        %mul3A_238 = vector.broadcast %squeeze3A_213 : f32 to vector<16xf32>
        %mul3A_239 = arith.mulf %get3A_237, %mul3A_238 : vector<16xf32>
        %swap3A_240 = arith.index_cast %add3A_235 : i32 to index
        %swap3A_241 = tpu.vector_load %arg10[%swap3A_240] {strides = array<i32>} : memref<16384xf32, #tpu.memory_space<vmem>>, vector<16xf32>,
        tpu.vector_store %arg10[%swap3A_240], %mul3A_239 {strides = array<i32>} : memref<16384xf32, #tpu.memory_space<vmem>>, vector<16xf32>,
        %add3A_242 = arith.constant 48 : i32
        %add3A_243 = arith.addi %mul3A_217, %add3A_242 : i32
        %get3A_244 = arith.index_cast %add3A_243 : i32 to index
        %get3A_245 = tpu.vector_load %arg10[%get3A_244] {strides = array<i32>} : memref<16384xf32, #tpu.memory_space<vmem>>, vector<16xf32>,
        %mul3A_246 = vector.broadcast %squeeze3A_213 : f32 to vector<16xf32>
        %mul3A_247 = arith.mulf %get3A_245, %mul3A_246 : vector<16xf32>
        %swap3A_248 = arith.index_cast %add3A_243 : i32 to index
        %swap3A_249 = tpu.vector_load %arg10[%swap3A_248] {strides = array<i32>} : memref<16384xf32, #tpu.memory_space<vmem>>, vector<16xf32>,
        tpu.vector_store %arg10[%swap3A_248], %mul3A_247 {strides = array<i32>} : memref<16384xf32, #tpu.memory_space<vmem>>, vector<16xf32>,
        %slice3A_250 = vector.extract_strided_slice %div3A_63 {offsets = [5], sizes = [1], strides = [1]} : vector<16xf32> to vector<1xf32>
        %squeeze3A_251 = vector.extract %slice3A_250[0] : f32 from vector<1xf32>
        %add3A_252 = arith.constant 5 : i32
        %add3A_253 = arith.addi %mul3A_53, %add3A_252 : i32
        %mul3A_254 = arith.constant 64 : i32
        %mul3A_255 = arith.muli %add3A_253, %mul3A_254 : i32
        %add3A_256 = arith.constant 0 : i32
        %add3A_257 = arith.addi %mul3A_255, %add3A_256 : i32
        %get3A_258 = arith.index_cast %add3A_257 : i32 to index
        %get3A_259 = tpu.vector_load %arg10[%get3A_258] {strides = array<i32>} : memref<16384xf32, #tpu.memory_space<vmem>>, vector<16xf32>,
        %mul3A_260 = vector.broadcast %squeeze3A_251 : f32 to vector<16xf32>
        %mul3A_261 = arith.mulf %get3A_259, %mul3A_260 : vector<16xf32>
        %swap3A_262 = arith.index_cast %add3A_257 : i32 to index
        %swap3A_263 = tpu.vector_load %arg10[%swap3A_262] {strides = array<i32>} : memref<16384xf32, #tpu.memory_space<vmem>>, vector<16xf32>,
        tpu.vector_store %arg10[%swap3A_262], %mul3A_261 {strides = array<i32>} : memref<16384xf32, #tpu.memory_space<vmem>>, vector<16xf32>,
        %add3A_264 = arith.constant 16 : i32
        %add3A_265 = arith.addi %mul3A_255, %add3A_264 : i32
        %get3A_266 = arith.index_cast %add3A_265 : i32 to index
        %get3A_267 = tpu.vector_load %arg10[%get3A_266] {strides = array<i32>} : memref<16384xf32, #tpu.memory_space<vmem>>, vector<16xf32>,
        %mul3A_268 = vector.broadcast %squeeze3A_251 : f32 to vector<16xf32>
        %mul3A_269 = arith.mulf %get3A_267, %mul3A_268 : vector<16xf32>
        %swap3A_270 = arith.index_cast %add3A_265 : i32 to index
        %swap3A_271 = tpu.vector_load %arg10[%swap3A_270] {strides = array<i32>} : memref<16384xf32, #tpu.memory_space<vmem>>, vector<16xf32>,
        tpu.vector_store %arg10[%swap3A_270], %mul3A_269 {strides = array<i32>} : memref<16384xf32, #tpu.memory_space<vmem>>, vector<16xf32>,
        %add3A_272 = arith.constant 32 : i32
        %add3A_273 = arith.addi %mul3A_255, %add3A_272 : i32
        %get3A_274 = arith.index_cast %add3A_273 : i32 to index
        %get3A_275 = tpu.vector_load %arg10[%get3A_274] {strides = array<i32>} : memref<16384xf32, #tpu.memory_space<vmem>>, vector<16xf32>,
        %mul3A_276 = vector.broadcast %squeeze3A_251 : f32 to vector<16xf32>
        %mul3A_277 = arith.mulf %get3A_275, %mul3A_276 : vector<16xf32>
        %swap3A_278 = arith.index_cast %add3A_273 : i32 to index
        %swap3A_279 = tpu.vector_load %arg10[%swap3A_278] {strides = array<i32>} : memref<16384xf32, #tpu.memory_space<vmem>>, vector<16xf32>,
        tpu.vector_store %arg10[%swap3A_278], %mul3A_277 {strides = array<i32>} : memref<16384xf32, #tpu.memory_space<vmem>>, vector<16xf32>,
        %add3A_280 = arith.constant 48 : i32
        %add3A_281 = arith.addi %mul3A_255, %add3A_280 : i32
        %get3A_282 = arith.index_cast %add3A_281 : i32 to index
        %get3A_283 = tpu.vector_load %arg10[%get3A_282] {strides = array<i32>} : memref<16384xf32, #tpu.memory_space<vmem>>, vector<16xf32>,
        %mul3A_284 = vector.broadcast %squeeze3A_251 : f32 to vector<16xf32>
        %mul3A_285 = arith.mulf %get3A_283, %mul3A_284 : vector<16xf32>
        %swap3A_286 = arith.index_cast %add3A_281 : i32 to index
        %swap3A_287 = tpu.vector_load %arg10[%swap3A_286] {strides = array<i32>} : memref<16384xf32, #tpu.memory_space<vmem>>, vector<16xf32>,
        tpu.vector_store %arg10[%swap3A_286], %mul3A_285 {strides = array<i32>} : memref<16384xf32, #tpu.memory_space<vmem>>, vector<16xf32>,
        %slice3A_288 = vector.extract_strided_slice %div3A_63 {offsets = [6], sizes = [1], strides = [1]} : vector<16xf32> to vector<1xf32>
        %squeeze3A_289 = vector.extract %slice3A_288[0] : f32 from vector<1xf32>
        %add3A_290 = arith.constant 6 : i32
        %add3A_291 = arith.addi %mul3A_53, %add3A_290 : i32
        %mul3A_292 = arith.constant 64 : i32
        %mul3A_293 = arith.muli %add3A_291, %mul3A_292 : i32
        %add3A_294 = arith.constant 0 : i32
        %add3A_295 = arith.addi %mul3A_293, %add3A_294 : i32
        %get3A_296 = arith.index_cast %add3A_295 : i32 to index
        %get3A_297 = tpu.vector_load %arg10[%get3A_296] {strides = array<i32>} : memref<16384xf32, #tpu.memory_space<vmem>>, vector<16xf32>,
        %mul3A_298 = vector.broadcast %squeeze3A_289 : f32 to vector<16xf32>
        %mul3A_299 = arith.mulf %get3A_297, %mul3A_298 : vector<16xf32>
        %swap3A_300 = arith.index_cast %add3A_295 : i32 to index
        %swap3A_301 = tpu.vector_load %arg10[%swap3A_300] {strides = array<i32>} : memref<16384xf32, #tpu.memory_space<vmem>>, vector<16xf32>,
        tpu.vector_store %arg10[%swap3A_300], %mul3A_299 {strides = array<i32>} : memref<16384xf32, #tpu.memory_space<vmem>>, vector<16xf32>,
        %add3A_302 = arith.constant 16 : i32
        %add3A_303 = arith.addi %mul3A_293, %add3A_302 : i32
        %get3A_304 = arith.index_cast %add3A_303 : i32 to index
        %get3A_305 = tpu.vector_load %arg10[%get3A_304] {strides = array<i32>} : memref<16384xf32, #tpu.memory_space<vmem>>, vector<16xf32>,
        %mul3A_306 = vector.broadcast %squeeze3A_289 : f32 to vector<16xf32>
        %mul3A_307 = arith.mulf %get3A_305, %mul3A_306 : vector<16xf32>
        %swap3A_308 = arith.index_cast %add3A_303 : i32 to index
        %swap3A_309 = tpu.vector_load %arg10[%swap3A_308] {strides = array<i32>} : memref<16384xf32, #tpu.memory_space<vmem>>, vector<16xf32>,
        tpu.vector_store %arg10[%swap3A_308], %mul3A_307 {strides = array<i32>} : memref<16384xf32, #tpu.memory_space<vmem>>, vector<16xf32>,
        %add3A_310 = arith.constant 32 : i32
        %add3A_311 = arith.addi %mul3A_293, %add3A_310 : i32
        %get3A_312 = arith.index_cast %add3A_311 : i32 to index
        %get3A_313 = tpu.vector_load %arg10[%get3A_312] {strides = array<i32>} : memref<16384xf32, #tpu.memory_space<vmem>>, vector<16xf32>,
        %mul3A_314 = vector.broadcast %squeeze3A_289 : f32 to vector<16xf32>
        %mul3A_315 = arith.mulf %get3A_313, %mul3A_314 : vector<16xf32>
        %swap3A_316 = arith.index_cast %add3A_311 : i32 to index
        %swap3A_317 = tpu.vector_load %arg10[%swap3A_316] {strides = array<i32>} : memref<16384xf32, #tpu.memory_space<vmem>>, vector<16xf32>,
        tpu.vector_store %arg10[%swap3A_316], %mul3A_315 {strides = array<i32>} : memref<16384xf32, #tpu.memory_space<vmem>>, vector<16xf32>,
        %add3A_318 = arith.constant 48 : i32
        %add3A_319 = arith.addi %mul3A_293, %add3A_318 : i32
        %get3A_320 = arith.index_cast %add3A_319 : i32 to index
        %get3A_321 = tpu.vector_load %arg10[%get3A_320] {strides = array<i32>} : memref<16384xf32, #tpu.memory_space<vmem>>, vector<16xf32>,
        %mul3A_322 = vector.broadcast %squeeze3A_289 : f32 to vector<16xf32>
        %mul3A_323 = arith.mulf %get3A_321, %mul3A_322 : vector<16xf32>
        %swap3A_324 = arith.index_cast %add3A_319 : i32 to index
        %swap3A_325 = tpu.vector_load %arg10[%swap3A_324] {strides = array<i32>} : memref<16384xf32, #tpu.memory_space<vmem>>, vector<16xf32>,
        tpu.vector_store %arg10[%swap3A_324], %mul3A_323 {strides = array<i32>} : memref<16384xf32, #tpu.memory_space<vmem>>, vector<16xf32>,
        %slice3A_326 = vector.extract_strided_slice %div3A_63 {offsets = [7], sizes = [1], strides = [1]} : vector<16xf32> to vector<1xf32>
        %squeeze3A_327 = vector.extract %slice3A_326[0] : f32 from vector<1xf32>
        %add3A_328 = arith.constant 7 : i32
        %add3A_329 = arith.addi %mul3A_53, %add3A_328 : i32
        %mul3A_330 = arith.constant 64 : i32
        %mul3A_331 = arith.muli %add3A_329, %mul3A_330 : i32
        %add3A_332 = arith.constant 0 : i32
        %add3A_333 = arith.addi %mul3A_331, %add3A_332 : i32
        %get3A_334 = arith.index_cast %add3A_333 : i32 to index
        %get3A_335 = tpu.vector_load %arg10[%get3A_334] {strides = array<i32>} : memref<16384xf32, #tpu.memory_space<vmem>>, vector<16xf32>,
        %mul3A_336 = vector.broadcast %squeeze3A_327 : f32 to vector<16xf32>
        %mul3A_337 = arith.mulf %get3A_335, %mul3A_336 : vector<16xf32>
        %swap3A_338 = arith.index_cast %add3A_333 : i32 to index
        %swap3A_339 = tpu.vector_load %arg10[%swap3A_338] {strides = array<i32>} : memref<16384xf32, #tpu.memory_space<vmem>>, vector<16xf32>,
        tpu.vector_store %arg10[%swap3A_338], %mul3A_337 {strides = array<i32>} : memref<16384xf32, #tpu.memory_space<vmem>>, vector<16xf32>,
        %add3A_340 = arith.constant 16 : i32
        %add3A_341 = arith.addi %mul3A_331, %add3A_340 : i32
        %get3A_342 = arith.index_cast %add3A_341 : i32 to index
        %get3A_343 = tpu.vector_load %arg10[%get3A_342] {strides = array<i32>} : memref<16384xf32, #tpu.memory_space<vmem>>, vector<16xf32>,
        %mul3A_344 = vector.broadcast %squeeze3A_327 : f32 to vector<16xf32>
        %mul3A_345 = arith.mulf %get3A_343, %mul3A_344 : vector<16xf32>
        %swap3A_346 = arith.index_cast %add3A_341 : i32 to index
        %swap3A_347 = tpu.vector_load %arg10[%swap3A_346] {strides = array<i32>} : memref<16384xf32, #tpu.memory_space<vmem>>, vector<16xf32>,
        tpu.vector_store %arg10[%swap3A_346], %mul3A_345 {strides = array<i32>} : memref<16384xf32, #tpu.memory_space<vmem>>, vector<16xf32>,
        %add3A_348 = arith.constant 32 : i32
        %add3A_349 = arith.addi %mul3A_331, %add3A_348 : i32
        %get3A_350 = arith.index_cast %add3A_349 : i32 to index
        %get3A_351 = tpu.vector_load %arg10[%get3A_350] {strides = array<i32>} : memref<16384xf32, #tpu.memory_space<vmem>>, vector<16xf32>,
        %mul3A_352 = vector.broadcast %squeeze3A_327 : f32 to vector<16xf32>
        %mul3A_353 = arith.mulf %get3A_351, %mul3A_352 : vector<16xf32>
        %swap3A_354 = arith.index_cast %add3A_349 : i32 to index
        %swap3A_355 = tpu.vector_load %arg10[%swap3A_354] {strides = array<i32>} : memref<16384xf32, #tpu.memory_space<vmem>>, vector<16xf32>,
        tpu.vector_store %arg10[%swap3A_354], %mul3A_353 {strides = array<i32>} : memref<16384xf32, #tpu.memory_space<vmem>>, vector<16xf32>,
        %add3A_356 = arith.constant 48 : i32
        %add3A_357 = arith.addi %mul3A_331, %add3A_356 : i32
        %get3A_358 = arith.index_cast %add3A_357 : i32 to index
        %get3A_359 = tpu.vector_load %arg10[%get3A_358] {strides = array<i32>} : memref<16384xf32, #tpu.memory_space<vmem>>, vector<16xf32>,
        %mul3A_360 = vector.broadcast %squeeze3A_327 : f32 to vector<16xf32>
        %mul3A_361 = arith.mulf %get3A_359, %mul3A_360 : vector<16xf32>
        %swap3A_362 = arith.index_cast %add3A_357 : i32 to index
        %swap3A_363 = tpu.vector_load %arg10[%swap3A_362] {strides = array<i32>} : memref<16384xf32, #tpu.memory_space<vmem>>, vector<16xf32>,
        tpu.vector_store %arg10[%swap3A_362], %mul3A_361 {strides = array<i32>} : memref<16384xf32, #tpu.memory_space<vmem>>, vector<16xf32>,
        %slice3A_364 = vector.extract_strided_slice %div3A_63 {offsets = [8], sizes = [1], strides = [1]} : vector<16xf32> to vector<1xf32>
        %squeeze3A_365 = vector.extract %slice3A_364[0] : f32 from vector<1xf32>
        %add3A_366 = arith.constant 8 : i32
        %add3A_367 = arith.addi %mul3A_53, %add3A_366 : i32
        %mul3A_368 = arith.constant 64 : i32
        %mul3A_369 = arith.muli %add3A_367, %mul3A_368 : i32
        %add3A_370 = arith.constant 0 : i32
        %add3A_371 = arith.addi %mul3A_369, %add3A_370 : i32
        %get3A_372 = arith.index_cast %add3A_371 : i32 to index
        %get3A_373 = tpu.vector_load %arg10[%get3A_372] {strides = array<i32>} : memref<16384xf32, #tpu.memory_space<vmem>>, vector<16xf32>,
        %mul3A_374 = vector.broadcast %squeeze3A_365 : f32 to vector<16xf32>
        %mul3A_375 = arith.mulf %get3A_373, %mul3A_374 : vector<16xf32>
        %swap3A_376 = arith.index_cast %add3A_371 : i32 to index
        %swap3A_377 = tpu.vector_load %arg10[%swap3A_376] {strides = array<i32>} : memref<16384xf32, #tpu.memory_space<vmem>>, vector<16xf32>,
        tpu.vector_store %arg10[%swap3A_376], %mul3A_375 {strides = array<i32>} : memref<16384xf32, #tpu.memory_space<vmem>>, vector<16xf32>,
        %add3A_378 = arith.constant 16 : i32
        %add3A_379 = arith.addi %mul3A_369, %add3A_378 : i32
        %get3A_380 = arith.index_cast %add3A_379 : i32 to index
        %get3A_381 = tpu.vector_load %arg10[%get3A_380] {strides = array<i32>} : memref<16384xf32, #tpu.memory_space<vmem>>, vector<16xf32>,
        %mul3A_382 = vector.broadcast %squeeze3A_365 : f32 to vector<16xf32>
        %mul3A_383 = arith.mulf %get3A_381, %mul3A_382 : vector<16xf32>
        %swap3A_384 = arith.index_cast %add3A_379 : i32 to index
        %swap3A_385 = tpu.vector_load %arg10[%swap3A_384] {strides = array<i32>} : memref<16384xf32, #tpu.memory_space<vmem>>, vector<16xf32>,
        tpu.vector_store %arg10[%swap3A_384], %mul3A_383 {strides = array<i32>} : memref<16384xf32, #tpu.memory_space<vmem>>, vector<16xf32>,
        %add3A_386 = arith.constant 32 : i32
        %add3A_387 = arith.addi %mul3A_369, %add3A_386 : i32
        %get3A_388 = arith.index_cast %add3A_387 : i32 to index
        %get3A_389 = tpu.vector_load %arg10[%get3A_388] {strides = array<i32>} : memref<16384xf32, #tpu.memory_space<vmem>>, vector<16xf32>,
        %mul3A_390 = vector.broadcast %squeeze3A_365 : f32 to vector<16xf32>
        %mul3A_391 = arith.mulf %get3A_389, %mul3A_390 : vector<16xf32>
        %swap3A_392 = arith.index_cast %add3A_387 : i32 to index
        %swap3A_393 = tpu.vector_load %arg10[%swap3A_392] {strides = array<i32>} : memref<16384xf32, #tpu.memory_space<vmem>>, vector<16xf32>,
        tpu.vector_store %arg10[%swap3A_392], %mul3A_391 {strides = array<i32>} : memref<16384xf32, #tpu.memory_space<vmem>>, vector<16xf32>,
        %add3A_394 = arith.constant 48 : i32
        %add3A_395 = arith.addi %mul3A_369, %add3A_394 : i32
        %get3A_396 = arith.index_cast %add3A_395 : i32 to index
        %get3A_397 = tpu.vector_load %arg10[%get3A_396] {strides = array<i32>} : memref<16384xf32, #tpu.memory_space<vmem>>, vector<16xf32>,
        %mul3A_398 = vector.broadcast %squeeze3A_365 : f32 to vector<16xf32>
        %mul3A_399 = arith.mulf %get3A_397, %mul3A_398 : vector<16xf32>
        %swap3A_400 = arith.index_cast %add3A_395 : i32 to index
        %swap3A_401 = tpu.vector_load %arg10[%swap3A_400] {strides = array<i32>} : memref<16384xf32, #tpu.memory_space<vmem>>, vector<16xf32>,
        tpu.vector_store %arg10[%swap3A_400], %mul3A_399 {strides = array<i32>} : memref<16384xf32, #tpu.memory_space<vmem>>, vector<16xf32>,
        %slice3A_402 = vector.extract_strided_slice %div3A_63 {offsets = [9], sizes = [1], strides = [1]} : vector<16xf32> to vector<1xf32>
        %squeeze3A_403 = vector.extract %slice3A_402[0] : f32 from vector<1xf32>
        %add3A_404 = arith.constant 9 : i32
        %add3A_405 = arith.addi %mul3A_53, %add3A_404 : i32
        %mul3A_406 = arith.constant 64 : i32
        %mul3A_407 = arith.muli %add3A_405, %mul3A_406 : i32
        %add3A_408 = arith.constant 0 : i32
        %add3A_409 = arith.addi %mul3A_407, %add3A_408 : i32
        %get3A_410 = arith.index_cast %add3A_409 : i32 to index
        %get3A_411 = tpu.vector_load %arg10[%get3A_410] {strides = array<i32>} : memref<16384xf32, #tpu.memory_space<vmem>>, vector<16xf32>,
        %mul3A_412 = vector.broadcast %squeeze3A_403 : f32 to vector<16xf32>
        %mul3A_413 = arith.mulf %get3A_411, %mul3A_412 : vector<16xf32>
        %swap3A_414 = arith.index_cast %add3A_409 : i32 to index
        %swap3A_415 = tpu.vector_load %arg10[%swap3A_414] {strides = array<i32>} : memref<16384xf32, #tpu.memory_space<vmem>>, vector<16xf32>,
        tpu.vector_store %arg10[%swap3A_414], %mul3A_413 {strides = array<i32>} : memref<16384xf32, #tpu.memory_space<vmem>>, vector<16xf32>,
        %add3A_416 = arith.constant 16 : i32
        %add3A_417 = arith.addi %mul3A_407, %add3A_416 : i32
        %get3A_418 = arith.index_cast %add3A_417 : i32 to index
        %get3A_419 = tpu.vector_load %arg10[%get3A_418] {strides = array<i32>} : memref<16384xf32, #tpu.memory_space<vmem>>, vector<16xf32>,
        %mul3A_420 = vector.broadcast %squeeze3A_403 : f32 to vector<16xf32>
        %mul3A_421 = arith.mulf %get3A_419, %mul3A_420 : vector<16xf32>
        %swap3A_422 = arith.index_cast %add3A_417 : i32 to index
        %swap3A_423 = tpu.vector_load %arg10[%swap3A_422] {strides = array<i32>} : memref<16384xf32, #tpu.memory_space<vmem>>, vector<16xf32>,
        tpu.vector_store %arg10[%swap3A_422], %mul3A_421 {strides = array<i32>} : memref<16384xf32, #tpu.memory_space<vmem>>, vector<16xf32>,
        %add3A_424 = arith.constant 32 : i32
        %add3A_425 = arith.addi %mul3A_407, %add3A_424 : i32
        %get3A_426 = arith.index_cast %add3A_425 : i32 to index
        %get3A_427 = tpu.vector_load %arg10[%get3A_426] {strides = array<i32>} : memref<16384xf32, #tpu.memory_space<vmem>>, vector<16xf32>,
        %mul3A_428 = vector.broadcast %squeeze3A_403 : f32 to vector<16xf32>
        %mul3A_429 = arith.mulf %get3A_427, %mul3A_428 : vector<16xf32>
        %swap3A_430 = arith.index_cast %add3A_425 : i32 to index
        %swap3A_431 = tpu.vector_load %arg10[%swap3A_430] {strides = array<i32>} : memref<16384xf32, #tpu.memory_space<vmem>>, vector<16xf32>,
        tpu.vector_store %arg10[%swap3A_430], %mul3A_429 {strides = array<i32>} : memref<16384xf32, #tpu.memory_space<vmem>>, vector<16xf32>,
        %add3A_432 = arith.constant 48 : i32
        %add3A_433 = arith.addi %mul3A_407, %add3A_432 : i32
        %get3A_434 = arith.index_cast %add3A_433 : i32 to index
        %get3A_435 = tpu.vector_load %arg10[%get3A_434] {strides = array<i32>} : memref<16384xf32, #tpu.memory_space<vmem>>, vector<16xf32>,
        %mul3A_436 = vector.broadcast %squeeze3A_403 : f32 to vector<16xf32>
        %mul3A_437 = arith.mulf %get3A_435, %mul3A_436 : vector<16xf32>
        %swap3A_438 = arith.index_cast %add3A_433 : i32 to index
        %swap3A_439 = tpu.vector_load %arg10[%swap3A_438] {strides = array<i32>} : memref<16384xf32, #tpu.memory_space<vmem>>, vector<16xf32>,
        tpu.vector_store %arg10[%swap3A_438], %mul3A_437 {strides = array<i32>} : memref<16384xf32, #tpu.memory_space<vmem>>, vector<16xf32>,
        %slice3A_440 = vector.extract_strided_slice %div3A_63 {offsets = [10], sizes = [1], strides = [1]} : vector<16xf32> to vector<1xf32>
        %squeeze3A_441 = vector.extract %slice3A_440[0] : f32 from vector<1xf32>
        %add3A_442 = arith.constant 10 : i32
        %add3A_443 = arith.addi %mul3A_53, %add3A_442 : i32
        %mul3A_444 = arith.constant 64 : i32
        %mul3A_445 = arith.muli %add3A_443, %mul3A_444 : i32
        %add3A_446 = arith.constant 0 : i32
        %add3A_447 = arith.addi %mul3A_445, %add3A_446 : i32
        %get3A_448 = arith.index_cast %add3A_447 : i32 to index
        %get3A_449 = tpu.vector_load %arg10[%get3A_448] {strides = array<i32>} : memref<16384xf32, #tpu.memory_space<vmem>>, vector<16xf32>,
        %mul3A_450 = vector.broadcast %squeeze3A_441 : f32 to vector<16xf32>
        %mul3A_451 = arith.mulf %get3A_449, %mul3A_450 : vector<16xf32>
        %swap3A_452 = arith.index_cast %add3A_447 : i32 to index
        %swap3A_453 = tpu.vector_load %arg10[%swap3A_452] {strides = array<i32>} : memref<16384xf32, #tpu.memory_space<vmem>>, vector<16xf32>,
        tpu.vector_store %arg10[%swap3A_452], %mul3A_451 {strides = array<i32>} : memref<16384xf32, #tpu.memory_space<vmem>>, vector<16xf32>,
        %add3A_454 = arith.constant 16 : i32
        %add3A_455 = arith.addi %mul3A_445, %add3A_454 : i32
        %get3A_456 = arith.index_cast %add3A_455 : i32 to index
        %get3A_457 = tpu.vector_load %arg10[%get3A_456] {strides = array<i32>} : memref<16384xf32, #tpu.memory_space<vmem>>, vector<16xf32>,
        %mul3A_458 = vector.broadcast %squeeze3A_441 : f32 to vector<16xf32>
        %mul3A_459 = arith.mulf %get3A_457, %mul3A_458 : vector<16xf32>
        %swap3A_460 = arith.index_cast %add3A_455 : i32 to index
        %swap3A_461 = tpu.vector_load %arg10[%swap3A_460] {strides = array<i32>} : memref<16384xf32, #tpu.memory_space<vmem>>, vector<16xf32>,
        tpu.vector_store %arg10[%swap3A_460], %mul3A_459 {strides = array<i32>} : memref<16384xf32, #tpu.memory_space<vmem>>, vector<16xf32>,
        %add3A_462 = arith.constant 32 : i32
        %add3A_463 = arith.addi %mul3A_445, %add3A_462 : i32
        %get3A_464 = arith.index_cast %add3A_463 : i32 to index
        %get3A_465 = tpu.vector_load %arg10[%get3A_464] {strides = array<i32>} : memref<16384xf32, #tpu.memory_space<vmem>>, vector<16xf32>,
        %mul3A_466 = vector.broadcast %squeeze3A_441 : f32 to vector<16xf32>
        %mul3A_467 = arith.mulf %get3A_465, %mul3A_466 : vector<16xf32>
        %swap3A_468 = arith.index_cast %add3A_463 : i32 to index
        %swap3A_469 = tpu.vector_load %arg10[%swap3A_468] {strides = array<i32>} : memref<16384xf32, #tpu.memory_space<vmem>>, vector<16xf32>,
        tpu.vector_store %arg10[%swap3A_468], %mul3A_467 {strides = array<i32>} : memref<16384xf32, #tpu.memory_space<vmem>>, vector<16xf32>,
        %add3A_470 = arith.constant 48 : i32
        %add3A_471 = arith.addi %mul3A_445, %add3A_470 : i32
        %get3A_472 = arith.index_cast %add3A_471 : i32 to index
        %get3A_473 = tpu.vector_load %arg10[%get3A_472] {strides = array<i32>} : memref<16384xf32, #tpu.memory_space<vmem>>, vector<16xf32>,
        %mul3A_474 = vector.broadcast %squeeze3A_441 : f32 to vector<16xf32>
        %mul3A_475 = arith.mulf %get3A_473, %mul3A_474 : vector<16xf32>
        %swap3A_476 = arith.index_cast %add3A_471 : i32 to index
        %swap3A_477 = tpu.vector_load %arg10[%swap3A_476] {strides = array<i32>} : memref<16384xf32, #tpu.memory_space<vmem>>, vector<16xf32>,
        tpu.vector_store %arg10[%swap3A_476], %mul3A_475 {strides = array<i32>} : memref<16384xf32, #tpu.memory_space<vmem>>, vector<16xf32>,
        %slice3A_478 = vector.extract_strided_slice %div3A_63 {offsets = [11], sizes = [1], strides = [1]} : vector<16xf32> to vector<1xf32>
        %squeeze3A_479 = vector.extract %slice3A_478[0] : f32 from vector<1xf32>
        %add3A_480 = arith.constant 11 : i32
        %add3A_481 = arith.addi %mul3A_53, %add3A_480 : i32
        %mul3A_482 = arith.constant 64 : i32
        %mul3A_483 = arith.muli %add3A_481, %mul3A_482 : i32
        %add3A_484 = arith.constant 0 : i32
        %add3A_485 = arith.addi %mul3A_483, %add3A_484 : i32
        %get3A_486 = arith.index_cast %add3A_485 : i32 to index
        %get3A_487 = tpu.vector_load %arg10[%get3A_486] {strides = array<i32>} : memref<16384xf32, #tpu.memory_space<vmem>>, vector<16xf32>,
        %mul3A_488 = vector.broadcast %squeeze3A_479 : f32 to vector<16xf32>
        %mul3A_489 = arith.mulf %get3A_487, %mul3A_488 : vector<16xf32>
        %swap3A_490 = arith.index_cast %add3A_485 : i32 to index
        %swap3A_491 = tpu.vector_load %arg10[%swap3A_490] {strides = array<i32>} : memref<16384xf32, #tpu.memory_space<vmem>>, vector<16xf32>,
        tpu.vector_store %arg10[%swap3A_490], %mul3A_489 {strides = array<i32>} : memref<16384xf32, #tpu.memory_space<vmem>>, vector<16xf32>,
        %add3A_492 = arith.constant 16 : i32
        %add3A_493 = arith.addi %mul3A_483, %add3A_492 : i32
        %get3A_494 = arith.index_cast %add3A_493 : i32 to index
        %get3A_495 = tpu.vector_load %arg10[%get3A_494] {strides = array<i32>} : memref<16384xf32, #tpu.memory_space<vmem>>, vector<16xf32>,
        %mul3A_496 = vector.broadcast %squeeze3A_479 : f32 to vector<16xf32>
        %mul3A_497 = arith.mulf %get3A_495, %mul3A_496 : vector<16xf32>
        %swap3A_498 = arith.index_cast %add3A_493 : i32 to index
        %swap3A_499 = tpu.vector_load %arg10[%swap3A_498] {strides = array<i32>} : memref<16384xf32, #tpu.memory_space<vmem>>, vector<16xf32>,
        tpu.vector_store %arg10[%swap3A_498], %mul3A_497 {strides = array<i32>} : memref<16384xf32, #tpu.memory_space<vmem>>, vector<16xf32>,
        %add3A_500 = arith.constant 32 : i32
        %add3A_501 = arith.addi %mul3A_483, %add3A_500 : i32
        %get3A_502 = arith.index_cast %add3A_501 : i32 to index
        %get3A_503 = tpu.vector_load %arg10[%get3A_502] {strides = array<i32>} : memref<16384xf32, #tpu.memory_space<vmem>>, vector<16xf32>,
        %mul3A_504 = vector.broadcast %squeeze3A_479 : f32 to vector<16xf32>
        %mul3A_505 = arith.mulf %get3A_503, %mul3A_504 : vector<16xf32>
        %swap3A_506 = arith.index_cast %add3A_501 : i32 to index
        %swap3A_507 = tpu.vector_load %arg10[%swap3A_506] {strides = array<i32>} : memref<16384xf32, #tpu.memory_space<vmem>>, vector<16xf32>,
        tpu.vector_store %arg10[%swap3A_506], %mul3A_505 {strides = array<i32>} : memref<16384xf32, #tpu.memory_space<vmem>>, vector<16xf32>,
        %add3A_508 = arith.constant 48 : i32
        %add3A_509 = arith.addi %mul3A_483, %add3A_508 : i32
        %get3A_510 = arith.index_cast %add3A_509 : i32 to index
        %get3A_511 = tpu.vector_load %arg10[%get3A_510] {strides = array<i32>} : memref<16384xf32, #tpu.memory_space<vmem>>, vector<16xf32>,
        %mul3A_512 = vector.broadcast %squeeze3A_479 : f32 to vector<16xf32>
        %mul3A_513 = arith.mulf %get3A_511, %mul3A_512 : vector<16xf32>
        %swap3A_514 = arith.index_cast %add3A_509 : i32 to index
        %swap3A_515 = tpu.vector_load %arg10[%swap3A_514] {strides = array<i32>} : memref<16384xf32, #tpu.memory_space<vmem>>, vector<16xf32>,
        tpu.vector_store %arg10[%swap3A_514], %mul3A_513 {strides = array<i32>} : memref<16384xf32, #tpu.memory_space<vmem>>, vector<16xf32>,
        %slice3A_516 = vector.extract_strided_slice %div3A_63 {offsets = [12], sizes = [1], strides = [1]} : vector<16xf32> to vector<1xf32>
        %squeeze3A_517 = vector.extract %slice3A_516[0] : f32 from vector<1xf32>
        %add3A_518 = arith.constant 12 : i32
        %add3A_519 = arith.addi %mul3A_53, %add3A_518 : i32
        %mul3A_520 = arith.constant 64 : i32
        %mul3A_521 = arith.muli %add3A_519, %mul3A_520 : i32
        %add3A_522 = arith.constant 0 : i32
        %add3A_523 = arith.addi %mul3A_521, %add3A_522 : i32
        %get3A_524 = arith.index_cast %add3A_523 : i32 to index
        %get3A_525 = tpu.vector_load %arg10[%get3A_524] {strides = array<i32>} : memref<16384xf32, #tpu.memory_space<vmem>>, vector<16xf32>,
        %mul3A_526 = vector.broadcast %squeeze3A_517 : f32 to vector<16xf32>
        %mul3A_527 = arith.mulf %get3A_525, %mul3A_526 : vector<16xf32>
        %swap3A_528 = arith.index_cast %add3A_523 : i32 to index
        %swap3A_529 = tpu.vector_load %arg10[%swap3A_528] {strides = array<i32>} : memref<16384xf32, #tpu.memory_space<vmem>>, vector<16xf32>,
        tpu.vector_store %arg10[%swap3A_528], %mul3A_527 {strides = array<i32>} : memref<16384xf32, #tpu.memory_space<vmem>>, vector<16xf32>,
        %add3A_530 = arith.constant 16 : i32
        %add3A_531 = arith.addi %mul3A_521, %add3A_530 : i32
        %get3A_532 = arith.index_cast %add3A_531 : i32 to index
        %get3A_533 = tpu.vector_load %arg10[%get3A_532] {strides = array<i32>} : memref<16384xf32, #tpu.memory_space<vmem>>, vector<16xf32>,
        %mul3A_534 = vector.broadcast %squeeze3A_517 : f32 to vector<16xf32>
        %mul3A_535 = arith.mulf %get3A_533, %mul3A_534 : vector<16xf32>
        %swap3A_536 = arith.index_cast %add3A_531 : i32 to index
        %swap3A_537 = tpu.vector_load %arg10[%swap3A_536] {strides = array<i32>} : memref<16384xf32, #tpu.memory_space<vmem>>, vector<16xf32>,
        tpu.vector_store %arg10[%swap3A_536], %mul3A_535 {strides = array<i32>} : memref<16384xf32, #tpu.memory_space<vmem>>, vector<16xf32>,
        %add3A_538 = arith.constant 32 : i32
        %add3A_539 = arith.addi %mul3A_521, %add3A_538 : i32
        %get3A_540 = arith.index_cast %add3A_539 : i32 to index
        %get3A_541 = tpu.vector_load %arg10[%get3A_540] {strides = array<i32>} : memref<16384xf32, #tpu.memory_space<vmem>>, vector<16xf32>,
        %mul3A_542 = vector.broadcast %squeeze3A_517 : f32 to vector<16xf32>
        %mul3A_543 = arith.mulf %get3A_541, %mul3A_542 : vector<16xf32>
        %swap3A_544 = arith.index_cast %add3A_539 : i32 to index
        %swap3A_545 = tpu.vector_load %arg10[%swap3A_544] {strides = array<i32>} : memref<16384xf32, #tpu.memory_space<vmem>>, vector<16xf32>,
        tpu.vector_store %arg10[%swap3A_544], %mul3A_543 {strides = array<i32>} : memref<16384xf32, #tpu.memory_space<vmem>>, vector<16xf32>,
        %add3A_546 = arith.constant 48 : i32
        %add3A_547 = arith.addi %mul3A_521, %add3A_546 : i32
        %get3A_548 = arith.index_cast %add3A_547 : i32 to index
        %get3A_549 = tpu.vector_load %arg10[%get3A_548] {strides = array<i32>} : memref<16384xf32, #tpu.memory_space<vmem>>, vector<16xf32>,
        %mul3A_550 = vector.broadcast %squeeze3A_517 : f32 to vector<16xf32>
        %mul3A_551 = arith.mulf %get3A_549, %mul3A_550 : vector<16xf32>
        %swap3A_552 = arith.index_cast %add3A_547 : i32 to index
        %swap3A_553 = tpu.vector_load %arg10[%swap3A_552] {strides = array<i32>} : memref<16384xf32, #tpu.memory_space<vmem>>, vector<16xf32>,
        tpu.vector_store %arg10[%swap3A_552], %mul3A_551 {strides = array<i32>} : memref<16384xf32, #tpu.memory_space<vmem>>, vector<16xf32>,
        %slice3A_554 = vector.extract_strided_slice %div3A_63 {offsets = [13], sizes = [1], strides = [1]} : vector<16xf32> to vector<1xf32>
        %squeeze3A_555 = vector.extract %slice3A_554[0] : f32 from vector<1xf32>
        %add3A_556 = arith.constant 13 : i32
        %add3A_557 = arith.addi %mul3A_53, %add3A_556 : i32
        %mul3A_558 = arith.constant 64 : i32
        %mul3A_559 = arith.muli %add3A_557, %mul3A_558 : i32
        %add3A_560 = arith.constant 0 : i32
        %add3A_561 = arith.addi %mul3A_559, %add3A_560 : i32
        %get3A_562 = arith.index_cast %add3A_561 : i32 to index
        %get3A_563 = tpu.vector_load %arg10[%get3A_562] {strides = array<i32>} : memref<16384xf32, #tpu.memory_space<vmem>>, vector<16xf32>,
        %mul3A_564 = vector.broadcast %squeeze3A_555 : f32 to vector<16xf32>
        %mul3A_565 = arith.mulf %get3A_563, %mul3A_564 : vector<16xf32>
        %swap3A_566 = arith.index_cast %add3A_561 : i32 to index
        %swap3A_567 = tpu.vector_load %arg10[%swap3A_566] {strides = array<i32>} : memref<16384xf32, #tpu.memory_space<vmem>>, vector<16xf32>,
        tpu.vector_store %arg10[%swap3A_566], %mul3A_565 {strides = array<i32>} : memref<16384xf32, #tpu.memory_space<vmem>>, vector<16xf32>,
        %add3A_568 = arith.constant 16 : i32
        %add3A_569 = arith.addi %mul3A_559, %add3A_568 : i32
        %get3A_570 = arith.index_cast %add3A_569 : i32 to index
        %get3A_571 = tpu.vector_load %arg10[%get3A_570] {strides = array<i32>} : memref<16384xf32, #tpu.memory_space<vmem>>, vector<16xf32>,
        %mul3A_572 = vector.broadcast %squeeze3A_555 : f32 to vector<16xf32>
        %mul3A_573 = arith.mulf %get3A_571, %mul3A_572 : vector<16xf32>
        %swap3A_574 = arith.index_cast %add3A_569 : i32 to index
        %swap3A_575 = tpu.vector_load %arg10[%swap3A_574] {strides = array<i32>} : memref<16384xf32, #tpu.memory_space<vmem>>, vector<16xf32>,
        tpu.vector_store %arg10[%swap3A_574], %mul3A_573 {strides = array<i32>} : memref<16384xf32, #tpu.memory_space<vmem>>, vector<16xf32>,
        %add3A_576 = arith.constant 32 : i32
        %add3A_577 = arith.addi %mul3A_559, %add3A_576 : i32
        %get3A_578 = arith.index_cast %add3A_577 : i32 to index
        %get3A_579 = tpu.vector_load %arg10[%get3A_578] {strides = array<i32>} : memref<16384xf32, #tpu.memory_space<vmem>>, vector<16xf32>,
        %mul3A_580 = vector.broadcast %squeeze3A_555 : f32 to vector<16xf32>
        %mul3A_581 = arith.mulf %get3A_579, %mul3A_580 : vector<16xf32>
        %swap3A_582 = arith.index_cast %add3A_577 : i32 to index
        %swap3A_583 = tpu.vector_load %arg10[%swap3A_582] {strides = array<i32>} : memref<16384xf32, #tpu.memory_space<vmem>>, vector<16xf32>,
        tpu.vector_store %arg10[%swap3A_582], %mul3A_581 {strides = array<i32>} : memref<16384xf32, #tpu.memory_space<vmem>>, vector<16xf32>,
        %add3A_584 = arith.constant 48 : i32
        %add3A_585 = arith.addi %mul3A_559, %add3A_584 : i32
        %get3A_586 = arith.index_cast %add3A_585 : i32 to index
        %get3A_587 = tpu.vector_load %arg10[%get3A_586] {strides = array<i32>} : memref<16384xf32, #tpu.memory_space<vmem>>, vector<16xf32>,
        %mul3A_588 = vector.broadcast %squeeze3A_555 : f32 to vector<16xf32>
        %mul3A_589 = arith.mulf %get3A_587, %mul3A_588 : vector<16xf32>
        %swap3A_590 = arith.index_cast %add3A_585 : i32 to index
        %swap3A_591 = tpu.vector_load %arg10[%swap3A_590] {strides = array<i32>} : memref<16384xf32, #tpu.memory_space<vmem>>, vector<16xf32>,
        tpu.vector_store %arg10[%swap3A_590], %mul3A_589 {strides = array<i32>} : memref<16384xf32, #tpu.memory_space<vmem>>, vector<16xf32>,
        %slice3A_592 = vector.extract_strided_slice %div3A_63 {offsets = [14], sizes = [1], strides = [1]} : vector<16xf32> to vector<1xf32>
        %squeeze3A_593 = vector.extract %slice3A_592[0] : f32 from vector<1xf32>
        %add3A_594 = arith.constant 14 : i32
        %add3A_595 = arith.addi %mul3A_53, %add3A_594 : i32
        %mul3A_596 = arith.constant 64 : i32
        %mul3A_597 = arith.muli %add3A_595, %mul3A_596 : i32
        %add3A_598 = arith.constant 0 : i32
        %add3A_599 = arith.addi %mul3A_597, %add3A_598 : i32
        %get3A_600 = arith.index_cast %add3A_599 : i32 to index
        %get3A_601 = tpu.vector_load %arg10[%get3A_600] {strides = array<i32>} : memref<16384xf32, #tpu.memory_space<vmem>>, vector<16xf32>,
        %mul3A_602 = vector.broadcast %squeeze3A_593 : f32 to vector<16xf32>
        %mul3A_603 = arith.mulf %get3A_601, %mul3A_602 : vector<16xf32>
        %swap3A_604 = arith.index_cast %add3A_599 : i32 to index
        %swap3A_605 = tpu.vector_load %arg10[%swap3A_604] {strides = array<i32>} : memref<16384xf32, #tpu.memory_space<vmem>>, vector<16xf32>,
        tpu.vector_store %arg10[%swap3A_604], %mul3A_603 {strides = array<i32>} : memref<16384xf32, #tpu.memory_space<vmem>>, vector<16xf32>,
        %add3A_606 = arith.constant 16 : i32
        %add3A_607 = arith.addi %mul3A_597, %add3A_606 : i32
        %get3A_608 = arith.index_cast %add3A_607 : i32 to index
        %get3A_609 = tpu.vector_load %arg10[%get3A_608] {strides = array<i32>} : memref<16384xf32, #tpu.memory_space<vmem>>, vector<16xf32>,
        %mul3A_610 = vector.broadcast %squeeze3A_593 : f32 to vector<16xf32>
        %mul3A_611 = arith.mulf %get3A_609, %mul3A_610 : vector<16xf32>
        %swap3A_612 = arith.index_cast %add3A_607 : i32 to index
        %swap3A_613 = tpu.vector_load %arg10[%swap3A_612] {strides = array<i32>} : memref<16384xf32, #tpu.memory_space<vmem>>, vector<16xf32>,
        tpu.vector_store %arg10[%swap3A_612], %mul3A_611 {strides = array<i32>} : memref<16384xf32, #tpu.memory_space<vmem>>, vector<16xf32>,
        %add3A_614 = arith.constant 32 : i32
        %add3A_615 = arith.addi %mul3A_597, %add3A_614 : i32
        %get3A_616 = arith.index_cast %add3A_615 : i32 to index
        %get3A_617 = tpu.vector_load %arg10[%get3A_616] {strides = array<i32>} : memref<16384xf32, #tpu.memory_space<vmem>>, vector<16xf32>,
        %mul3A_618 = vector.broadcast %squeeze3A_593 : f32 to vector<16xf32>
        %mul3A_619 = arith.mulf %get3A_617, %mul3A_618 : vector<16xf32>
        %swap3A_620 = arith.index_cast %add3A_615 : i32 to index
        %swap3A_621 = tpu.vector_load %arg10[%swap3A_620] {strides = array<i32>} : memref<16384xf32, #tpu.memory_space<vmem>>, vector<16xf32>,
        tpu.vector_store %arg10[%swap3A_620], %mul3A_619 {strides = array<i32>} : memref<16384xf32, #tpu.memory_space<vmem>>, vector<16xf32>,
        %add3A_622 = arith.constant 48 : i32
        %add3A_623 = arith.addi %mul3A_597, %add3A_622 : i32
        %get3A_624 = arith.index_cast %add3A_623 : i32 to index
        %get3A_625 = tpu.vector_load %arg10[%get3A_624] {strides = array<i32>} : memref<16384xf32, #tpu.memory_space<vmem>>, vector<16xf32>,
        %mul3A_626 = vector.broadcast %squeeze3A_593 : f32 to vector<16xf32>
        %mul3A_627 = arith.mulf %get3A_625, %mul3A_626 : vector<16xf32>
        %swap3A_628 = arith.index_cast %add3A_623 : i32 to index
        %swap3A_629 = tpu.vector_load %arg10[%swap3A_628] {strides = array<i32>} : memref<16384xf32, #tpu.memory_space<vmem>>, vector<16xf32>,
        tpu.vector_store %arg10[%swap3A_628], %mul3A_627 {strides = array<i32>} : memref<16384xf32, #tpu.memory_space<vmem>>, vector<16xf32>,
        %slice3A_630 = vector.extract_strided_slice %div3A_63 {offsets = [15], sizes = [1], strides = [1]} : vector<16xf32> to vector<1xf32>
        %squeeze3A_631 = vector.extract %slice3A_630[0] : f32 from vector<1xf32>
        %add3A_632 = arith.constant 15 : i32
        %add3A_633 = arith.addi %mul3A_53, %add3A_632 : i32
        %mul3A_634 = arith.constant 64 : i32
        %mul3A_635 = arith.muli %add3A_633, %mul3A_634 : i32
        %add3A_636 = arith.constant 0 : i32
        %add3A_637 = arith.addi %mul3A_635, %add3A_636 : i32
        %get3A_638 = arith.index_cast %add3A_637 : i32 to index
        %get3A_639 = tpu.vector_load %arg10[%get3A_638] {strides = array<i32>} : memref<16384xf32, #tpu.memory_space<vmem>>, vector<16xf32>,
        %mul3A_640 = vector.broadcast %squeeze3A_631 : f32 to vector<16xf32>
        %mul3A_641 = arith.mulf %get3A_639, %mul3A_640 : vector<16xf32>
        %swap3A_642 = arith.index_cast %add3A_637 : i32 to index
        %swap3A_643 = tpu.vector_load %arg10[%swap3A_642] {strides = array<i32>} : memref<16384xf32, #tpu.memory_space<vmem>>, vector<16xf32>,
        tpu.vector_store %arg10[%swap3A_642], %mul3A_641 {strides = array<i32>} : memref<16384xf32, #tpu.memory_space<vmem>>, vector<16xf32>,
        %add3A_644 = arith.constant 16 : i32
        %add3A_645 = arith.addi %mul3A_635, %add3A_644 : i32
        %get3A_646 = arith.index_cast %add3A_645 : i32 to index
        %get3A_647 = tpu.vector_load %arg10[%get3A_646] {strides = array<i32>} : memref<16384xf32, #tpu.memory_space<vmem>>, vector<16xf32>,
        %mul3A_648 = vector.broadcast %squeeze3A_631 : f32 to vector<16xf32>
        %mul3A_649 = arith.mulf %get3A_647, %mul3A_648 : vector<16xf32>
        %swap3A_650 = arith.index_cast %add3A_645 : i32 to index
        %swap3A_651 = tpu.vector_load %arg10[%swap3A_650] {strides = array<i32>} : memref<16384xf32, #tpu.memory_space<vmem>>, vector<16xf32>,
        tpu.vector_store %arg10[%swap3A_650], %mul3A_649 {strides = array<i32>} : memref<16384xf32, #tpu.memory_space<vmem>>, vector<16xf32>,
        %add3A_652 = arith.constant 32 : i32
        %add3A_653 = arith.addi %mul3A_635, %add3A_652 : i32
        %get3A_654 = arith.index_cast %add3A_653 : i32 to index
        %get3A_655 = tpu.vector_load %arg10[%get3A_654] {strides = array<i32>} : memref<16384xf32, #tpu.memory_space<vmem>>, vector<16xf32>,
        %mul3A_656 = vector.broadcast %squeeze3A_631 : f32 to vector<16xf32>
        %mul3A_657 = arith.mulf %get3A_655, %mul3A_656 : vector<16xf32>
        %swap3A_658 = arith.index_cast %add3A_653 : i32 to index
        %swap3A_659 = tpu.vector_load %arg10[%swap3A_658] {strides = array<i32>} : memref<16384xf32, #tpu.memory_space<vmem>>, vector<16xf32>,
        tpu.vector_store %arg10[%swap3A_658], %mul3A_657 {strides = array<i32>} : memref<16384xf32, #tpu.memory_space<vmem>>, vector<16xf32>,
        %add3A_660 = arith.constant 48 : i32
        %add3A_661 = arith.addi %mul3A_635, %add3A_660 : i32
        %get3A_662 = arith.index_cast %add3A_661 : i32 to index
        %get3A_663 = tpu.vector_load %arg10[%get3A_662] {strides = array<i32>} : memref<16384xf32, #tpu.memory_space<vmem>>, vector<16xf32>,
        %mul3A_664 = vector.broadcast %squeeze3A_631 : f32 to vector<16xf32>
        %mul3A_665 = arith.mulf %get3A_663, %mul3A_664 : vector<16xf32>
        %swap3A_666 = arith.index_cast %add3A_661 : i32 to index
        %swap3A_667 = tpu.vector_load %arg10[%swap3A_666] {strides = array<i32>} : memref<16384xf32, #tpu.memory_space<vmem>>, vector<16xf32>,
        tpu.vector_store %arg10[%swap3A_666], %mul3A_665 {strides = array<i32>} : memref<16384xf32, #tpu.memory_space<vmem>>, vector<16xf32>,
        %scan3A_668 = arith.constant 0 : i32
        scf.yield %scan3A_668 : i32
      }
      %scan3A_48 = arith.constant 16 : i32
      "tpu.region"() ({
        %run_scoped3A = tpu.sem_alloc : memref<!tpu.dma_semaphore, #tpu.memory_space<semaphore_mem>>
        %dma_start3A = arith.constant 0 : i32
        %dma_start3A_50 = tpu.memref_slice %arg5[%add3A, %scan3A_31, %dma_start3A] : memref<32x8x16384xf32, #tpu.memory_space<hbm>> -> memref<1x1x16384xf32, #tpu.memory_space<hbm>>
        %dma_start3A_51 = tpu.memref_squeeze %dma_start3A_50 : memref<1x1x16384xf32, #tpu.memory_space<hbm>> -> memref<16384xf32, #tpu.memory_space<hbm>>
        %dma_start3A_52 = arith.constant 0 : i32
        %dma_start3A_53 = tpu.memref_slice %arg5[%add3A, %scan3A_31, %dma_start3A_52] : memref<32x8x16384xf32, #tpu.memory_space<hbm>> -> memref<1x1x16384xf32, #tpu.memory_space<hbm>>
        %dma_start3A_54 = tpu.memref_squeeze %dma_start3A_53 : memref<1x1x16384xf32, #tpu.memory_space<hbm>> -> memref<16384xf32, #tpu.memory_space<hbm>>
        tpu.enqueue_dma source(%arg10 : memref<16384xf32, #tpu.memory_space<vmem>>) target(%dma_start3A_54 : memref<16384xf32, #tpu.memory_space<hbm>>) target_semaphore(%run_scoped3A : memref<!tpu.dma_semaphore, #tpu.memory_space<semaphore_mem>>)
        %dma_wait3A = arith.constant 0 : i32
        %dma_wait3A_55 = tpu.memref_slice %arg5[%add3A, %scan3A_31, %dma_wait3A] : memref<32x8x16384xf32, #tpu.memory_space<hbm>> -> memref<1x1x16384xf32, #tpu.memory_space<hbm>>
        %dma_wait3A_56 = tpu.memref_squeeze %dma_wait3A_55 : memref<1x1x16384xf32, #tpu.memory_space<hbm>> -> memref<16384xf32, #tpu.memory_space<hbm>>
        %dma_wait3A_57 = arith.constant 0 : i32
        %dma_wait3A_58 = tpu.memref_slice %arg5[%add3A, %scan3A_31, %dma_wait3A_57] : memref<32x8x16384xf32, #tpu.memory_space<hbm>> -> memref<1x1x16384xf32, #tpu.memory_space<hbm>>
        %dma_wait3A_59 = tpu.memref_squeeze %dma_wait3A_58 : memref<1x1x16384xf32, #tpu.memory_space<hbm>> -> memref<16384xf32, #tpu.memory_space<hbm>>
        tpu.wait_dma2 semaphore(%run_scoped3A : memref<!tpu.dma_semaphore, #tpu.memory_space<semaphore_mem>>) src(%arg10 : memref<16384xf32, #tpu.memory_space<vmem>>) dst(%dma_wait3A_59 : memref<16384xf32, #tpu.memory_space<hbm>>)
        tpu.yield
      }) : () -> ()
      %scan3A_49 = arith.constant 0 : i32
      scf.yield %scan3A_49 : i32
    }
    %scan3A_30 = arith.constant 8 : i32
    return
  }
}

module attributes {stable_mosaic.version = 14 : i64} {
  func.func @_codes_body(%arg0: i32, %arg1: i32, %arg2: memref<1x1x2048x64xf32, #tpu.memory_space<vmem>>, %arg3: memref<1x1x2048x64xf32, #tpu.memory_space<vmem>>, %arg4: memref<1x48x64xf32, #tpu.memory_space<vmem>>, %arg5: memref<1x1x32x2048xi32, #tpu.memory_space<vmem>>, %arg6: memref<1x1x32x2048xi32, #tpu.memory_space<vmem>>) attributes {dimension_semantics = [#tpu.dimension_semantics<arbitrary>, #tpu.dimension_semantics<arbitrary>], iteration_bounds = array<i64: 2, 16>, scalar_prefetch = 0 : i64, scratch_operands = 0 : i64, tpu.core_type = #tpu.core_type<tc>, window_params = [{transform_indices = @transform_0, window_bounds = array<i64: 1, 1, 2048, 64>}, {transform_indices = @transform_1, window_bounds = array<i64: 1, 1, 2048, 64>}, {transform_indices = @transform_2, window_bounds = array<i64: 1, 48, 64>}, {transform_indices = @transform_3, window_bounds = array<i64: 1, 1, 32, 2048>}, {transform_indices = @transform_4, window_bounds = array<i64: 1, 1, 32, 2048>}]} {
    %get3A = arith.constant 0 : index
    %get3A_0 = arith.constant 0 : index
    %get3A_1 = arith.constant 0 : index
    %get3A_2 = arith.constant 0 : index
    %get3A_3 = vector.load %arg2[%get3A, %get3A_0, %get3A_1, %get3A_2] : memref<1x1x2048x64xf32, #tpu.memory_space<vmem>>, vector<1x1x2048x64xf32>
    %get3A_4 = vector.shape_cast %get3A_3 : vector<1x1x2048x64xf32> to vector<2048x64xf32>
    %get3A_5 = arith.constant 0 : index
    %get3A_6 = arith.constant 0 : index
    %get3A_7 = arith.constant 0 : index
    %get3A_8 = arith.constant 0 : index
    %get3A_9 = vector.load %arg3[%get3A_5, %get3A_6, %get3A_7, %get3A_8] : memref<1x1x2048x64xf32, #tpu.memory_space<vmem>>, vector<1x1x2048x64xf32>
    %get3A_10 = vector.shape_cast %get3A_9 : vector<1x1x2048x64xf32> to vector<2048x64xf32>
    %get3A_11 = arith.constant 0 : index
    %get3A_12 = arith.constant 0 : index
    %get3A_13 = arith.constant 0 : index
    %get3A_14 = vector.load %arg4[%get3A_11, %get3A_12, %get3A_13] : memref<1x48x64xf32, #tpu.memory_space<vmem>>, vector<1x48x64xf32>
    %get3A_15 = vector.shape_cast %get3A_14 : vector<1x48x64xf32> to vector<48x64xf32>
    %dot_general3A = arith.constant dense<0.000000e+00> : vector<48x2048xf32>
    %dot_general3A_16 = tpu.matmul %get3A_15, %get3A_4, %dot_general3A {dimension_numbers = #tpu.dot_dimension_numbers<[1], [1], [0], [0], [0, 0, 1, 0], [], []>, transpose_lhs_hint = false} : vector<48x64xf32>, vector<2048x64xf32>, vector<48x2048xf32> -> vector<48x2048xf32>
    %dot_general3A_17 = arith.constant dense<0.000000e+00> : vector<48x2048xf32>
    %dot_general3A_18 = tpu.matmul %get3A_15, %get3A_10, %dot_general3A_17 {dimension_numbers = #tpu.dot_dimension_numbers<[1], [1], [0], [0], [0, 0, 1, 0], [], []>, transpose_lhs_hint = false} : vector<48x64xf32>, vector<2048x64xf32>, vector<48x2048xf32> -> vector<48x2048xf32>
    %slice3A = vector.extract_strided_slice %dot_general3A_16 {offsets = [0, 0], sizes = [8, 2048], strides = [1, 1]} : vector<48x2048xf32> to vector<8x2048xf32>
    %slice3A_19 = vector.extract_strided_slice %dot_general3A_16 {offsets = [8, 0], sizes = [8, 2048], strides = [1, 1]} : vector<48x2048xf32> to vector<8x2048xf32>
    %slice3A_20 = vector.extract_strided_slice %dot_general3A_16 {offsets = [16, 0], sizes = [8, 2048], strides = [1, 1]} : vector<48x2048xf32> to vector<8x2048xf32>
    %slice3A_21 = vector.extract_strided_slice %dot_general3A_16 {offsets = [24, 0], sizes = [8, 2048], strides = [1, 1]} : vector<48x2048xf32> to vector<8x2048xf32>
    %slice3A_22 = vector.extract_strided_slice %dot_general3A_16 {offsets = [32, 0], sizes = [8, 2048], strides = [1, 1]} : vector<48x2048xf32> to vector<8x2048xf32>
    %slice3A_23 = vector.extract_strided_slice %dot_general3A_16 {offsets = [40, 0], sizes = [8, 2048], strides = [1, 1]} : vector<48x2048xf32> to vector<8x2048xf32>
    %abs3A = math.absf %slice3A : vector<8x2048xf32>
    %abs3A_24 = math.absf %slice3A_19 : vector<8x2048xf32>
    %abs3A_25 = math.absf %slice3A_20 : vector<8x2048xf32>
    %abs3A_26 = math.absf %slice3A_21 : vector<8x2048xf32>
    %abs3A_27 = math.absf %slice3A_22 : vector<8x2048xf32>
    %abs3A_28 = math.absf %slice3A_23 : vector<8x2048xf32>
    %broadcast_in_dim3A = arith.constant 0 : i32
    %broadcast_in_dim3A_29 = vector.broadcast %broadcast_in_dim3A : i32 to vector<8x2048xi32>
    %gt3A = arith.constant 0.000000e+00 : f32
    %gt3A_30 = vector.broadcast %gt3A : f32 to vector<8x2048xf32>
    %gt3A_31 = arith.cmpf ogt, %slice3A, %gt3A_30 : vector<8x2048xf32>
    %convert_element_type3A = arith.extui %gt3A_31 : vector<8x2048xi1> to vector<8x2048xi32>
    %mul3A = arith.constant 1 : i32
    %mul3A_32 = vector.broadcast %mul3A : i32 to vector<8x2048xi32>
    %mul3A_33 = arith.muli %convert_element_type3A, %mul3A_32 : vector<8x2048xi32>
    %add3A = arith.addi %broadcast_in_dim3A_29, %mul3A_33 : vector<8x2048xi32>
    %gt3A_34 = arith.constant 0.000000e+00 : f32
    %gt3A_35 = vector.broadcast %gt3A_34 : f32 to vector<8x2048xf32>
    %gt3A_36 = arith.cmpf ogt, %slice3A_19, %gt3A_35 : vector<8x2048xf32>
    %convert_element_type3A_37 = arith.extui %gt3A_36 : vector<8x2048xi1> to vector<8x2048xi32>
    %mul3A_38 = arith.constant 2 : i32
    %mul3A_39 = vector.broadcast %mul3A_38 : i32 to vector<8x2048xi32>
    %mul3A_40 = arith.muli %convert_element_type3A_37, %mul3A_39 : vector<8x2048xi32>
    %add3A_41 = arith.addi %add3A, %mul3A_40 : vector<8x2048xi32>
    %gt3A_42 = arith.constant 0.000000e+00 : f32
    %gt3A_43 = vector.broadcast %gt3A_42 : f32 to vector<8x2048xf32>
    %gt3A_44 = arith.cmpf ogt, %slice3A_20, %gt3A_43 : vector<8x2048xf32>
    %convert_element_type3A_45 = arith.extui %gt3A_44 : vector<8x2048xi1> to vector<8x2048xi32>
    %mul3A_46 = arith.constant 4 : i32
    %mul3A_47 = vector.broadcast %mul3A_46 : i32 to vector<8x2048xi32>
    %mul3A_48 = arith.muli %convert_element_type3A_45, %mul3A_47 : vector<8x2048xi32>
    %add3A_49 = arith.addi %add3A_41, %mul3A_48 : vector<8x2048xi32>
    %gt3A_50 = arith.constant 0.000000e+00 : f32
    %gt3A_51 = vector.broadcast %gt3A_50 : f32 to vector<8x2048xf32>
    %gt3A_52 = arith.cmpf ogt, %slice3A_21, %gt3A_51 : vector<8x2048xf32>
    %convert_element_type3A_53 = arith.extui %gt3A_52 : vector<8x2048xi1> to vector<8x2048xi32>
    %mul3A_54 = arith.constant 8 : i32
    %mul3A_55 = vector.broadcast %mul3A_54 : i32 to vector<8x2048xi32>
    %mul3A_56 = arith.muli %convert_element_type3A_53, %mul3A_55 : vector<8x2048xi32>
    %add3A_57 = arith.addi %add3A_49, %mul3A_56 : vector<8x2048xi32>
    %gt3A_58 = arith.constant 0.000000e+00 : f32
    %gt3A_59 = vector.broadcast %gt3A_58 : f32 to vector<8x2048xf32>
    %gt3A_60 = arith.cmpf ogt, %slice3A_22, %gt3A_59 : vector<8x2048xf32>
    %convert_element_type3A_61 = arith.extui %gt3A_60 : vector<8x2048xi1> to vector<8x2048xi32>
    %mul3A_62 = arith.constant 16 : i32
    %mul3A_63 = vector.broadcast %mul3A_62 : i32 to vector<8x2048xi32>
    %mul3A_64 = arith.muli %convert_element_type3A_61, %mul3A_63 : vector<8x2048xi32>
    %add3A_65 = arith.addi %add3A_57, %mul3A_64 : vector<8x2048xi32>
    %gt3A_66 = arith.constant 0.000000e+00 : f32
    %gt3A_67 = vector.broadcast %gt3A_66 : f32 to vector<8x2048xf32>
    %gt3A_68 = arith.cmpf ogt, %slice3A_23, %gt3A_67 : vector<8x2048xf32>
    %convert_element_type3A_69 = arith.extui %gt3A_68 : vector<8x2048xi1> to vector<8x2048xi32>
    %mul3A_70 = arith.constant 32 : i32
    %mul3A_71 = vector.broadcast %mul3A_70 : i32 to vector<8x2048xi32>
    %mul3A_72 = arith.muli %convert_element_type3A_69, %mul3A_71 : vector<8x2048xi32>
    %add3A_73 = arith.addi %add3A_65, %mul3A_72 : vector<8x2048xi32>
    %broadcast_in_dim3A_74 = arith.constant 0 : i32
    %broadcast_in_dim3A_75 = vector.broadcast %broadcast_in_dim3A_74 : i32 to vector<8x2048xi32>
    %lt3A = arith.cmpf olt, %abs3A_24, %abs3A : vector<8x2048xf32>
    %convert_element_type3A_76 = arith.extui %lt3A : vector<8x2048xi1> to vector<8x2048xi32>
    %add3A_77 = arith.addi %broadcast_in_dim3A_75, %convert_element_type3A_76 : vector<8x2048xi32>
    %lt3A_78 = arith.cmpf olt, %abs3A_25, %abs3A : vector<8x2048xf32>
    %convert_element_type3A_79 = arith.extui %lt3A_78 : vector<8x2048xi1> to vector<8x2048xi32>
    %add3A_80 = arith.addi %add3A_77, %convert_element_type3A_79 : vector<8x2048xi32>
    %lt3A_81 = arith.cmpf olt, %abs3A_26, %abs3A : vector<8x2048xf32>
    %convert_element_type3A_82 = arith.extui %lt3A_81 : vector<8x2048xi1> to vector<8x2048xi32>
    %add3A_83 = arith.addi %add3A_80, %convert_element_type3A_82 : vector<8x2048xi32>
    %lt3A_84 = arith.cmpf olt, %abs3A_27, %abs3A : vector<8x2048xf32>
    %convert_element_type3A_85 = arith.extui %lt3A_84 : vector<8x2048xi1> to vector<8x2048xi32>
    %add3A_86 = arith.addi %add3A_83, %convert_element_type3A_85 : vector<8x2048xi32>
    %lt3A_87 = arith.cmpf olt, %abs3A_28, %abs3A : vector<8x2048xf32>
    %convert_element_type3A_88 = arith.extui %lt3A_87 : vector<8x2048xi1> to vector<8x2048xi32>
    %add3A_89 = arith.addi %add3A_86, %convert_element_type3A_88 : vector<8x2048xi32>
    %broadcast_in_dim3A_90 = arith.constant 0 : i32
    %broadcast_in_dim3A_91 = vector.broadcast %broadcast_in_dim3A_90 : i32 to vector<8x2048xi32>
    %lt3A_92 = arith.cmpf olt, %abs3A, %abs3A_24 : vector<8x2048xf32>
    %eq3A = arith.cmpf oeq, %abs3A, %abs3A_24 : vector<8x2048xf32>
    %or3A = arith.ori %lt3A_92, %eq3A : vector<8x2048xi1>
    %convert_element_type3A_93 = arith.extui %or3A : vector<8x2048xi1> to vector<8x2048xi32>
    %add3A_94 = arith.addi %broadcast_in_dim3A_91, %convert_element_type3A_93 : vector<8x2048xi32>
    %lt3A_95 = arith.cmpf olt, %abs3A_25, %abs3A_24 : vector<8x2048xf32>
    %convert_element_type3A_96 = arith.extui %lt3A_95 : vector<8x2048xi1> to vector<8x2048xi32>
    %add3A_97 = arith.addi %add3A_94, %convert_element_type3A_96 : vector<8x2048xi32>
    %lt3A_98 = arith.cmpf olt, %abs3A_26, %abs3A_24 : vector<8x2048xf32>
    %convert_element_type3A_99 = arith.extui %lt3A_98 : vector<8x2048xi1> to vector<8x2048xi32>
    %add3A_100 = arith.addi %add3A_97, %convert_element_type3A_99 : vector<8x2048xi32>
    %lt3A_101 = arith.cmpf olt, %abs3A_27, %abs3A_24 : vector<8x2048xf32>
    %convert_element_type3A_102 = arith.extui %lt3A_101 : vector<8x2048xi1> to vector<8x2048xi32>
    %add3A_103 = arith.addi %add3A_100, %convert_element_type3A_102 : vector<8x2048xi32>
    %lt3A_104 = arith.cmpf olt, %abs3A_28, %abs3A_24 : vector<8x2048xf32>
    %convert_element_type3A_105 = arith.extui %lt3A_104 : vector<8x2048xi1> to vector<8x2048xi32>
    %add3A_106 = arith.addi %add3A_103, %convert_element_type3A_105 : vector<8x2048xi32>
    %broadcast_in_dim3A_107 = arith.constant 0 : i32
    %broadcast_in_dim3A_108 = vector.broadcast %broadcast_in_dim3A_107 : i32 to vector<8x2048xi32>
    %lt3A_109 = arith.cmpf olt, %abs3A, %abs3A_25 : vector<8x2048xf32>
    %eq3A_110 = arith.cmpf oeq, %abs3A, %abs3A_25 : vector<8x2048xf32>
    %or3A_111 = arith.ori %lt3A_109, %eq3A_110 : vector<8x2048xi1>
    %convert_element_type3A_112 = arith.extui %or3A_111 : vector<8x2048xi1> to vector<8x2048xi32>
    %add3A_113 = arith.addi %broadcast_in_dim3A_108, %convert_element_type3A_112 : vector<8x2048xi32>
    %lt3A_114 = arith.cmpf olt, %abs3A_24, %abs3A_25 : vector<8x2048xf32>
    %eq3A_115 = arith.cmpf oeq, %abs3A_24, %abs3A_25 : vector<8x2048xf32>
    %or3A_116 = arith.ori %lt3A_114, %eq3A_115 : vector<8x2048xi1>
    %convert_element_type3A_117 = arith.extui %or3A_116 : vector<8x2048xi1> to vector<8x2048xi32>
    %add3A_118 = arith.addi %add3A_113, %convert_element_type3A_117 : vector<8x2048xi32>
    %lt3A_119 = arith.cmpf olt, %abs3A_26, %abs3A_25 : vector<8x2048xf32>
    %convert_element_type3A_120 = arith.extui %lt3A_119 : vector<8x2048xi1> to vector<8x2048xi32>
    %add3A_121 = arith.addi %add3A_118, %convert_element_type3A_120 : vector<8x2048xi32>
    %lt3A_122 = arith.cmpf olt, %abs3A_27, %abs3A_25 : vector<8x2048xf32>
    %convert_element_type3A_123 = arith.extui %lt3A_122 : vector<8x2048xi1> to vector<8x2048xi32>
    %add3A_124 = arith.addi %add3A_121, %convert_element_type3A_123 : vector<8x2048xi32>
    %lt3A_125 = arith.cmpf olt, %abs3A_28, %abs3A_25 : vector<8x2048xf32>
    %convert_element_type3A_126 = arith.extui %lt3A_125 : vector<8x2048xi1> to vector<8x2048xi32>
    %add3A_127 = arith.addi %add3A_124, %convert_element_type3A_126 : vector<8x2048xi32>
    %broadcast_in_dim3A_128 = arith.constant 0 : i32
    %broadcast_in_dim3A_129 = vector.broadcast %broadcast_in_dim3A_128 : i32 to vector<8x2048xi32>
    %lt3A_130 = arith.cmpf olt, %abs3A, %abs3A_26 : vector<8x2048xf32>
    %eq3A_131 = arith.cmpf oeq, %abs3A, %abs3A_26 : vector<8x2048xf32>
    %or3A_132 = arith.ori %lt3A_130, %eq3A_131 : vector<8x2048xi1>
    %convert_element_type3A_133 = arith.extui %or3A_132 : vector<8x2048xi1> to vector<8x2048xi32>
    %add3A_134 = arith.addi %broadcast_in_dim3A_129, %convert_element_type3A_133 : vector<8x2048xi32>
    %lt3A_135 = arith.cmpf olt, %abs3A_24, %abs3A_26 : vector<8x2048xf32>
    %eq3A_136 = arith.cmpf oeq, %abs3A_24, %abs3A_26 : vector<8x2048xf32>
    %or3A_137 = arith.ori %lt3A_135, %eq3A_136 : vector<8x2048xi1>
    %convert_element_type3A_138 = arith.extui %or3A_137 : vector<8x2048xi1> to vector<8x2048xi32>
    %add3A_139 = arith.addi %add3A_134, %convert_element_type3A_138 : vector<8x2048xi32>
    %lt3A_140 = arith.cmpf olt, %abs3A_25, %abs3A_26 : vector<8x2048xf32>
    %eq3A_141 = arith.cmpf oeq, %abs3A_25, %abs3A_26 : vector<8x2048xf32>
    %or3A_142 = arith.ori %lt3A_140, %eq3A_141 : vector<8x2048xi1>
    %convert_element_type3A_143 = arith.extui %or3A_142 : vector<8x2048xi1> to vector<8x2048xi32>
    %add3A_144 = arith.addi %add3A_139, %convert_element_type3A_143 : vector<8x2048xi32>
    %lt3A_145 = arith.cmpf olt, %abs3A_27, %abs3A_26 : vector<8x2048xf32>
    %convert_element_type3A_146 = arith.extui %lt3A_145 : vector<8x2048xi1> to vector<8x2048xi32>
    %add3A_147 = arith.addi %add3A_144, %convert_element_type3A_146 : vector<8x2048xi32>
    %lt3A_148 = arith.cmpf olt, %abs3A_28, %abs3A_26 : vector<8x2048xf32>
    %convert_element_type3A_149 = arith.extui %lt3A_148 : vector<8x2048xi1> to vector<8x2048xi32>
    %add3A_150 = arith.addi %add3A_147, %convert_element_type3A_149 : vector<8x2048xi32>
    %broadcast_in_dim3A_151 = arith.constant 0 : i32
    %broadcast_in_dim3A_152 = vector.broadcast %broadcast_in_dim3A_151 : i32 to vector<8x2048xi32>
    %lt3A_153 = arith.cmpf olt, %abs3A, %abs3A_27 : vector<8x2048xf32>
    %eq3A_154 = arith.cmpf oeq, %abs3A, %abs3A_27 : vector<8x2048xf32>
    %or3A_155 = arith.ori %lt3A_153, %eq3A_154 : vector<8x2048xi1>
    %convert_element_type3A_156 = arith.extui %or3A_155 : vector<8x2048xi1> to vector<8x2048xi32>
    %add3A_157 = arith.addi %broadcast_in_dim3A_152, %convert_element_type3A_156 : vector<8x2048xi32>
    %lt3A_158 = arith.cmpf olt, %abs3A_24, %abs3A_27 : vector<8x2048xf32>
    %eq3A_159 = arith.cmpf oeq, %abs3A_24, %abs3A_27 : vector<8x2048xf32>
    %or3A_160 = arith.ori %lt3A_158, %eq3A_159 : vector<8x2048xi1>
    %convert_element_type3A_161 = arith.extui %or3A_160 : vector<8x2048xi1> to vector<8x2048xi32>
    %add3A_162 = arith.addi %add3A_157, %convert_element_type3A_161 : vector<8x2048xi32>
    %lt3A_163 = arith.cmpf olt, %abs3A_25, %abs3A_27 : vector<8x2048xf32>
    %eq3A_164 = arith.cmpf oeq, %abs3A_25, %abs3A_27 : vector<8x2048xf32>
    %or3A_165 = arith.ori %lt3A_163, %eq3A_164 : vector<8x2048xi1>
    %convert_element_type3A_166 = arith.extui %or3A_165 : vector<8x2048xi1> to vector<8x2048xi32>
    %add3A_167 = arith.addi %add3A_162, %convert_element_type3A_166 : vector<8x2048xi32>
    %lt3A_168 = arith.cmpf olt, %abs3A_26, %abs3A_27 : vector<8x2048xf32>
    %eq3A_169 = arith.cmpf oeq, %abs3A_26, %abs3A_27 : vector<8x2048xf32>
    %or3A_170 = arith.ori %lt3A_168, %eq3A_169 : vector<8x2048xi1>
    %convert_element_type3A_171 = arith.extui %or3A_170 : vector<8x2048xi1> to vector<8x2048xi32>
    %add3A_172 = arith.addi %add3A_167, %convert_element_type3A_171 : vector<8x2048xi32>
    %lt3A_173 = arith.cmpf olt, %abs3A_28, %abs3A_27 : vector<8x2048xf32>
    %convert_element_type3A_174 = arith.extui %lt3A_173 : vector<8x2048xi1> to vector<8x2048xi32>
    %add3A_175 = arith.addi %add3A_172, %convert_element_type3A_174 : vector<8x2048xi32>
    %broadcast_in_dim3A_176 = arith.constant 0 : i32
    %broadcast_in_dim3A_177 = vector.broadcast %broadcast_in_dim3A_176 : i32 to vector<8x2048xi32>
    %lt3A_178 = arith.cmpf olt, %abs3A, %abs3A_28 : vector<8x2048xf32>
    %eq3A_179 = arith.cmpf oeq, %abs3A, %abs3A_28 : vector<8x2048xf32>
    %or3A_180 = arith.ori %lt3A_178, %eq3A_179 : vector<8x2048xi1>
    %convert_element_type3A_181 = arith.extui %or3A_180 : vector<8x2048xi1> to vector<8x2048xi32>
    %add3A_182 = arith.addi %broadcast_in_dim3A_177, %convert_element_type3A_181 : vector<8x2048xi32>
    %lt3A_183 = arith.cmpf olt, %abs3A_24, %abs3A_28 : vector<8x2048xf32>
    %eq3A_184 = arith.cmpf oeq, %abs3A_24, %abs3A_28 : vector<8x2048xf32>
    %or3A_185 = arith.ori %lt3A_183, %eq3A_184 : vector<8x2048xi1>
    %convert_element_type3A_186 = arith.extui %or3A_185 : vector<8x2048xi1> to vector<8x2048xi32>
    %add3A_187 = arith.addi %add3A_182, %convert_element_type3A_186 : vector<8x2048xi32>
    %lt3A_188 = arith.cmpf olt, %abs3A_25, %abs3A_28 : vector<8x2048xf32>
    %eq3A_189 = arith.cmpf oeq, %abs3A_25, %abs3A_28 : vector<8x2048xf32>
    %or3A_190 = arith.ori %lt3A_188, %eq3A_189 : vector<8x2048xi1>
    %convert_element_type3A_191 = arith.extui %or3A_190 : vector<8x2048xi1> to vector<8x2048xi32>
    %add3A_192 = arith.addi %add3A_187, %convert_element_type3A_191 : vector<8x2048xi32>
    %lt3A_193 = arith.cmpf olt, %abs3A_26, %abs3A_28 : vector<8x2048xf32>
    %eq3A_194 = arith.cmpf oeq, %abs3A_26, %abs3A_28 : vector<8x2048xf32>
    %or3A_195 = arith.ori %lt3A_193, %eq3A_194 : vector<8x2048xi1>
    %convert_element_type3A_196 = arith.extui %or3A_195 : vector<8x2048xi1> to vector<8x2048xi32>
    %add3A_197 = arith.addi %add3A_192, %convert_element_type3A_196 : vector<8x2048xi32>
    %lt3A_198 = arith.cmpf olt, %abs3A_27, %abs3A_28 : vector<8x2048xf32>
    %eq3A_199 = arith.cmpf oeq, %abs3A_27, %abs3A_28 : vector<8x2048xf32>
    %or3A_200 = arith.ori %lt3A_198, %eq3A_199 : vector<8x2048xi1>
    %convert_element_type3A_201 = arith.extui %or3A_200 : vector<8x2048xi1> to vector<8x2048xi32>
    %add3A_202 = arith.addi %add3A_197, %convert_element_type3A_201 : vector<8x2048xi32>
    %broadcast_in_dim3A_203 = arith.constant 0 : i32
    %broadcast_in_dim3A_204 = vector.broadcast %broadcast_in_dim3A_203 : i32 to vector<8x2048xi32>
    %eq3A_205 = arith.constant 0 : i32
    %eq3A_206 = vector.broadcast %eq3A_205 : i32 to vector<8x2048xi32>
    %eq3A_207 = arith.cmpi eq, %add3A_89, %eq3A_206 : vector<8x2048xi32>
    %convert_element_type3A_208 = arith.extui %eq3A_207 : vector<8x2048xi1> to vector<8x2048xi32>
    %mul3A_209 = arith.constant 1 : i32
    %mul3A_210 = vector.broadcast %mul3A_209 : i32 to vector<8x2048xi32>
    %mul3A_211 = arith.muli %convert_element_type3A_208, %mul3A_210 : vector<8x2048xi32>
    %add3A_212 = arith.addi %broadcast_in_dim3A_204, %mul3A_211 : vector<8x2048xi32>
    %eq3A_213 = arith.constant 0 : i32
    %eq3A_214 = vector.broadcast %eq3A_213 : i32 to vector<8x2048xi32>
    %eq3A_215 = arith.cmpi eq, %add3A_106, %eq3A_214 : vector<8x2048xi32>
    %convert_element_type3A_216 = arith.extui %eq3A_215 : vector<8x2048xi1> to vector<8x2048xi32>
    %mul3A_217 = arith.constant 2 : i32
    %mul3A_218 = vector.broadcast %mul3A_217 : i32 to vector<8x2048xi32>
    %mul3A_219 = arith.muli %convert_element_type3A_216, %mul3A_218 : vector<8x2048xi32>
    %add3A_220 = arith.addi %add3A_212, %mul3A_219 : vector<8x2048xi32>
    %eq3A_221 = arith.constant 0 : i32
    %eq3A_222 = vector.broadcast %eq3A_221 : i32 to vector<8x2048xi32>
    %eq3A_223 = arith.cmpi eq, %add3A_127, %eq3A_222 : vector<8x2048xi32>
    %convert_element_type3A_224 = arith.extui %eq3A_223 : vector<8x2048xi1> to vector<8x2048xi32>
    %mul3A_225 = arith.constant 4 : i32
    %mul3A_226 = vector.broadcast %mul3A_225 : i32 to vector<8x2048xi32>
    %mul3A_227 = arith.muli %convert_element_type3A_224, %mul3A_226 : vector<8x2048xi32>
    %add3A_228 = arith.addi %add3A_220, %mul3A_227 : vector<8x2048xi32>
    %eq3A_229 = arith.constant 0 : i32
    %eq3A_230 = vector.broadcast %eq3A_229 : i32 to vector<8x2048xi32>
    %eq3A_231 = arith.cmpi eq, %add3A_150, %eq3A_230 : vector<8x2048xi32>
    %convert_element_type3A_232 = arith.extui %eq3A_231 : vector<8x2048xi1> to vector<8x2048xi32>
    %mul3A_233 = arith.constant 8 : i32
    %mul3A_234 = vector.broadcast %mul3A_233 : i32 to vector<8x2048xi32>
    %mul3A_235 = arith.muli %convert_element_type3A_232, %mul3A_234 : vector<8x2048xi32>
    %add3A_236 = arith.addi %add3A_228, %mul3A_235 : vector<8x2048xi32>
    %eq3A_237 = arith.constant 0 : i32
    %eq3A_238 = vector.broadcast %eq3A_237 : i32 to vector<8x2048xi32>
    %eq3A_239 = arith.cmpi eq, %add3A_175, %eq3A_238 : vector<8x2048xi32>
    %convert_element_type3A_240 = arith.extui %eq3A_239 : vector<8x2048xi1> to vector<8x2048xi32>
    %mul3A_241 = arith.constant 16 : i32
    %mul3A_242 = vector.broadcast %mul3A_241 : i32 to vector<8x2048xi32>
    %mul3A_243 = arith.muli %convert_element_type3A_240, %mul3A_242 : vector<8x2048xi32>
    %add3A_244 = arith.addi %add3A_236, %mul3A_243 : vector<8x2048xi32>
    %eq3A_245 = arith.constant 0 : i32
    %eq3A_246 = vector.broadcast %eq3A_245 : i32 to vector<8x2048xi32>
    %eq3A_247 = arith.cmpi eq, %add3A_202, %eq3A_246 : vector<8x2048xi32>
    %convert_element_type3A_248 = arith.extui %eq3A_247 : vector<8x2048xi1> to vector<8x2048xi32>
    %mul3A_249 = arith.constant 32 : i32
    %mul3A_250 = vector.broadcast %mul3A_249 : i32 to vector<8x2048xi32>
    %mul3A_251 = arith.muli %convert_element_type3A_248, %mul3A_250 : vector<8x2048xi32>
    %add3A_252 = arith.addi %add3A_244, %mul3A_251 : vector<8x2048xi32>
    %broadcast_in_dim3A_253 = arith.constant 0 : i32
    %broadcast_in_dim3A_254 = vector.broadcast %broadcast_in_dim3A_253 : i32 to vector<8x2048xi32>
    %eq3A_255 = arith.constant 1 : i32
    %eq3A_256 = vector.broadcast %eq3A_255 : i32 to vector<8x2048xi32>
    %eq3A_257 = arith.cmpi eq, %add3A_89, %eq3A_256 : vector<8x2048xi32>
    %convert_element_type3A_258 = arith.extui %eq3A_257 : vector<8x2048xi1> to vector<8x2048xi32>
    %mul3A_259 = arith.constant 1 : i32
    %mul3A_260 = vector.broadcast %mul3A_259 : i32 to vector<8x2048xi32>
    %mul3A_261 = arith.muli %convert_element_type3A_258, %mul3A_260 : vector<8x2048xi32>
    %add3A_262 = arith.addi %broadcast_in_dim3A_254, %mul3A_261 : vector<8x2048xi32>
    %eq3A_263 = arith.constant 1 : i32
    %eq3A_264 = vector.broadcast %eq3A_263 : i32 to vector<8x2048xi32>
    %eq3A_265 = arith.cmpi eq, %add3A_106, %eq3A_264 : vector<8x2048xi32>
    %convert_element_type3A_266 = arith.extui %eq3A_265 : vector<8x2048xi1> to vector<8x2048xi32>
    %mul3A_267 = arith.constant 2 : i32
    %mul3A_268 = vector.broadcast %mul3A_267 : i32 to vector<8x2048xi32>
    %mul3A_269 = arith.muli %convert_element_type3A_266, %mul3A_268 : vector<8x2048xi32>
    %add3A_270 = arith.addi %add3A_262, %mul3A_269 : vector<8x2048xi32>
    %eq3A_271 = arith.constant 1 : i32
    %eq3A_272 = vector.broadcast %eq3A_271 : i32 to vector<8x2048xi32>
    %eq3A_273 = arith.cmpi eq, %add3A_127, %eq3A_272 : vector<8x2048xi32>
    %convert_element_type3A_274 = arith.extui %eq3A_273 : vector<8x2048xi1> to vector<8x2048xi32>
    %mul3A_275 = arith.constant 4 : i32
    %mul3A_276 = vector.broadcast %mul3A_275 : i32 to vector<8x2048xi32>
    %mul3A_277 = arith.muli %convert_element_type3A_274, %mul3A_276 : vector<8x2048xi32>
    %add3A_278 = arith.addi %add3A_270, %mul3A_277 : vector<8x2048xi32>
    %eq3A_279 = arith.constant 1 : i32
    %eq3A_280 = vector.broadcast %eq3A_279 : i32 to vector<8x2048xi32>
    %eq3A_281 = arith.cmpi eq, %add3A_150, %eq3A_280 : vector<8x2048xi32>
    %convert_element_type3A_282 = arith.extui %eq3A_281 : vector<8x2048xi1> to vector<8x2048xi32>
    %mul3A_283 = arith.constant 8 : i32
    %mul3A_284 = vector.broadcast %mul3A_283 : i32 to vector<8x2048xi32>
    %mul3A_285 = arith.muli %convert_element_type3A_282, %mul3A_284 : vector<8x2048xi32>
    %add3A_286 = arith.addi %add3A_278, %mul3A_285 : vector<8x2048xi32>
    %eq3A_287 = arith.constant 1 : i32
    %eq3A_288 = vector.broadcast %eq3A_287 : i32 to vector<8x2048xi32>
    %eq3A_289 = arith.cmpi eq, %add3A_175, %eq3A_288 : vector<8x2048xi32>
    %convert_element_type3A_290 = arith.extui %eq3A_289 : vector<8x2048xi1> to vector<8x2048xi32>
    %mul3A_291 = arith.constant 16 : i32
    %mul3A_292 = vector.broadcast %mul3A_291 : i32 to vector<8x2048xi32>
    %mul3A_293 = arith.muli %convert_element_type3A_290, %mul3A_292 : vector<8x2048xi32>
    %add3A_294 = arith.addi %add3A_286, %mul3A_293 : vector<8x2048xi32>
    %eq3A_295 = arith.constant 1 : i32
    %eq3A_296 = vector.broadcast %eq3A_295 : i32 to vector<8x2048xi32>
    %eq3A_297 = arith.cmpi eq, %add3A_202, %eq3A_296 : vector<8x2048xi32>
    %convert_element_type3A_298 = arith.extui %eq3A_297 : vector<8x2048xi1> to vector<8x2048xi32>
    %mul3A_299 = arith.constant 32 : i32
    %mul3A_300 = vector.broadcast %mul3A_299 : i32 to vector<8x2048xi32>
    %mul3A_301 = arith.muli %convert_element_type3A_298, %mul3A_300 : vector<8x2048xi32>
    %add3A_302 = arith.addi %add3A_294, %mul3A_301 : vector<8x2048xi32>
    %broadcast_in_dim3A_303 = arith.constant 0 : i32
    %broadcast_in_dim3A_304 = vector.broadcast %broadcast_in_dim3A_303 : i32 to vector<8x2048xi32>
    %eq3A_305 = arith.constant 2 : i32
    %eq3A_306 = vector.broadcast %eq3A_305 : i32 to vector<8x2048xi32>
    %eq3A_307 = arith.cmpi eq, %add3A_89, %eq3A_306 : vector<8x2048xi32>
    %convert_element_type3A_308 = arith.extui %eq3A_307 : vector<8x2048xi1> to vector<8x2048xi32>
    %mul3A_309 = arith.constant 1 : i32
    %mul3A_310 = vector.broadcast %mul3A_309 : i32 to vector<8x2048xi32>
    %mul3A_311 = arith.muli %convert_element_type3A_308, %mul3A_310 : vector<8x2048xi32>
    %add3A_312 = arith.addi %broadcast_in_dim3A_304, %mul3A_311 : vector<8x2048xi32>
    %eq3A_313 = arith.constant 2 : i32
    %eq3A_314 = vector.broadcast %eq3A_313 : i32 to vector<8x2048xi32>
    %eq3A_315 = arith.cmpi eq, %add3A_106, %eq3A_314 : vector<8x2048xi32>
    %convert_element_type3A_316 = arith.extui %eq3A_315 : vector<8x2048xi1> to vector<8x2048xi32>
    %mul3A_317 = arith.constant 2 : i32
    %mul3A_318 = vector.broadcast %mul3A_317 : i32 to vector<8x2048xi32>
    %mul3A_319 = arith.muli %convert_element_type3A_316, %mul3A_318 : vector<8x2048xi32>
    %add3A_320 = arith.addi %add3A_312, %mul3A_319 : vector<8x2048xi32>
    %eq3A_321 = arith.constant 2 : i32
    %eq3A_322 = vector.broadcast %eq3A_321 : i32 to vector<8x2048xi32>
    %eq3A_323 = arith.cmpi eq, %add3A_127, %eq3A_322 : vector<8x2048xi32>
    %convert_element_type3A_324 = arith.extui %eq3A_323 : vector<8x2048xi1> to vector<8x2048xi32>
    %mul3A_325 = arith.constant 4 : i32
    %mul3A_326 = vector.broadcast %mul3A_325 : i32 to vector<8x2048xi32>
    %mul3A_327 = arith.muli %convert_element_type3A_324, %mul3A_326 : vector<8x2048xi32>
    %add3A_328 = arith.addi %add3A_320, %mul3A_327 : vector<8x2048xi32>
    %eq3A_329 = arith.constant 2 : i32
    %eq3A_330 = vector.broadcast %eq3A_329 : i32 to vector<8x2048xi32>
    %eq3A_331 = arith.cmpi eq, %add3A_150, %eq3A_330 : vector<8x2048xi32>
    %convert_element_type3A_332 = arith.extui %eq3A_331 : vector<8x2048xi1> to vector<8x2048xi32>
    %mul3A_333 = arith.constant 8 : i32
    %mul3A_334 = vector.broadcast %mul3A_333 : i32 to vector<8x2048xi32>
    %mul3A_335 = arith.muli %convert_element_type3A_332, %mul3A_334 : vector<8x2048xi32>
    %add3A_336 = arith.addi %add3A_328, %mul3A_335 : vector<8x2048xi32>
    %eq3A_337 = arith.constant 2 : i32
    %eq3A_338 = vector.broadcast %eq3A_337 : i32 to vector<8x2048xi32>
    %eq3A_339 = arith.cmpi eq, %add3A_175, %eq3A_338 : vector<8x2048xi32>
    %convert_element_type3A_340 = arith.extui %eq3A_339 : vector<8x2048xi1> to vector<8x2048xi32>
    %mul3A_341 = arith.constant 16 : i32
    %mul3A_342 = vector.broadcast %mul3A_341 : i32 to vector<8x2048xi32>
    %mul3A_343 = arith.muli %convert_element_type3A_340, %mul3A_342 : vector<8x2048xi32>
    %add3A_344 = arith.addi %add3A_336, %mul3A_343 : vector<8x2048xi32>
    %eq3A_345 = arith.constant 2 : i32
    %eq3A_346 = vector.broadcast %eq3A_345 : i32 to vector<8x2048xi32>
    %eq3A_347 = arith.cmpi eq, %add3A_202, %eq3A_346 : vector<8x2048xi32>
    %convert_element_type3A_348 = arith.extui %eq3A_347 : vector<8x2048xi1> to vector<8x2048xi32>
    %mul3A_349 = arith.constant 32 : i32
    %mul3A_350 = vector.broadcast %mul3A_349 : i32 to vector<8x2048xi32>
    %mul3A_351 = arith.muli %convert_element_type3A_348, %mul3A_350 : vector<8x2048xi32>
    %add3A_352 = arith.addi %add3A_344, %mul3A_351 : vector<8x2048xi32>
    %iota3A = tpu.iota {dimensions = array<i32: 0>} : vector<8x2048xi32>
    %mul3A_353 = arith.constant 64 : i32
    %mul3A_354 = vector.broadcast %mul3A_353 : i32 to vector<8x2048xi32>
    %mul3A_355 = arith.muli %iota3A, %mul3A_354 : vector<8x2048xi32>
    %add3A_356 = arith.addi %add3A_73, %mul3A_355 : vector<8x2048xi32>
    %xor3A = arith.xori %add3A_73, %add3A_252 : vector<8x2048xi32>
    %add3A_357 = arith.addi %xor3A, %mul3A_355 : vector<8x2048xi32>
    %xor3A_358 = arith.xori %add3A_73, %add3A_302 : vector<8x2048xi32>
    %add3A_359 = arith.addi %xor3A_358, %mul3A_355 : vector<8x2048xi32>
    %xor3A_360 = arith.xori %add3A_73, %add3A_352 : vector<8x2048xi32>
    %add3A_361 = arith.addi %xor3A_360, %mul3A_355 : vector<8x2048xi32>
    %concatenate3A = tpu.concatenate %add3A_356, %add3A_357, %add3A_359, %add3A_361 in 0 : vector<8x2048xi32>, vector<8x2048xi32>, vector<8x2048xi32>, vector<8x2048xi32> -> vector<32x2048xi32>
    %swap3A = arith.constant 0 : index
    %swap3A_362 = arith.constant 0 : index
    %swap3A_363 = arith.constant 0 : index
    %swap3A_364 = arith.constant 0 : index
    %swap3A_365 = vector.load %arg5[%swap3A, %swap3A_362, %swap3A_363, %swap3A_364] : memref<1x1x32x2048xi32, #tpu.memory_space<vmem>>, vector<1x1x32x2048xi32>
    %swap3A_366 = vector.shape_cast %swap3A_365 : vector<1x1x32x2048xi32> to vector<32x2048xi32>
    %swap3A_367 = vector.shape_cast %concatenate3A : vector<32x2048xi32> to vector<1x1x32x2048xi32>
    tpu.vector_store %arg5[%swap3A, %swap3A_362, %swap3A_363, %swap3A_364], %swap3A_367 {strides = array<i32>} : memref<1x1x32x2048xi32, #tpu.memory_space<vmem>>, vector<1x1x32x2048xi32>,
    %slice3A_368 = vector.extract_strided_slice %dot_general3A_18 {offsets = [0, 0], sizes = [8, 2048], strides = [1, 1]} : vector<48x2048xf32> to vector<8x2048xf32>
    %slice3A_369 = vector.extract_strided_slice %dot_general3A_18 {offsets = [8, 0], sizes = [8, 2048], strides = [1, 1]} : vector<48x2048xf32> to vector<8x2048xf32>
    %slice3A_370 = vector.extract_strided_slice %dot_general3A_18 {offsets = [16, 0], sizes = [8, 2048], strides = [1, 1]} : vector<48x2048xf32> to vector<8x2048xf32>
    %slice3A_371 = vector.extract_strided_slice %dot_general3A_18 {offsets = [24, 0], sizes = [8, 2048], strides = [1, 1]} : vector<48x2048xf32> to vector<8x2048xf32>
    %slice3A_372 = vector.extract_strided_slice %dot_general3A_18 {offsets = [32, 0], sizes = [8, 2048], strides = [1, 1]} : vector<48x2048xf32> to vector<8x2048xf32>
    %slice3A_373 = vector.extract_strided_slice %dot_general3A_18 {offsets = [40, 0], sizes = [8, 2048], strides = [1, 1]} : vector<48x2048xf32> to vector<8x2048xf32>
    %abs3A_374 = math.absf %slice3A_368 : vector<8x2048xf32>
    %abs3A_375 = math.absf %slice3A_369 : vector<8x2048xf32>
    %abs3A_376 = math.absf %slice3A_370 : vector<8x2048xf32>
    %abs3A_377 = math.absf %slice3A_371 : vector<8x2048xf32>
    %abs3A_378 = math.absf %slice3A_372 : vector<8x2048xf32>
    %abs3A_379 = math.absf %slice3A_373 : vector<8x2048xf32>
    %broadcast_in_dim3A_380 = arith.constant 0 : i32
    %broadcast_in_dim3A_381 = vector.broadcast %broadcast_in_dim3A_380 : i32 to vector<8x2048xi32>
    %gt3A_382 = arith.constant 0.000000e+00 : f32
    %gt3A_383 = vector.broadcast %gt3A_382 : f32 to vector<8x2048xf32>
    %gt3A_384 = arith.cmpf ogt, %slice3A_368, %gt3A_383 : vector<8x2048xf32>
    %convert_element_type3A_385 = arith.extui %gt3A_384 : vector<8x2048xi1> to vector<8x2048xi32>
    %mul3A_386 = arith.constant 1 : i32
    %mul3A_387 = vector.broadcast %mul3A_386 : i32 to vector<8x2048xi32>
    %mul3A_388 = arith.muli %convert_element_type3A_385, %mul3A_387 : vector<8x2048xi32>
    %add3A_389 = arith.addi %broadcast_in_dim3A_381, %mul3A_388 : vector<8x2048xi32>
    %gt3A_390 = arith.constant 0.000000e+00 : f32
    %gt3A_391 = vector.broadcast %gt3A_390 : f32 to vector<8x2048xf32>
    %gt3A_392 = arith.cmpf ogt, %slice3A_369, %gt3A_391 : vector<8x2048xf32>
    %convert_element_type3A_393 = arith.extui %gt3A_392 : vector<8x2048xi1> to vector<8x2048xi32>
    %mul3A_394 = arith.constant 2 : i32
    %mul3A_395 = vector.broadcast %mul3A_394 : i32 to vector<8x2048xi32>
    %mul3A_396 = arith.muli %convert_element_type3A_393, %mul3A_395 : vector<8x2048xi32>
    %add3A_397 = arith.addi %add3A_389, %mul3A_396 : vector<8x2048xi32>
    %gt3A_398 = arith.constant 0.000000e+00 : f32
    %gt3A_399 = vector.broadcast %gt3A_398 : f32 to vector<8x2048xf32>
    %gt3A_400 = arith.cmpf ogt, %slice3A_370, %gt3A_399 : vector<8x2048xf32>
    %convert_element_type3A_401 = arith.extui %gt3A_400 : vector<8x2048xi1> to vector<8x2048xi32>
    %mul3A_402 = arith.constant 4 : i32
    %mul3A_403 = vector.broadcast %mul3A_402 : i32 to vector<8x2048xi32>
    %mul3A_404 = arith.muli %convert_element_type3A_401, %mul3A_403 : vector<8x2048xi32>
    %add3A_405 = arith.addi %add3A_397, %mul3A_404 : vector<8x2048xi32>
    %gt3A_406 = arith.constant 0.000000e+00 : f32
    %gt3A_407 = vector.broadcast %gt3A_406 : f32 to vector<8x2048xf32>
    %gt3A_408 = arith.cmpf ogt, %slice3A_371, %gt3A_407 : vector<8x2048xf32>
    %convert_element_type3A_409 = arith.extui %gt3A_408 : vector<8x2048xi1> to vector<8x2048xi32>
    %mul3A_410 = arith.constant 8 : i32
    %mul3A_411 = vector.broadcast %mul3A_410 : i32 to vector<8x2048xi32>
    %mul3A_412 = arith.muli %convert_element_type3A_409, %mul3A_411 : vector<8x2048xi32>
    %add3A_413 = arith.addi %add3A_405, %mul3A_412 : vector<8x2048xi32>
    %gt3A_414 = arith.constant 0.000000e+00 : f32
    %gt3A_415 = vector.broadcast %gt3A_414 : f32 to vector<8x2048xf32>
    %gt3A_416 = arith.cmpf ogt, %slice3A_372, %gt3A_415 : vector<8x2048xf32>
    %convert_element_type3A_417 = arith.extui %gt3A_416 : vector<8x2048xi1> to vector<8x2048xi32>
    %mul3A_418 = arith.constant 16 : i32
    %mul3A_419 = vector.broadcast %mul3A_418 : i32 to vector<8x2048xi32>
    %mul3A_420 = arith.muli %convert_element_type3A_417, %mul3A_419 : vector<8x2048xi32>
    %add3A_421 = arith.addi %add3A_413, %mul3A_420 : vector<8x2048xi32>
    %gt3A_422 = arith.constant 0.000000e+00 : f32
    %gt3A_423 = vector.broadcast %gt3A_422 : f32 to vector<8x2048xf32>
    %gt3A_424 = arith.cmpf ogt, %slice3A_373, %gt3A_423 : vector<8x2048xf32>
    %convert_element_type3A_425 = arith.extui %gt3A_424 : vector<8x2048xi1> to vector<8x2048xi32>
    %mul3A_426 = arith.constant 32 : i32
    %mul3A_427 = vector.broadcast %mul3A_426 : i32 to vector<8x2048xi32>
    %mul3A_428 = arith.muli %convert_element_type3A_425, %mul3A_427 : vector<8x2048xi32>
    %add3A_429 = arith.addi %add3A_421, %mul3A_428 : vector<8x2048xi32>
    %broadcast_in_dim3A_430 = arith.constant 0 : i32
    %broadcast_in_dim3A_431 = vector.broadcast %broadcast_in_dim3A_430 : i32 to vector<8x2048xi32>
    %lt3A_432 = arith.cmpf olt, %abs3A_375, %abs3A_374 : vector<8x2048xf32>
    %convert_element_type3A_433 = arith.extui %lt3A_432 : vector<8x2048xi1> to vector<8x2048xi32>
    %add3A_434 = arith.addi %broadcast_in_dim3A_431, %convert_element_type3A_433 : vector<8x2048xi32>
    %lt3A_435 = arith.cmpf olt, %abs3A_376, %abs3A_374 : vector<8x2048xf32>
    %convert_element_type3A_436 = arith.extui %lt3A_435 : vector<8x2048xi1> to vector<8x2048xi32>
    %add3A_437 = arith.addi %add3A_434, %convert_element_type3A_436 : vector<8x2048xi32>
    %lt3A_438 = arith.cmpf olt, %abs3A_377, %abs3A_374 : vector<8x2048xf32>
    %convert_element_type3A_439 = arith.extui %lt3A_438 : vector<8x2048xi1> to vector<8x2048xi32>
    %add3A_440 = arith.addi %add3A_437, %convert_element_type3A_439 : vector<8x2048xi32>
    %lt3A_441 = arith.cmpf olt, %abs3A_378, %abs3A_374 : vector<8x2048xf32>
    %convert_element_type3A_442 = arith.extui %lt3A_441 : vector<8x2048xi1> to vector<8x2048xi32>
    %add3A_443 = arith.addi %add3A_440, %convert_element_type3A_442 : vector<8x2048xi32>
    %lt3A_444 = arith.cmpf olt, %abs3A_379, %abs3A_374 : vector<8x2048xf32>
    %convert_element_type3A_445 = arith.extui %lt3A_444 : vector<8x2048xi1> to vector<8x2048xi32>
    %add3A_446 = arith.addi %add3A_443, %convert_element_type3A_445 : vector<8x2048xi32>
    %broadcast_in_dim3A_447 = arith.constant 0 : i32
    %broadcast_in_dim3A_448 = vector.broadcast %broadcast_in_dim3A_447 : i32 to vector<8x2048xi32>
    %lt3A_449 = arith.cmpf olt, %abs3A_374, %abs3A_375 : vector<8x2048xf32>
    %eq3A_450 = arith.cmpf oeq, %abs3A_374, %abs3A_375 : vector<8x2048xf32>
    %or3A_451 = arith.ori %lt3A_449, %eq3A_450 : vector<8x2048xi1>
    %convert_element_type3A_452 = arith.extui %or3A_451 : vector<8x2048xi1> to vector<8x2048xi32>
    %add3A_453 = arith.addi %broadcast_in_dim3A_448, %convert_element_type3A_452 : vector<8x2048xi32>
    %lt3A_454 = arith.cmpf olt, %abs3A_376, %abs3A_375 : vector<8x2048xf32>
    %convert_element_type3A_455 = arith.extui %lt3A_454 : vector<8x2048xi1> to vector<8x2048xi32>
    %add3A_456 = arith.addi %add3A_453, %convert_element_type3A_455 : vector<8x2048xi32>
    %lt3A_457 = arith.cmpf olt, %abs3A_377, %abs3A_375 : vector<8x2048xf32>
    %convert_element_type3A_458 = arith.extui %lt3A_457 : vector<8x2048xi1> to vector<8x2048xi32>
    %add3A_459 = arith.addi %add3A_456, %convert_element_type3A_458 : vector<8x2048xi32>
    %lt3A_460 = arith.cmpf olt, %abs3A_378, %abs3A_375 : vector<8x2048xf32>
    %convert_element_type3A_461 = arith.extui %lt3A_460 : vector<8x2048xi1> to vector<8x2048xi32>
    %add3A_462 = arith.addi %add3A_459, %convert_element_type3A_461 : vector<8x2048xi32>
    %lt3A_463 = arith.cmpf olt, %abs3A_379, %abs3A_375 : vector<8x2048xf32>
    %convert_element_type3A_464 = arith.extui %lt3A_463 : vector<8x2048xi1> to vector<8x2048xi32>
    %add3A_465 = arith.addi %add3A_462, %convert_element_type3A_464 : vector<8x2048xi32>
    %broadcast_in_dim3A_466 = arith.constant 0 : i32
    %broadcast_in_dim3A_467 = vector.broadcast %broadcast_in_dim3A_466 : i32 to vector<8x2048xi32>
    %lt3A_468 = arith.cmpf olt, %abs3A_374, %abs3A_376 : vector<8x2048xf32>
    %eq3A_469 = arith.cmpf oeq, %abs3A_374, %abs3A_376 : vector<8x2048xf32>
    %or3A_470 = arith.ori %lt3A_468, %eq3A_469 : vector<8x2048xi1>
    %convert_element_type3A_471 = arith.extui %or3A_470 : vector<8x2048xi1> to vector<8x2048xi32>
    %add3A_472 = arith.addi %broadcast_in_dim3A_467, %convert_element_type3A_471 : vector<8x2048xi32>
    %lt3A_473 = arith.cmpf olt, %abs3A_375, %abs3A_376 : vector<8x2048xf32>
    %eq3A_474 = arith.cmpf oeq, %abs3A_375, %abs3A_376 : vector<8x2048xf32>
    %or3A_475 = arith.ori %lt3A_473, %eq3A_474 : vector<8x2048xi1>
    %convert_element_type3A_476 = arith.extui %or3A_475 : vector<8x2048xi1> to vector<8x2048xi32>
    %add3A_477 = arith.addi %add3A_472, %convert_element_type3A_476 : vector<8x2048xi32>
    %lt3A_478 = arith.cmpf olt, %abs3A_377, %abs3A_376 : vector<8x2048xf32>
    %convert_element_type3A_479 = arith.extui %lt3A_478 : vector<8x2048xi1> to vector<8x2048xi32>
    %add3A_480 = arith.addi %add3A_477, %convert_element_type3A_479 : vector<8x2048xi32>
    %lt3A_481 = arith.cmpf olt, %abs3A_378, %abs3A_376 : vector<8x2048xf32>
    %convert_element_type3A_482 = arith.extui %lt3A_481 : vector<8x2048xi1> to vector<8x2048xi32>
    %add3A_483 = arith.addi %add3A_480, %convert_element_type3A_482 : vector<8x2048xi32>
    %lt3A_484 = arith.cmpf olt, %abs3A_379, %abs3A_376 : vector<8x2048xf32>
    %convert_element_type3A_485 = arith.extui %lt3A_484 : vector<8x2048xi1> to vector<8x2048xi32>
    %add3A_486 = arith.addi %add3A_483, %convert_element_type3A_485 : vector<8x2048xi32>
    %broadcast_in_dim3A_487 = arith.constant 0 : i32
    %broadcast_in_dim3A_488 = vector.broadcast %broadcast_in_dim3A_487 : i32 to vector<8x2048xi32>
    %lt3A_489 = arith.cmpf olt, %abs3A_374, %abs3A_377 : vector<8x2048xf32>
    %eq3A_490 = arith.cmpf oeq, %abs3A_374, %abs3A_377 : vector<8x2048xf32>
    %or3A_491 = arith.ori %lt3A_489, %eq3A_490 : vector<8x2048xi1>
    %convert_element_type3A_492 = arith.extui %or3A_491 : vector<8x2048xi1> to vector<8x2048xi32>
    %add3A_493 = arith.addi %broadcast_in_dim3A_488, %convert_element_type3A_492 : vector<8x2048xi32>
    %lt3A_494 = arith.cmpf olt, %abs3A_375, %abs3A_377 : vector<8x2048xf32>
    %eq3A_495 = arith.cmpf oeq, %abs3A_375, %abs3A_377 : vector<8x2048xf32>
    %or3A_496 = arith.ori %lt3A_494, %eq3A_495 : vector<8x2048xi1>
    %convert_element_type3A_497 = arith.extui %or3A_496 : vector<8x2048xi1> to vector<8x2048xi32>
    %add3A_498 = arith.addi %add3A_493, %convert_element_type3A_497 : vector<8x2048xi32>
    %lt3A_499 = arith.cmpf olt, %abs3A_376, %abs3A_377 : vector<8x2048xf32>
    %eq3A_500 = arith.cmpf oeq, %abs3A_376, %abs3A_377 : vector<8x2048xf32>
    %or3A_501 = arith.ori %lt3A_499, %eq3A_500 : vector<8x2048xi1>
    %convert_element_type3A_502 = arith.extui %or3A_501 : vector<8x2048xi1> to vector<8x2048xi32>
    %add3A_503 = arith.addi %add3A_498, %convert_element_type3A_502 : vector<8x2048xi32>
    %lt3A_504 = arith.cmpf olt, %abs3A_378, %abs3A_377 : vector<8x2048xf32>
    %convert_element_type3A_505 = arith.extui %lt3A_504 : vector<8x2048xi1> to vector<8x2048xi32>
    %add3A_506 = arith.addi %add3A_503, %convert_element_type3A_505 : vector<8x2048xi32>
    %lt3A_507 = arith.cmpf olt, %abs3A_379, %abs3A_377 : vector<8x2048xf32>
    %convert_element_type3A_508 = arith.extui %lt3A_507 : vector<8x2048xi1> to vector<8x2048xi32>
    %add3A_509 = arith.addi %add3A_506, %convert_element_type3A_508 : vector<8x2048xi32>
    %broadcast_in_dim3A_510 = arith.constant 0 : i32
    %broadcast_in_dim3A_511 = vector.broadcast %broadcast_in_dim3A_510 : i32 to vector<8x2048xi32>
    %lt3A_512 = arith.cmpf olt, %abs3A_374, %abs3A_378 : vector<8x2048xf32>
    %eq3A_513 = arith.cmpf oeq, %abs3A_374, %abs3A_378 : vector<8x2048xf32>
    %or3A_514 = arith.ori %lt3A_512, %eq3A_513 : vector<8x2048xi1>
    %convert_element_type3A_515 = arith.extui %or3A_514 : vector<8x2048xi1> to vector<8x2048xi32>
    %add3A_516 = arith.addi %broadcast_in_dim3A_511, %convert_element_type3A_515 : vector<8x2048xi32>
    %lt3A_517 = arith.cmpf olt, %abs3A_375, %abs3A_378 : vector<8x2048xf32>
    %eq3A_518 = arith.cmpf oeq, %abs3A_375, %abs3A_378 : vector<8x2048xf32>
    %or3A_519 = arith.ori %lt3A_517, %eq3A_518 : vector<8x2048xi1>
    %convert_element_type3A_520 = arith.extui %or3A_519 : vector<8x2048xi1> to vector<8x2048xi32>
    %add3A_521 = arith.addi %add3A_516, %convert_element_type3A_520 : vector<8x2048xi32>
    %lt3A_522 = arith.cmpf olt, %abs3A_376, %abs3A_378 : vector<8x2048xf32>
    %eq3A_523 = arith.cmpf oeq, %abs3A_376, %abs3A_378 : vector<8x2048xf32>
    %or3A_524 = arith.ori %lt3A_522, %eq3A_523 : vector<8x2048xi1>
    %convert_element_type3A_525 = arith.extui %or3A_524 : vector<8x2048xi1> to vector<8x2048xi32>
    %add3A_526 = arith.addi %add3A_521, %convert_element_type3A_525 : vector<8x2048xi32>
    %lt3A_527 = arith.cmpf olt, %abs3A_377, %abs3A_378 : vector<8x2048xf32>
    %eq3A_528 = arith.cmpf oeq, %abs3A_377, %abs3A_378 : vector<8x2048xf32>
    %or3A_529 = arith.ori %lt3A_527, %eq3A_528 : vector<8x2048xi1>
    %convert_element_type3A_530 = arith.extui %or3A_529 : vector<8x2048xi1> to vector<8x2048xi32>
    %add3A_531 = arith.addi %add3A_526, %convert_element_type3A_530 : vector<8x2048xi32>
    %lt3A_532 = arith.cmpf olt, %abs3A_379, %abs3A_378 : vector<8x2048xf32>
    %convert_element_type3A_533 = arith.extui %lt3A_532 : vector<8x2048xi1> to vector<8x2048xi32>
    %add3A_534 = arith.addi %add3A_531, %convert_element_type3A_533 : vector<8x2048xi32>
    %broadcast_in_dim3A_535 = arith.constant 0 : i32
    %broadcast_in_dim3A_536 = vector.broadcast %broadcast_in_dim3A_535 : i32 to vector<8x2048xi32>
    %lt3A_537 = arith.cmpf olt, %abs3A_374, %abs3A_379 : vector<8x2048xf32>
    %eq3A_538 = arith.cmpf oeq, %abs3A_374, %abs3A_379 : vector<8x2048xf32>
    %or3A_539 = arith.ori %lt3A_537, %eq3A_538 : vector<8x2048xi1>
    %convert_element_type3A_540 = arith.extui %or3A_539 : vector<8x2048xi1> to vector<8x2048xi32>
    %add3A_541 = arith.addi %broadcast_in_dim3A_536, %convert_element_type3A_540 : vector<8x2048xi32>
    %lt3A_542 = arith.cmpf olt, %abs3A_375, %abs3A_379 : vector<8x2048xf32>
    %eq3A_543 = arith.cmpf oeq, %abs3A_375, %abs3A_379 : vector<8x2048xf32>
    %or3A_544 = arith.ori %lt3A_542, %eq3A_543 : vector<8x2048xi1>
    %convert_element_type3A_545 = arith.extui %or3A_544 : vector<8x2048xi1> to vector<8x2048xi32>
    %add3A_546 = arith.addi %add3A_541, %convert_element_type3A_545 : vector<8x2048xi32>
    %lt3A_547 = arith.cmpf olt, %abs3A_376, %abs3A_379 : vector<8x2048xf32>
    %eq3A_548 = arith.cmpf oeq, %abs3A_376, %abs3A_379 : vector<8x2048xf32>
    %or3A_549 = arith.ori %lt3A_547, %eq3A_548 : vector<8x2048xi1>
    %convert_element_type3A_550 = arith.extui %or3A_549 : vector<8x2048xi1> to vector<8x2048xi32>
    %add3A_551 = arith.addi %add3A_546, %convert_element_type3A_550 : vector<8x2048xi32>
    %lt3A_552 = arith.cmpf olt, %abs3A_377, %abs3A_379 : vector<8x2048xf32>
    %eq3A_553 = arith.cmpf oeq, %abs3A_377, %abs3A_379 : vector<8x2048xf32>
    %or3A_554 = arith.ori %lt3A_552, %eq3A_553 : vector<8x2048xi1>
    %convert_element_type3A_555 = arith.extui %or3A_554 : vector<8x2048xi1> to vector<8x2048xi32>
    %add3A_556 = arith.addi %add3A_551, %convert_element_type3A_555 : vector<8x2048xi32>
    %lt3A_557 = arith.cmpf olt, %abs3A_378, %abs3A_379 : vector<8x2048xf32>
    %eq3A_558 = arith.cmpf oeq, %abs3A_378, %abs3A_379 : vector<8x2048xf32>
    %or3A_559 = arith.ori %lt3A_557, %eq3A_558 : vector<8x2048xi1>
    %convert_element_type3A_560 = arith.extui %or3A_559 : vector<8x2048xi1> to vector<8x2048xi32>
    %add3A_561 = arith.addi %add3A_556, %convert_element_type3A_560 : vector<8x2048xi32>
    %broadcast_in_dim3A_562 = arith.constant 0 : i32
    %broadcast_in_dim3A_563 = vector.broadcast %broadcast_in_dim3A_562 : i32 to vector<8x2048xi32>
    %eq3A_564 = arith.constant 0 : i32
    %eq3A_565 = vector.broadcast %eq3A_564 : i32 to vector<8x2048xi32>
    %eq3A_566 = arith.cmpi eq, %add3A_446, %eq3A_565 : vector<8x2048xi32>
    %convert_element_type3A_567 = arith.extui %eq3A_566 : vector<8x2048xi1> to vector<8x2048xi32>
    %mul3A_568 = arith.constant 1 : i32
    %mul3A_569 = vector.broadcast %mul3A_568 : i32 to vector<8x2048xi32>
    %mul3A_570 = arith.muli %convert_element_type3A_567, %mul3A_569 : vector<8x2048xi32>
    %add3A_571 = arith.addi %broadcast_in_dim3A_563, %mul3A_570 : vector<8x2048xi32>
    %eq3A_572 = arith.constant 0 : i32
    %eq3A_573 = vector.broadcast %eq3A_572 : i32 to vector<8x2048xi32>
    %eq3A_574 = arith.cmpi eq, %add3A_465, %eq3A_573 : vector<8x2048xi32>
    %convert_element_type3A_575 = arith.extui %eq3A_574 : vector<8x2048xi1> to vector<8x2048xi32>
    %mul3A_576 = arith.constant 2 : i32
    %mul3A_577 = vector.broadcast %mul3A_576 : i32 to vector<8x2048xi32>
    %mul3A_578 = arith.muli %convert_element_type3A_575, %mul3A_577 : vector<8x2048xi32>
    %add3A_579 = arith.addi %add3A_571, %mul3A_578 : vector<8x2048xi32>
    %eq3A_580 = arith.constant 0 : i32
    %eq3A_581 = vector.broadcast %eq3A_580 : i32 to vector<8x2048xi32>
    %eq3A_582 = arith.cmpi eq, %add3A_486, %eq3A_581 : vector<8x2048xi32>
    %convert_element_type3A_583 = arith.extui %eq3A_582 : vector<8x2048xi1> to vector<8x2048xi32>
    %mul3A_584 = arith.constant 4 : i32
    %mul3A_585 = vector.broadcast %mul3A_584 : i32 to vector<8x2048xi32>
    %mul3A_586 = arith.muli %convert_element_type3A_583, %mul3A_585 : vector<8x2048xi32>
    %add3A_587 = arith.addi %add3A_579, %mul3A_586 : vector<8x2048xi32>
    %eq3A_588 = arith.constant 0 : i32
    %eq3A_589 = vector.broadcast %eq3A_588 : i32 to vector<8x2048xi32>
    %eq3A_590 = arith.cmpi eq, %add3A_509, %eq3A_589 : vector<8x2048xi32>
    %convert_element_type3A_591 = arith.extui %eq3A_590 : vector<8x2048xi1> to vector<8x2048xi32>
    %mul3A_592 = arith.constant 8 : i32
    %mul3A_593 = vector.broadcast %mul3A_592 : i32 to vector<8x2048xi32>
    %mul3A_594 = arith.muli %convert_element_type3A_591, %mul3A_593 : vector<8x2048xi32>
    %add3A_595 = arith.addi %add3A_587, %mul3A_594 : vector<8x2048xi32>
    %eq3A_596 = arith.constant 0 : i32
    %eq3A_597 = vector.broadcast %eq3A_596 : i32 to vector<8x2048xi32>
    %eq3A_598 = arith.cmpi eq, %add3A_534, %eq3A_597 : vector<8x2048xi32>
    %convert_element_type3A_599 = arith.extui %eq3A_598 : vector<8x2048xi1> to vector<8x2048xi32>
    %mul3A_600 = arith.constant 16 : i32
    %mul3A_601 = vector.broadcast %mul3A_600 : i32 to vector<8x2048xi32>
    %mul3A_602 = arith.muli %convert_element_type3A_599, %mul3A_601 : vector<8x2048xi32>
    %add3A_603 = arith.addi %add3A_595, %mul3A_602 : vector<8x2048xi32>
    %eq3A_604 = arith.constant 0 : i32
    %eq3A_605 = vector.broadcast %eq3A_604 : i32 to vector<8x2048xi32>
    %eq3A_606 = arith.cmpi eq, %add3A_561, %eq3A_605 : vector<8x2048xi32>
    %convert_element_type3A_607 = arith.extui %eq3A_606 : vector<8x2048xi1> to vector<8x2048xi32>
    %mul3A_608 = arith.constant 32 : i32
    %mul3A_609 = vector.broadcast %mul3A_608 : i32 to vector<8x2048xi32>
    %mul3A_610 = arith.muli %convert_element_type3A_607, %mul3A_609 : vector<8x2048xi32>
    %add3A_611 = arith.addi %add3A_603, %mul3A_610 : vector<8x2048xi32>
    %broadcast_in_dim3A_612 = arith.constant 0 : i32
    %broadcast_in_dim3A_613 = vector.broadcast %broadcast_in_dim3A_612 : i32 to vector<8x2048xi32>
    %eq3A_614 = arith.constant 1 : i32
    %eq3A_615 = vector.broadcast %eq3A_614 : i32 to vector<8x2048xi32>
    %eq3A_616 = arith.cmpi eq, %add3A_446, %eq3A_615 : vector<8x2048xi32>
    %convert_element_type3A_617 = arith.extui %eq3A_616 : vector<8x2048xi1> to vector<8x2048xi32>
    %mul3A_618 = arith.constant 1 : i32
    %mul3A_619 = vector.broadcast %mul3A_618 : i32 to vector<8x2048xi32>
    %mul3A_620 = arith.muli %convert_element_type3A_617, %mul3A_619 : vector<8x2048xi32>
    %add3A_621 = arith.addi %broadcast_in_dim3A_613, %mul3A_620 : vector<8x2048xi32>
    %eq3A_622 = arith.constant 1 : i32
    %eq3A_623 = vector.broadcast %eq3A_622 : i32 to vector<8x2048xi32>
    %eq3A_624 = arith.cmpi eq, %add3A_465, %eq3A_623 : vector<8x2048xi32>
    %convert_element_type3A_625 = arith.extui %eq3A_624 : vector<8x2048xi1> to vector<8x2048xi32>
    %mul3A_626 = arith.constant 2 : i32
    %mul3A_627 = vector.broadcast %mul3A_626 : i32 to vector<8x2048xi32>
    %mul3A_628 = arith.muli %convert_element_type3A_625, %mul3A_627 : vector<8x2048xi32>
    %add3A_629 = arith.addi %add3A_621, %mul3A_628 : vector<8x2048xi32>
    %eq3A_630 = arith.constant 1 : i32
    %eq3A_631 = vector.broadcast %eq3A_630 : i32 to vector<8x2048xi32>
    %eq3A_632 = arith.cmpi eq, %add3A_486, %eq3A_631 : vector<8x2048xi32>
    %convert_element_type3A_633 = arith.extui %eq3A_632 : vector<8x2048xi1> to vector<8x2048xi32>
    %mul3A_634 = arith.constant 4 : i32
    %mul3A_635 = vector.broadcast %mul3A_634 : i32 to vector<8x2048xi32>
    %mul3A_636 = arith.muli %convert_element_type3A_633, %mul3A_635 : vector<8x2048xi32>
    %add3A_637 = arith.addi %add3A_629, %mul3A_636 : vector<8x2048xi32>
    %eq3A_638 = arith.constant 1 : i32
    %eq3A_639 = vector.broadcast %eq3A_638 : i32 to vector<8x2048xi32>
    %eq3A_640 = arith.cmpi eq, %add3A_509, %eq3A_639 : vector<8x2048xi32>
    %convert_element_type3A_641 = arith.extui %eq3A_640 : vector<8x2048xi1> to vector<8x2048xi32>
    %mul3A_642 = arith.constant 8 : i32
    %mul3A_643 = vector.broadcast %mul3A_642 : i32 to vector<8x2048xi32>
    %mul3A_644 = arith.muli %convert_element_type3A_641, %mul3A_643 : vector<8x2048xi32>
    %add3A_645 = arith.addi %add3A_637, %mul3A_644 : vector<8x2048xi32>
    %eq3A_646 = arith.constant 1 : i32
    %eq3A_647 = vector.broadcast %eq3A_646 : i32 to vector<8x2048xi32>
    %eq3A_648 = arith.cmpi eq, %add3A_534, %eq3A_647 : vector<8x2048xi32>
    %convert_element_type3A_649 = arith.extui %eq3A_648 : vector<8x2048xi1> to vector<8x2048xi32>
    %mul3A_650 = arith.constant 16 : i32
    %mul3A_651 = vector.broadcast %mul3A_650 : i32 to vector<8x2048xi32>
    %mul3A_652 = arith.muli %convert_element_type3A_649, %mul3A_651 : vector<8x2048xi32>
    %add3A_653 = arith.addi %add3A_645, %mul3A_652 : vector<8x2048xi32>
    %eq3A_654 = arith.constant 1 : i32
    %eq3A_655 = vector.broadcast %eq3A_654 : i32 to vector<8x2048xi32>
    %eq3A_656 = arith.cmpi eq, %add3A_561, %eq3A_655 : vector<8x2048xi32>
    %convert_element_type3A_657 = arith.extui %eq3A_656 : vector<8x2048xi1> to vector<8x2048xi32>
    %mul3A_658 = arith.constant 32 : i32
    %mul3A_659 = vector.broadcast %mul3A_658 : i32 to vector<8x2048xi32>
    %mul3A_660 = arith.muli %convert_element_type3A_657, %mul3A_659 : vector<8x2048xi32>
    %add3A_661 = arith.addi %add3A_653, %mul3A_660 : vector<8x2048xi32>
    %broadcast_in_dim3A_662 = arith.constant 0 : i32
    %broadcast_in_dim3A_663 = vector.broadcast %broadcast_in_dim3A_662 : i32 to vector<8x2048xi32>
    %eq3A_664 = arith.constant 2 : i32
    %eq3A_665 = vector.broadcast %eq3A_664 : i32 to vector<8x2048xi32>
    %eq3A_666 = arith.cmpi eq, %add3A_446, %eq3A_665 : vector<8x2048xi32>
    %convert_element_type3A_667 = arith.extui %eq3A_666 : vector<8x2048xi1> to vector<8x2048xi32>
    %mul3A_668 = arith.constant 1 : i32
    %mul3A_669 = vector.broadcast %mul3A_668 : i32 to vector<8x2048xi32>
    %mul3A_670 = arith.muli %convert_element_type3A_667, %mul3A_669 : vector<8x2048xi32>
    %add3A_671 = arith.addi %broadcast_in_dim3A_663, %mul3A_670 : vector<8x2048xi32>
    %eq3A_672 = arith.constant 2 : i32
    %eq3A_673 = vector.broadcast %eq3A_672 : i32 to vector<8x2048xi32>
    %eq3A_674 = arith.cmpi eq, %add3A_465, %eq3A_673 : vector<8x2048xi32>
    %convert_element_type3A_675 = arith.extui %eq3A_674 : vector<8x2048xi1> to vector<8x2048xi32>
    %mul3A_676 = arith.constant 2 : i32
    %mul3A_677 = vector.broadcast %mul3A_676 : i32 to vector<8x2048xi32>
    %mul3A_678 = arith.muli %convert_element_type3A_675, %mul3A_677 : vector<8x2048xi32>
    %add3A_679 = arith.addi %add3A_671, %mul3A_678 : vector<8x2048xi32>
    %eq3A_680 = arith.constant 2 : i32
    %eq3A_681 = vector.broadcast %eq3A_680 : i32 to vector<8x2048xi32>
    %eq3A_682 = arith.cmpi eq, %add3A_486, %eq3A_681 : vector<8x2048xi32>
    %convert_element_type3A_683 = arith.extui %eq3A_682 : vector<8x2048xi1> to vector<8x2048xi32>
    %mul3A_684 = arith.constant 4 : i32
    %mul3A_685 = vector.broadcast %mul3A_684 : i32 to vector<8x2048xi32>
    %mul3A_686 = arith.muli %convert_element_type3A_683, %mul3A_685 : vector<8x2048xi32>
    %add3A_687 = arith.addi %add3A_679, %mul3A_686 : vector<8x2048xi32>
    %eq3A_688 = arith.constant 2 : i32
    %eq3A_689 = vector.broadcast %eq3A_688 : i32 to vector<8x2048xi32>
    %eq3A_690 = arith.cmpi eq, %add3A_509, %eq3A_689 : vector<8x2048xi32>
    %convert_element_type3A_691 = arith.extui %eq3A_690 : vector<8x2048xi1> to vector<8x2048xi32>
    %mul3A_692 = arith.constant 8 : i32
    %mul3A_693 = vector.broadcast %mul3A_692 : i32 to vector<8x2048xi32>
    %mul3A_694 = arith.muli %convert_element_type3A_691, %mul3A_693 : vector<8x2048xi32>
    %add3A_695 = arith.addi %add3A_687, %mul3A_694 : vector<8x2048xi32>
    %eq3A_696 = arith.constant 2 : i32
    %eq3A_697 = vector.broadcast %eq3A_696 : i32 to vector<8x2048xi32>
    %eq3A_698 = arith.cmpi eq, %add3A_534, %eq3A_697 : vector<8x2048xi32>
    %convert_element_type3A_699 = arith.extui %eq3A_698 : vector<8x2048xi1> to vector<8x2048xi32>
    %mul3A_700 = arith.constant 16 : i32
    %mul3A_701 = vector.broadcast %mul3A_700 : i32 to vector<8x2048xi32>
    %mul3A_702 = arith.muli %convert_element_type3A_699, %mul3A_701 : vector<8x2048xi32>
    %add3A_703 = arith.addi %add3A_695, %mul3A_702 : vector<8x2048xi32>
    %eq3A_704 = arith.constant 2 : i32
    %eq3A_705 = vector.broadcast %eq3A_704 : i32 to vector<8x2048xi32>
    %eq3A_706 = arith.cmpi eq, %add3A_561, %eq3A_705 : vector<8x2048xi32>
    %convert_element_type3A_707 = arith.extui %eq3A_706 : vector<8x2048xi1> to vector<8x2048xi32>
    %mul3A_708 = arith.constant 32 : i32
    %mul3A_709 = vector.broadcast %mul3A_708 : i32 to vector<8x2048xi32>
    %mul3A_710 = arith.muli %convert_element_type3A_707, %mul3A_709 : vector<8x2048xi32>
    %add3A_711 = arith.addi %add3A_703, %mul3A_710 : vector<8x2048xi32>
    %iota3A_712 = tpu.iota {dimensions = array<i32: 0>} : vector<8x2048xi32>
    %mul3A_713 = arith.constant 64 : i32
    %mul3A_714 = vector.broadcast %mul3A_713 : i32 to vector<8x2048xi32>
    %mul3A_715 = arith.muli %iota3A_712, %mul3A_714 : vector<8x2048xi32>
    %add3A_716 = arith.addi %add3A_429, %mul3A_715 : vector<8x2048xi32>
    %xor3A_717 = arith.xori %add3A_429, %add3A_611 : vector<8x2048xi32>
    %add3A_718 = arith.addi %xor3A_717, %mul3A_715 : vector<8x2048xi32>
    %xor3A_719 = arith.xori %add3A_429, %add3A_661 : vector<8x2048xi32>
    %add3A_720 = arith.addi %xor3A_719, %mul3A_715 : vector<8x2048xi32>
    %xor3A_721 = arith.xori %add3A_429, %add3A_711 : vector<8x2048xi32>
    %add3A_722 = arith.addi %xor3A_721, %mul3A_715 : vector<8x2048xi32>
    %concatenate3A_723 = tpu.concatenate %add3A_716, %add3A_718, %add3A_720, %add3A_722 in 0 : vector<8x2048xi32>, vector<8x2048xi32>, vector<8x2048xi32>, vector<8x2048xi32> -> vector<32x2048xi32>
    %swap3A_724 = arith.constant 0 : index
    %swap3A_725 = arith.constant 0 : index
    %swap3A_726 = arith.constant 0 : index
    %swap3A_727 = arith.constant 0 : index
    %swap3A_728 = vector.load %arg6[%swap3A_724, %swap3A_725, %swap3A_726, %swap3A_727] : memref<1x1x32x2048xi32, #tpu.memory_space<vmem>>, vector<1x1x32x2048xi32>
    %swap3A_729 = vector.shape_cast %swap3A_728 : vector<1x1x32x2048xi32> to vector<32x2048xi32>
    %swap3A_730 = vector.shape_cast %concatenate3A_723 : vector<32x2048xi32> to vector<1x1x32x2048xi32>
    tpu.vector_store %arg6[%swap3A_724, %swap3A_725, %swap3A_726, %swap3A_727], %swap3A_730 {strides = array<i32>} : memref<1x1x32x2048xi32, #tpu.memory_space<vmem>>, vector<1x1x32x2048xi32>,
    return
  }
  func.func @transform_0(%arg0: i32, %arg1: i32) -> (i32, i32, i32, i32) {
    %c0_i32 = arith.constant 0 : i32
    %c0_i32_0 = arith.constant 0 : i32
    %c0_i32_1 = arith.constant 0 : i32
    return %arg0, %arg1, %c0_i32, %c0_i32_0 : i32, i32, i32, i32
  }
  func.func @transform_1(%arg0: i32, %arg1: i32) -> (i32, i32, i32, i32) {
    %c0_i32 = arith.constant 0 : i32
    %c0_i32_0 = arith.constant 0 : i32
    %c0_i32_1 = arith.constant 0 : i32
    return %arg0, %arg1, %c0_i32, %c0_i32_0 : i32, i32, i32, i32
  }
  func.func @transform_2(%arg0: i32, %arg1: i32) -> (i32, i32, i32) {
    %c0_i32 = arith.constant 0 : i32
    %c0_i32_0 = arith.constant 0 : i32
    %c0_i32_1 = arith.constant 0 : i32
    return %arg1, %c0_i32, %c0_i32_0 : i32, i32, i32
  }
  func.func @transform_3(%arg0: i32, %arg1: i32) -> (i32, i32, i32, i32) {
    %c0_i32 = arith.constant 0 : i32
    %c0_i32_0 = arith.constant 0 : i32
    %c0_i32_1 = arith.constant 0 : i32
    return %arg0, %arg1, %c0_i32, %c0_i32_0 : i32, i32, i32, i32
  }
  func.func @transform_4(%arg0: i32, %arg1: i32) -> (i32, i32, i32, i32) {
    %c0_i32 = arith.constant 0 : i32
    %c0_i32_0 = arith.constant 0 : i32
    %c0_i32_1 = arith.constant 0 : i32
    return %arg0, %arg1, %c0_i32, %c0_i32_0 : i32, i32, i32, i32
  }
}

</mosaic_0001>

<sc_bundles>
// kernel: kernel.4.cloned.1.call-start
scs
__scs_entry_jumppad:
0x0: {  	(pc) =	sbr.rel $0x88, $3  }
0x1: {  	(tag) =	ssettag $0x0;
	lr =	simm.s32 $0x1  }
0x2: {  	[smem:$0x3F9C] =	sst lr;
	_ =	strace $0xD0000000  }
0x3: {  	_ = 	snop  }
0x4: {  	_ = 	snop  }
0x5: {  	_ = 	snop  }
0x6: {  	_ = 	snop  }
0x7: {  	_ = 	snop  }
__scs_overlays_trampoline_lowered:
0x8: {  	[smem:$0x3FAB] =	sst s0  }
0x9: {  	[smem:$0x3FAC] =	sst s1  }
0xa: {  	[smem:$0x3FAD] =	sst s2  }
0xb: {  	[smem:$0x3FAE] =	sst s3  }
0xc: {  	[smem:$0x3FAF] =	sst s4  }
0xd: {  	[smem:$0x3FB0] =	sst s5  }
0xe: {  	[smem:$0x3FB1] =	sst s6  }
0xf: {  	[smem:$0x3FB2] =	sst s7  }
0x10: {  	[smem:$0x3FB3] =	sst s8  }
0x11: {  	[smem:$0x3FB4] =	sst s9;
	s0 =	simm.s32 @!p0 $0x0  }
0x12: {  	s1 =	sld [smem:$0x3F9A];
	s0 =	simm.s32 @p0 $0x1  }
0x13: {  	[smem:$0x3FB5] =	sst s0;
	s0 =	simm.s32 @!p1 $0x0  }
0x14: {  	s2 =	sld [smem:$0x3F99];
	s0 =	simm.s32 @p1 $0x1  }
0x15: {  	[smem:$0x3FB6] =	sst s0;
	s0 =	simm.s32 @!p2 $0x0  }
0x16: {  	s3 =	sld [smem:$0x3FDB];
	s0 =	simm.s32 @p2 $0x1  }
0x17: {  	s4 =	simm.s32 $0x1BF5;
	[smem:$0x3FB8] =	sst s0  }
0x18: {  	s0 =	sld [smem:$0x3F9B];
	_ =	swait.ge [sflag:s4], $0x0  }
0x19: {  	s7 =	sld [smem:$0x3F9C]  }
0x1a: {  	s8 =	sadd.s32 $0xFFFFE003, lr  }
0x1b: {  	s9 =	sadd.s32 $0xFFFFFEF7, lr;
	s5 =	simm.s32 $0xFFFFFFFF;
	p2 =	slt.u32 s8, $0xFFFFF086  }
0x1c: {  	p1 =	slt.u32 s9, $0xF7A;
	s5 =	simm.s32 @!p2 $0x0  }
0x1d: {  	s5 =	simm.s32 @p1 $0x1;
	p0 =	seq.s32 s7, s2  }
0x1e: {  	s7 =	smul.u32 @!p0 $0xF7A, s2;
	p2 =	seq.s32 @!p0 s5, $0x0  }
0x1f: {  	s9 =	smul.u32 $0xF7A, s1;
	s8 =	simm.s32 @!p0 $0x1BF5;
	p2 =	por !p2, p0  }
0x20: {  	[sflag:s8] =	ssyncset.s32 @!p0 $0xFFFFF086;
	s6 =	sadd.s32 @!p0 s3, s7;
	s7 =	simm.s32 @!p0 $0x108  }
0x21: {  	s3 =	sadd.s32 s3, s9;
	s6 =	sadd.s32 @!p0 $0x88, s6;
	s7 =	simm.s32 @p2 $0x1082  }
0x22: {  	[simem:s7], [sflag:s8] =	dma.local @!p0 [hbm:s6], $0xF7A  }
0x23: {  	s9 =	sor.u32 $0xD0000000, s2;
	s6 =	simm.s32 $0x108;
	_ =	swait.ge @!p0 [sflag:s8], $0x0  }
0x24: {  	s3 =	sadd.s32 $0x88, s3;
	s6 =	simm.s32 @!p1 $0x1082;
	[sflag:s4] =	ssyncset.s32 $0xFFFFF086  }
0x25: {  	[simem:s6], [sflag:s4] =	dma.local [hbm:s3], $0xF7A  }
0x26: {  	[smem:$0x3F9C] =	sst s1;
	(tag) =	ssettag s2;
	_ =	strace s9  }
0x27: {  	s1 =	sld [smem:$0x3FAC]  }
0x28: {  	s2 =	sld [smem:$0x3FAD]  }
0x29: {  	s4 =	sld [smem:$0x3FAF]  }
0x2a: {  	p0 =	seq.s32 s5, $0x0;
	s5 =	sld [smem:$0x3FB0]  }
0x2b: {  	s6 =	sld [smem:$0x3FB1]  }
0x2c: {  	s7 =	sld [smem:$0x3FB2]  }
0x2d: {  	s3 =	simm.s32 $0x108;
	s8 =	sld [smem:$0x3FB3]  }
0x2e: {  	s3 =	simm.s32 @!p0 $0x1082;
	s9 =	sld [smem:$0x3FB4]  }
0x2f: {  	lr =	sadd.s32 s0, s3;
	s0 =	sld [smem:$0x3FAB]  }
0x30: {  	s3 =	sld [smem:$0x3FAE]  }
0x31: {  	[smem:$0x3FB7] =	sst s10  }
0x32: {  	s10 =	sld [smem:$0x3FB5];
	_ =	sdelay $0x3  }
0x33: {  	p0 =	seq.s32 s10, $0x1;
	s10 =	sld [smem:$0x3FB7];
	_ =	sdelay $0x3  }
0x34: {  	[smem:$0x3FB7] =	sst s10  }
0x35: {  	s10 =	sld [smem:$0x3FB6];
	_ =	sdelay $0x3  }
0x36: {  	p1 =	seq.s32 s10, $0x1;
	s10 =	sld [smem:$0x3FB7];
	_ =	sdelay $0x3  }
0x37: {  	[smem:$0x3FB7] =	sst s10  }
0x38: {  	s10 =	sld [smem:$0x3FB8]  }
0x39: {  	_ = 	snop;
	(pc) =	sbr.ind lr, $3  }
0x3a: {  	_ = 	snop  }
0x3b: {  	_ = 	snop  }
0x3c: {  	p2 =	seq.s32 s10, $0x1;
	s10 =	sld [smem:$0x3FB7]  }
0x3d: {  	_ =	shalt  }
0x3e: {  	_ =	shalt  }
0x3f: {  	_ =	shalt  }
0x40: {  	_ =	shalt  }
0x41: {  	_ =	shalt  }
0x42: {  	_ =	shalt  }
0x43: {  	_ =	shalt  }
0x44: {  	_ =	shalt  }
0x45: {  	_ =	shalt  }
0x46: {  	_ =	shalt  }
0x47: {  	_ =	shalt  }
0x48: {  	_ =	shalt  }
0x49: {  	_ =	shalt  }
0x4a: {  	_ =	shalt  }
0x4b: {  	_ =	shalt  }
0x4c: {  	_ =	shalt  }
0x4d: {  	_ =	shalt  }
0x4e: {  	_ =	shalt  }
0x4f: {  	_ =	shalt  }
0x50: {  	_ =	shalt  }
0x51: {  	_ =	shalt  }
0x52: {  	_ =	shalt  }
0x53: {  	_ =	shalt  }
0x54: {  	_ =	shalt  }
0x55: {  	_ =	shalt  }
0x56: {  	_ =	shalt  }
0x57: {  	_ =	shalt  }
0x58: {  	_ =	shalt  }
0x59: {  	_ =	shalt  }
0x5a: {  	_ =	shalt  }
0x5b: {  	_ =	shalt  }
0x5c: {  	_ =	shalt  }
0x5d: {  	_ =	shalt  }
0x5e: {  	_ =	shalt  }
0x5f: {  	_ =	shalt  }
0x60: {  	_ =	shalt  }
0x61: {  	_ =	shalt  }
0x62: {  	_ =	shalt  }
0x63: {  	_ =	shalt  }
0x64: {  	_ =	shalt  }
0x65: {  	_ =	shalt  }
0x66: {  	_ =	shalt  }
0x67: {  	_ =	shalt  }
0x68: {  	_ =	shalt  }
0x69: {  	_ =	shalt  }
0x6a: {  	_ =	shalt  }
0x6b: {  	_ =	shalt  }
0x6c: {  	_ =	shalt  }
0x6d: {  	_ =	shalt  }
0x6e: {  	_ =	shalt  }
0x6f: {  	_ =	shalt  }
0x70: {  	_ =	shalt  }
0x71: {  	_ =	shalt  }
0x72: {  	_ =	shalt  }
0x73: {  	_ =	shalt  }
0x74: {  	_ =	shalt  }
0x75: {  	_ =	shalt  }
0x76: {  	_ =	shalt  }
0x77: {  	_ =	shalt  }
0x78: {  	_ =	shalt  }
0x79: {  	_ =	shalt  }
0x7a: {  	_ =	shalt  }
0x7b: {  	_ =	shalt  }
0x7c: {  	_ =	shalt  }
0x7d: {  	_ =	shalt  }
0x7e: {  	_ =	shalt  }
0x7f: {  	_ =	shalt  }
0x80: {  	_ =	shalt  }
0x81: {  	_ =	shalt  }
0x82: {  	_ =	shalt  }
0x83: {  	_ =	shalt  }
0x84: {  	_ =	shalt  }
0x85: {  	_ =	shalt  }
0x86: {  	_ =	shalt  }
0x87: {  	_ =	shalt  }
.Lfunc_end0:
.L_simem_size_0:
called_computation_lowered:
.L_overlay_start_0:
0x88: {  	s2 =	sld [smem:$0x3FD9]  }
0x89: {  	s3 =	sld [smem:$0x3FFE];
	_ =	sdelay $0x1  }
0x8a: {  	s1 =	srdreg.scid  }
0x8b: {  	s0 =	sand.u32 $0x1, s1  }
0x8c: {  	s17 =	sshll.u32 s0, $0xA;
	s2 =	sadd.s32 s3, s2  }
0x8d: {  	s2 =	sadd.s32 s2, s17  }
0x8e: {  	[smem:$0x3FC3] =	sst s2  }
0x8f: {  	_ = 	snop  }
0x90: {  	s2 =	sld [smem:$0x3FD0];
	(tm) =	ssettm $0x1  }
0x91: {  	s18 =	sld [smem:$0x3FFB];
	_ =	sdelay $0x3  }
0x92: {  	_ =	strace s18  }
0x93: {  	s3 =	sld [smem:$0x3FFC];
	_ =	sdelay $0x3  }
0x94: {  	_ =	strace s3  }
0x95: {  	s3 =	sld [smem:$0x3FFD];
	_ =	sdelay $0x3  }
0x96: {  	_ =	strace s3  }
0x97: {  	_ =	strace $0x8FFFFFFF  }
0x98: {  	s19 =	sld [smem:$0x3FDB];
	_ =	sdelay $0x1  }
0x99: {  	s4 =	simm.s32 $_scs_section_size  }
0x9a: {  	s5 =	simm.s32 $_size__tile_overlayer_lowered;
	s6 =	simm.s32 $_tile_overlayer_lowered  }
0x9b: {  	s22 =	simm.s32 $0x1BFF;
	s21 =	sshll.u32 s6, $0x1;
	s3 =	sadd.s32 s4, s19  }
0x9c: {  	s7 =	simm.s32 $0x0;
	s20 =	sshll.u32 s5, $0x1;
	s5 =	sadd.s32 s21, s3  }
0x9d: {  	[timem:s7], [sflag:s22] =	dma.local [hbm:s5], s20  }
0x9e: {  	_ =	swait.ge [sflag:s22], s20  }
0x9f: {  	s4 =	ssub.s32 $0x0, s20;
	[sflag:s22] =	ssyncset.done $0x0  }
0xa0: {  	[sflag:s22] =	ssyncadd.s32 s4;
	_ =	sdelay $0x1  }
0xa1: {  	s23 =	simm.s32 $0x1B8B  }
0xa2: {  	_ =	swait.ge [sflag:s23], $0x1  }
0xa3: {  	[sflag:s23] =	ssyncset.done $0x0  }
0xa4: {  	s25 =	simm.s32 $0x1B8E;
	s24 =	sld [smem:$0x3FFE];
	[sflag:s23] =	ssyncadd.s32 $0xFFFFFFFF  }
0xa5: {  	s26 =	simm.s32 $execute0_lowered;
	[smem:$0x3FD2] =	sst s25  }
0xa6: {  	s5 =	sshll.u32 s26, $0x1;
	_ =	strace $0x80000046;
	[dreg:$0x1] =	wrdreg $0xFFFFFFFF  }
0xa7: {  	s28 =	simm.s32 $_size_execute0_lowered;
	s3 =	sadd.s32 s3, s5;
	[dreg:$0x0] =	wrdreg $0x0  }
0xa8: {  	s5 =	sshll.u32 s28, $0x1;
	[dreg:$0x2] =	wrdreg s3  }
0xa9: {  	[dreg:$0x3] =	wrdreg s5  }
0xaa: {  	[dreg:$0x4] =	wrdreg $0xC0  }
0xab: {  	_ =	task [dreg:s7], $0x5FFFF  }
0xac: {  	[dreg:$0x1] =	wrdreg $0xFFFFFFFF  }
0xad: {  	[dreg:$0x0] =	wrdreg $0x60  }
0xae: {  	[dreg:$0x2] =	wrdreg s2  }
0xaf: {  	[dreg:$0x3] =	wrdreg s24  }
0xb0: {  	[dreg:$0x4] =	wrdreg $0x9  }
0xb1: {  	_ =	task.clear_ibuf [dreg:s7], $0x5FFFF;
	_ =	strace $0x90000046  }
0xb2: {  	s29 =	simm.s32 $0x9;
	_ =	strace $0x80000048  }
0xb3: {  	_ =	swait.ge [sflag:s29], $0x1  }
0xb4: {  	[sflag:s29] =	ssyncadd.s32 $0xFFFFFFFF  }
0xb5: {  	_ =	strace $0x90000048  }
0xb6: {  	_ =	sfence  }
0xb7: {  	s30 =	sld [smem:$0x0];
	_ =	sdelay $0x2  }
0xb8: {  	s31 =	sshll.u32 s1, $0xD;
	s1 =	sshrl.u32 s1, $0x2  }
0xb9: {  	s3 =	sand.u32 $0x4000, s31;
	s1 =	sadd.s32 s1, s30  }
0xba: {  	s0 =	sor.u32 s3, s0;
	s1 =	sshll.u32 s1, $0x11  }
0xbb: {  	s0 =	sor.u32 s1, s0  }
0xbc: {  	s0 =	sadd.s32 $0x8F2B, s0  }
0xbd: {  	[sflag:s0] =	ssyncadd.remote.s32 $0x1  }
0xbe: {  	_ =	sfence.sel $0xFFFF  }
0xbf: {  	[dreg:$0x0] =	wrdreg $0xFFFFFFFF;
	(pc) =	sbr.abs _section_cstart, $3  }
0xc0: {  	[dreg:$0x1] =	wrdreg $0xFFFFFFFF  }
0xc1: {  	_ =	task.clear_ibuf [dreg:s7], $0x2FFFF;
	_ =	strace $0x9FFFFFFF  }
0xc2: {  	(tm) =	ssettm $0x7FFFFFFF  }
0xc3: {  	_ =	shalt  }
tec
execute0_lowered:
.L_overlay_start_1:
0x0: {  	(tag) =	ssettag $0x1  }
0x1: {  	s3 =	rddreg [dreg:$0x0]  }
0x2: {  	s4 =	rddreg [dreg:$0x1]  }
0x3: {  	s1 =	srdreg.scid;
	s0 =	rddreg [dreg:$0x2];
	s2 =	simm.s32 $0x0  }
0x4: {  	s10 =	simm.s32 $0x8200;
	s11 =	simm.s32 $0x1;
	s12 =	simm.s32 $0x800  }
0x5: {  	s13 =	simm.s32 $0x4000;
	s14 =	simm.s32 $0xC200;
	s15 =	simm.s32 $0x8000  }
0x6: {  	s16 =	simm.s32 $0xE200;
	s5 =	sand.u32 $0x1, s1;
	[smem:$0x7FF] =	sst s2  }
0x7: {  	s1 =	stileid.u32;
	s6 =	sshll.u32 s5, $0x4;
	s5 =	ssub.s32 $0x2, s5  }
0x8: {  	_ =	strace $0x80000047;
	s6 =	sor.u32 s1, s6;
	s31 =	sshrl.u32 s5, $0x1  }
0x9: {  	s7 =	sshll.u32 s6, $0xD;
	s6 =	sshll.u32 s6, $0xE;
	s9 =	ssub.s32 s5, s31  }
0xa: {  	s7 =	sadd.s32 s7, s4;
	s8 =	sadd.s32 s6, s4;
	s3 =	sadd.s32 s3, s6  }
0xb: {  	s4 =	sadd.s32 $0x1000, s7;
	s5 =	sadd.s32 $0x41000, s7;
	s6 =	sadd.s32 $0x81000, s8  }
0xc: {  	v0 =	vimm.f32 $0.0e+00;
	v1 =	vimm.f32 $1.000000000e+00;
	s7 =	smax.u32 s9, $0x1;
	s8 =	simm.s32 $0x80;
	s9 =	simm.s32 $0x400  }
.LBB2_1:
0xd: {  	s17 =	simm.s32 $0x20  }
0xe: {  	[tilespmem:s17+$0xFFFFFFE0] =	vst v0  }
0xf: {  	[tilespmem:s17+$0x10] =	vst v0  }
0x10: {  	s18 =	simm.s32 $0x0;
	[tilespmem:s17+$0x0] =	vst v0  }
.LBB2_2:
0x11: {  	s18 =	sadd.s32 $0x4, s18  }
0x12: {  	[tilespmem:s17+$0xFFFFFFF0] =	vst v0;
	s17 =	sadd.s32 $0x40, s17;
	p0 =	slt.u32 s18, $0x7FC  }
.Ltmp0:
0x13: {  	[tilespmem:s17+$0xFFFFFFE0] =	vst v0;
	(pc) =	sbr.rel @p0 .LBB2_2-.Ltmp0, $3  }
0x14: {  	_ =	sdelay $0x1  }
0x15: {  	[tilespmem:s17+$0x10] =	vst v0  }
0x16: {  	[tilespmem:s17+$0x0] =	vst v0  }
0x17: {  	[tilespmem:s17+$0xFFFFFFF0] =	vst v0  }
0x18: {  	[tilespmem:$0x8000] =	vst v0  }
0x19: {  	[tilespmem:$0x8010] =	vst v0  }
0x1a: {  	[tilespmem:$0x8020] =	vst v0  }
0x1b: {  	[tilespmem:$0x8030] =	vst v0  }
0x1c: {  	[tilespmem:$0x8040] =	vst v0  }
0x1d: {  	[tilespmem:$0x8050] =	vst v0  }
0x1e: {  	[tilespmem:$0x8060] =	vst v0  }
0x1f: {  	[tilespmem:$0x8070] =	vst v0  }
0x20: {  	[tilespmem:$0x8080] =	vst v0  }
0x21: {  	[tilespmem:$0x8090] =	vst v0  }
0x22: {  	[tilespmem:$0x80A0] =	vst v0  }
0x23: {  	[tilespmem:$0x80B0] =	vst v0  }
0x24: {  	[tilespmem:$0x80C0] =	vst v0  }
0x25: {  	[tilespmem:$0x80D0] =	vst v0  }
0x26: {  	[tilespmem:$0x80E0] =	vst v0  }
0x27: {  	[tilespmem:$0x80F0] =	vst v0  }
0x28: {  	[tilespmem:$0x8100] =	vst v0  }
0x29: {  	[tilespmem:$0x8110] =	vst v0  }
0x2a: {  	[tilespmem:$0x8120] =	vst v0  }
0x2b: {  	[tilespmem:$0x8130] =	vst v0  }
0x2c: {  	[tilespmem:$0x8140] =	vst v0  }
0x2d: {  	[tilespmem:$0x8150] =	vst v0  }
0x2e: {  	[tilespmem:$0x8160] =	vst v0  }
0x2f: {  	[tilespmem:$0x8170] =	vst v0  }
0x30: {  	[tilespmem:$0x8180] =	vst v0  }
0x31: {  	[tilespmem:$0x8190] =	vst v0  }
0x32: {  	[tilespmem:$0x81A0] =	vst v0  }
0x33: {  	[tilespmem:$0x81B0] =	vst v0  }
0x34: {  	[tilespmem:$0x81C0] =	vst v0  }
0x35: {  	[tilespmem:$0x81D0] =	vst v0  }
0x36: {  	[tilespmem:$0x81E0] =	vst v0  }
0x37: {  	s17 =	simm.s32 $0x0;
	[tilespmem:$0x81F0] =	vst v0  }
.LBB2_4:
0x38: {  	s18 =	sshll.u32 s17, $0x4  }
0x39: {  	s18 =	sadd.s32 s18, s3  }
0x3a: {  	[tilespmem:s10], [sflag:$0x1] =	stream.strided.gather [hbm4b:s18+s8], $0x4000, s9, s8, $0x38;
	[tilespmem:$0x12200] =	vst v63  }
0x3b: {  	_ =	swait.ge [sflag:s11], $0x4000  }
0x3c: {  	s31 =	sshll.u32 s17, $0x8;
	[sflag:s11] =	ssyncset.done $0x0  }
0x3d: {  	s18 =	sadd.s32 s31, s4;
	[sflag:s11] =	ssyncadd.s32 $0xFFFFC000  }
0x3e: {  	[tilespmem:s14], [sflag:$0x1] =	stream.strided.gather [hbm4b:s18+s12], $0x2000, s13, s12, $0x38;
	[tilespmem:$0x12200] =	vst v63  }
0x3f: {  	_ =	swait.ge [sflag:s11], $0x2000  }
0x40: {  	[sflag:s11] =	ssyncset.done $0x0  }
0x41: {  	s18 =	simm.s32 $0x0;
	[sflag:s11] =	ssyncadd.s32 $0xFFFFE000  }
.LBB2_5:
0x42: {  	s19 =	sshll.u32 s18, $0x7;
	s20 =	sshll.u32 s18, $0x4  }
0x43: {  	s19 =	sand.u32 $0x400, s19;
	s21 =	sand.u32 $0x70, s20  }
0x44: {  	s31 =	sshll.u32 s18, $0xA;
	s20 =	simm.s32 $0x0;
	s19 =	sor.u32 $0xC200, s19;
	v2 =	vmov s21  }
0x45: {  	s21 =	simm.s32 $0x0;
	[dreg:$0x3] =	wrdreg s19;
	s19 =	sand.u32 $0x3FFFFC00, s31  }
.LBB2_6:
0x46: {  	s22 =	rddreg [dreg:$0x3];
	s23 =	sand.u32 $0x1800, s21  }
0x47: {  	s24 =	sand.u32 $0x380, s20;
	s22 =	sadd.s32 s23, s22  }
0x48: {  	s22 =	sadd.s32 s24, s22  }
0x49: {  	v4 =	vld.idx.msk [tilespmem:v2+s22+$0x0 ss:$0x1], $0xffff;
	_ =	sdelay $0x4  }
0x4a: {  	v3 =	vshll.u32 v4, $0x6  }
0x4b: {  	(v2sf) =	vpush v3, $0x0;
	_ =	sdelay $0x9  }
0x4c: {  	[tilespmem:v4+s15+$0x0] =	vst.idx.add.f32.msk $0xffff, v1  }
0x4d: {  	v4 =	vld [tilespmem:s19+$0x8200];
	_ =	sdelay $0x3  }
0x4e: {  	s25 =	spop (v2sf)  }
0x4f: {  	[tilespmem:s25+$0x0] =	vst.add.f32.msk $0xffff, v4  }
0x50: {  	v4 =	vld [tilespmem:s19+$0x8210];
	_ =	sdelay $0x3  }
0x51: {  	s26 =	sor.u32 $0x10, s25  }
0x52: {  	[tilespmem:s26+$0x0] =	vst.add.f32.msk $0xffff, v4  }
0x53: {  	v4 =	vld [tilespmem:s19+$0x8220]  }
0x54: {  	(v2sf) =	vpush v3, $0x1;
	_ =	sdelay $0x2  }
0x55: {  	s28 =	sor.u32 $0x20, s25  }
0x56: {  	[tilespmem:s28+$0x0] =	vst.add.f32.msk $0xffff, v4  }
0x57: {  	v4 =	vld [tilespmem:s19+$0x8230];
	_ =	sdelay $0x3  }
0x58: {  	s22 =	sor.u32 $0x30, s25  }
0x59: {  	[tilespmem:s22+$0x0] =	vst.add.f32.msk $0xffff, v4  }
0x5a: {  	v4 =	vld [tilespmem:s19+$0x8240];
	_ =	sdelay $0x3  }
0x5b: {  	s29 =	spop (v2sf)  }
0x5c: {  	[tilespmem:s29+$0x0] =	vst.add.f32.msk $0xffff, v4  }
0x5d: {  	v4 =	vld [tilespmem:s19+$0x8250];
	_ =	sdelay $0x3  }
0x5e: {  	s30 =	sor.u32 $0x10, s29  }
0x5f: {  	[tilespmem:s30+$0x0] =	vst.add.f32.msk $0xffff, v4  }
0x60: {  	v4 =	vld [tilespmem:s19+$0x8260]  }
0x61: {  	(v2sf) =	vpush v3, $0x2;
	_ =	sdelay $0x2  }
0x62: {  	s31 =	sor.u32 $0x20, s29  }
0x63: {  	[tilespmem:s31+$0x0] =	vst.add.f32.msk $0xffff, v4  }
0x64: {  	v4 =	vld [tilespmem:s19+$0x8270];
	_ =	sdelay $0x3  }
0x65: {  	s22 =	sor.u32 $0x30, s29  }
0x66: {  	[tilespmem:s22+$0x0] =	vst.add.f32.msk $0xffff, v4  }
0x67: {  	v4 =	vld [tilespmem:s19+$0x8280];
	_ =	sdelay $0x3  }
0x68: {  	s24 =	spop (v2sf)  }
0x69: {  	[tilespmem:s24+$0x0] =	vst.add.f32.msk $0xffff, v4  }
0x6a: {  	v4 =	vld [tilespmem:s19+$0x8290];
	_ =	sdelay $0x3  }
0x6b: {  	s25 =	sor.u32 $0x10, s24  }
0x6c: {  	[tilespmem:s25+$0x0] =	vst.add.f32.msk $0xffff, v4  }
0x6d: {  	v4 =	vld [tilespmem:s19+$0x82A0]  }
0x6e: {  	(v2sf) =	vpush v3, $0x3;
	_ =	sdelay $0x2  }
0x6f: {  	s26 =	sor.u32 $0x20, s24  }
0x70: {  	[tilespmem:s26+$0x0] =	vst.add.f32.msk $0xffff, v4  }
0x71: {  	v4 =	vld [tilespmem:s19+$0x82B0];
	_ =	sdelay $0x3  }
0x72: {  	s22 =	sor.u32 $0x30, s24  }
0x73: {  	[tilespmem:s22+$0x0] =	vst.add.f32.msk $0xffff, v4  }
0x74: {  	v4 =	vld [tilespmem:s19+$0x82C0];
	_ =	sdelay $0x3  }
0x75: {  	s28 =	spop (v2sf)  }
0x76: {  	[tilespmem:s28+$0x0] =	vst.add.f32.msk $0xffff, v4  }
0x77: {  	v4 =	vld [tilespmem:s19+$0x82D0];
	_ =	sdelay $0x3  }
0x78: {  	s29 =	sor.u32 $0x10, s28  }
0x79: {  	[tilespmem:s29+$0x0] =	vst.add.f32.msk $0xffff, v4  }
0x7a: {  	v4 =	vld [tilespmem:s19+$0x82E0]  }
0x7b: {  	(v2sf) =	vpush v3, $0x4;
	_ =	sdelay $0x2  }
0x7c: {  	s30 =	sor.u32 $0x20, s28  }
0x7d: {  	[tilespmem:s30+$0x0] =	vst.add.f32.msk $0xffff, v4  }
0x7e: {  	v4 =	vld [tilespmem:s19+$0x82F0];
	_ =	sdelay $0x3  }
0x7f: {  	s22 =	sor.u32 $0x30, s28  }
0x80: {  	[tilespmem:s22+$0x0] =	vst.add.f32.msk $0xffff, v4  }
0x81: {  	v4 =	vld [tilespmem:s19+$0x8300];
	_ =	sdelay $0x3  }
0x82: {  	s31 =	spop (v2sf)  }
0x83: {  	[tilespmem:s31+$0x0] =	vst.add.f32.msk $0xffff, v4  }
0x84: {  	v4 =	vld [tilespmem:s19+$0x8310];
	_ =	sdelay $0x3  }
0x85: {  	s24 =	sor.u32 $0x10, s31  }
0x86: {  	[tilespmem:s24+$0x0] =	vst.add.f32.msk $0xffff, v4  }
0x87: {  	v4 =	vld [tilespmem:s19+$0x8320]  }
0x88: {  	(v2sf) =	vpush v3, $0x5;
	_ =	sdelay $0x2  }
0x89: {  	s25 =	sor.u32 $0x20, s31  }
0x8a: {  	[tilespmem:s25+$0x0] =	vst.add.f32.msk $0xffff, v4  }
0x8b: {  	v4 =	vld [tilespmem:s19+$0x8330];
	_ =	sdelay $0x3  }
0x8c: {  	s22 =	sor.u32 $0x30, s31  }
0x8d: {  	[tilespmem:s22+$0x0] =	vst.add.f32.msk $0xffff, v4  }
0x8e: {  	v4 =	vld [tilespmem:s19+$0x8340];
	_ =	sdelay $0x3  }
0x8f: {  	s26 =	spop (v2sf)  }
0x90: {  	[tilespmem:s26+$0x0] =	vst.add.f32.msk $0xffff, v4  }
0x91: {  	v4 =	vld [tilespmem:s19+$0x8350];
	_ =	sdelay $0x3  }
0x92: {  	s28 =	sor.u32 $0x10, s26  }
0x93: {  	[tilespmem:s28+$0x0] =	vst.add.f32.msk $0xffff, v4  }
0x94: {  	v4 =	vld [tilespmem:s19+$0x8360]  }
0x95: {  	(v2sf) =	vpush v3, $0x6;
	_ =	sdelay $0x2  }
0x96: {  	s29 =	sor.u32 $0x20, s26  }
0x97: {  	[tilespmem:s29+$0x0] =	vst.add.f32.msk $0xffff, v4  }
0x98: {  	v4 =	vld [tilespmem:s19+$0x8370];
	_ =	sdelay $0x3  }
0x99: {  	s22 =	sor.u32 $0x30, s26  }
0x9a: {  	[tilespmem:s22+$0x0] =	vst.add.f32.msk $0xffff, v4  }
0x9b: {  	v4 =	vld [tilespmem:s19+$0x8380];
	_ =	sdelay $0x3  }
0x9c: {  	s30 =	spop (v2sf)  }
0x9d: {  	[tilespmem:s30+$0x0] =	vst.add.f32.msk $0xffff, v4  }
0x9e: {  	v4 =	vld [tilespmem:s19+$0x8390];
	_ =	sdelay $0x3  }
0x9f: {  	s31 =	sor.u32 $0x10, s30  }
0xa0: {  	[tilespmem:s31+$0x0] =	vst.add.f32.msk $0xffff, v4  }
0xa1: {  	v4 =	vld [tilespmem:s19+$0x83A0]  }
0xa2: {  	(v2sf) =	vpush v3, $0x7;
	_ =	sdelay $0x2  }
0xa3: {  	s24 =	sor.u32 $0x20, s30  }
0xa4: {  	[tilespmem:s24+$0x0] =	vst.add.f32.msk $0xffff, v4  }
0xa5: {  	v4 =	vld [tilespmem:s19+$0x83B0];
	_ =	sdelay $0x3  }
0xa6: {  	s22 =	sor.u32 $0x30, s30  }
0xa7: {  	[tilespmem:s22+$0x0] =	vst.add.f32.msk $0xffff, v4  }
0xa8: {  	v4 =	vld [tilespmem:s19+$0x83C0];
	_ =	sdelay $0x3  }
0xa9: {  	s25 =	spop (v2sf)  }
0xaa: {  	[tilespmem:s25+$0x0] =	vst.add.f32.msk $0xffff, v4  }
0xab: {  	v4 =	vld [tilespmem:s19+$0x83D0];
	_ =	sdelay $0x3  }
0xac: {  	s26 =	sor.u32 $0x10, s25  }
0xad: {  	[tilespmem:s26+$0x0] =	vst.add.f32.msk $0xffff, v4  }
0xae: {  	v4 =	vld [tilespmem:s19+$0x83E0]  }
0xaf: {  	(v2sf) =	vpush v3, $0x8;
	_ =	sdelay $0x2  }
0xb0: {  	s28 =	sor.u32 $0x20, s25  }
0xb1: {  	[tilespmem:s28+$0x0] =	vst.add.f32.msk $0xffff, v4  }
0xb2: {  	v4 =	vld [tilespmem:s19+$0x83F0];
	_ =	sdelay $0x3  }
0xb3: {  	s22 =	sor.u32 $0x30, s25  }
0xb4: {  	[tilespmem:s22+$0x0] =	vst.add.f32.msk $0xffff, v4  }
0xb5: {  	v4 =	vld [tilespmem:s19+$0x8400];
	_ =	sdelay $0x3  }
0xb6: {  	s29 =	spop (v2sf)  }
0xb7: {  	[tilespmem:s29+$0x0] =	vst.add.f32.msk $0xffff, v4  }
0xb8: {  	v4 =	vld [tilespmem:s19+$0x8410];
	_ =	sdelay $0x3  }
0xb9: {  	s30 =	sor.u32 $0x10, s29  }
0xba: {  	[tilespmem:s30+$0x0] =	vst.add.f32.msk $0xffff, v4  }
0xbb: {  	v4 =	vld [tilespmem:s19+$0x8420]  }
0xbc: {  	(v2sf) =	vpush v3, $0x9;
	_ =	sdelay $0x2  }
0xbd: {  	s31 =	sor.u32 $0x20, s29  }
0xbe: {  	[tilespmem:s31+$0x0] =	vst.add.f32.msk $0xffff, v4  }
0xbf: {  	v4 =	vld [tilespmem:s19+$0x8430];
	_ =	sdelay $0x3  }
0xc0: {  	s22 =	sor.u32 $0x30, s29  }
0xc1: {  	[tilespmem:s22+$0x0] =	vst.add.f32.msk $0xffff, v4  }
0xc2: {  	v4 =	vld [tilespmem:s19+$0x8440];
	_ =	sdelay $0x3  }
0xc3: {  	s24 =	spop (v2sf)  }
0xc4: {  	[tilespmem:s24+$0x0] =	vst.add.f32.msk $0xffff, v4  }
0xc5: {  	v4 =	vld [tilespmem:s19+$0x8450];
	_ =	sdelay $0x3  }
0xc6: {  	s25 =	sor.u32 $0x10, s24  }
0xc7: {  	[tilespmem:s25+$0x0] =	vst.add.f32.msk $0xffff, v4  }
0xc8: {  	v4 =	vld [tilespmem:s19+$0x8460]  }
0xc9: {  	(v2sf) =	vpush v3, $0xA;
	_ =	sdelay $0x2  }
0xca: {  	s26 =	sor.u32 $0x20, s24  }
0xcb: {  	[tilespmem:s26+$0x0] =	vst.add.f32.msk $0xffff, v4  }
0xcc: {  	v4 =	vld [tilespmem:s19+$0x8470];
	_ =	sdelay $0x3  }
0xcd: {  	s22 =	sor.u32 $0x30, s24  }
0xce: {  	[tilespmem:s22+$0x0] =	vst.add.f32.msk $0xffff, v4  }
0xcf: {  	v4 =	vld [tilespmem:s19+$0x8480];
	_ =	sdelay $0x3  }
0xd0: {  	s28 =	spop (v2sf)  }
0xd1: {  	[tilespmem:s28+$0x0] =	vst.add.f32.msk $0xffff, v4  }
0xd2: {  	v4 =	vld [tilespmem:s19+$0x8490];
	_ =	sdelay $0x3  }
0xd3: {  	s29 =	sor.u32 $0x10, s28  }
0xd4: {  	[tilespmem:s29+$0x0] =	vst.add.f32.msk $0xffff, v4  }
0xd5: {  	v4 =	vld [tilespmem:s19+$0x84A0]  }
0xd6: {  	(v2sf) =	vpush v3, $0xB;
	_ =	sdelay $0x2  }
0xd7: {  	s30 =	sor.u32 $0x20, s28  }
0xd8: {  	[tilespmem:s30+$0x0] =	vst.add.f32.msk $0xffff, v4  }
0xd9: {  	v4 =	vld [tilespmem:s19+$0x84B0];
	_ =	sdelay $0x3  }
0xda: {  	s22 =	sor.u32 $0x30, s28  }
0xdb: {  	[tilespmem:s22+$0x0] =	vst.add.f32.msk $0xffff, v4  }
0xdc: {  	v4 =	vld [tilespmem:s19+$0x84C0];
	_ =	sdelay $0x3  }
0xdd: {  	s31 =	spop (v2sf)  }
0xde: {  	[tilespmem:s31+$0x0] =	vst.add.f32.msk $0xffff, v4  }
0xdf: {  	v4 =	vld [tilespmem:s19+$0x84D0];
	_ =	sdelay $0x3  }
0xe0: {  	s24 =	sor.u32 $0x10, s31  }
0xe1: {  	[tilespmem:s24+$0x0] =	vst.add.f32.msk $0xffff, v4  }
0xe2: {  	v4 =	vld [tilespmem:s19+$0x84E0]  }
0xe3: {  	(v2sf) =	vpush v3, $0xC;
	_ =	sdelay $0x2  }
0xe4: {  	s25 =	sor.u32 $0x20, s31  }
0xe5: {  	[tilespmem:s25+$0x0] =	vst.add.f32.msk $0xffff, v4  }
0xe6: {  	v4 =	vld [tilespmem:s19+$0x84F0];
	_ =	sdelay $0x3  }
0xe7: {  	s22 =	sor.u32 $0x30, s31  }
0xe8: {  	[tilespmem:s22+$0x0] =	vst.add.f32.msk $0xffff, v4  }
0xe9: {  	v4 =	vld [tilespmem:s19+$0x8500];
	_ =	sdelay $0x3  }
0xea: {  	s26 =	spop (v2sf)  }
0xeb: {  	[tilespmem:s26+$0x0] =	vst.add.f32.msk $0xffff, v4  }
0xec: {  	v4 =	vld [tilespmem:s19+$0x8510];
	_ =	sdelay $0x3  }
0xed: {  	s28 =	sor.u32 $0x10, s26  }
0xee: {  	[tilespmem:s28+$0x0] =	vst.add.f32.msk $0xffff, v4  }
0xef: {  	v4 =	vld [tilespmem:s19+$0x8520]  }
0xf0: {  	(v2sf) =	vpush v3, $0xD;
	_ =	sdelay $0x2  }
0xf1: {  	s29 =	sor.u32 $0x20, s26  }
0xf2: {  	[tilespmem:s29+$0x0] =	vst.add.f32.msk $0xffff, v4  }
0xf3: {  	v4 =	vld [tilespmem:s19+$0x8530];
	_ =	sdelay $0x3  }
0xf4: {  	s22 =	sor.u32 $0x30, s26  }
0xf5: {  	[tilespmem:s22+$0x0] =	vst.add.f32.msk $0xffff, v4  }
0xf6: {  	v4 =	vld [tilespmem:s19+$0x8540];
	_ =	sdelay $0x3  }
0xf7: {  	s30 =	spop (v2sf)  }
0xf8: {  	[tilespmem:s30+$0x0] =	vst.add.f32.msk $0xffff, v4  }
0xf9: {  	v4 =	vld [tilespmem:s19+$0x8550];
	_ =	sdelay $0x3  }
0xfa: {  	s31 =	sor.u32 $0x10, s30  }
0xfb: {  	[tilespmem:s31+$0x0] =	vst.add.f32.msk $0xffff, v4  }
0xfc: {  	v4 =	vld [tilespmem:s19+$0x8560]  }
0xfd: {  	(v2sf) =	vpush v3, $0xE;
	_ =	sdelay $0x2  }
0xfe: {  	s24 =	sor.u32 $0x20, s30  }
0xff: {  	[tilespmem:s24+$0x0] =	vst.add.f32.msk $0xffff, v4  }
0x100: {  	v4 =	vld [tilespmem:s19+$0x8570];
	_ =	sdelay $0x3  }
0x101: {  	s22 =	sor.u32 $0x30, s30  }
0x102: {  	[tilespmem:s22+$0x0] =	vst.add.f32.msk $0xffff, v4  }
0x103: {  	v4 =	vld [tilespmem:s19+$0x8580];
	_ =	sdelay $0x3  }
0x104: {  	s25 =	spop (v2sf)  }
0x105: {  	[tilespmem:s25+$0x0] =	vst.add.f32.msk $0xffff, v4  }
0x106: {  	v4 =	vld [tilespmem:s19+$0x8590];
	_ =	sdelay $0x3  }
0x107: {  	s26 =	sor.u32 $0x10, s25  }
0x108: {  	[tilespmem:s26+$0x0] =	vst.add.f32.msk $0xffff, v4  }
0x109: {  	v4 =	vld [tilespmem:s19+$0x85A0]  }
0x10a: {  	(v2sf) =	vpush v3, $0xF;
	_ =	sdelay $0x2  }
0x10b: {  	s28 =	sor.u32 $0x20, s25  }
0x10c: {  	[tilespmem:s28+$0x0] =	vst.add.f32.msk $0xffff, v4  }
0x10d: {  	v3 =	vld [tilespmem:s19+$0x85B0];
	_ =	sdelay $0x3  }
0x10e: {  	s22 =	sor.u32 $0x30, s25  }
0x10f: {  	[tilespmem:s22+$0x0] =	vst.add.f32.msk $0xffff, v3  }
0x110: {  	v3 =	vld [tilespmem:s19+$0x85C0];
	_ =	sdelay $0x3  }
0x111: {  	s29 =	spop (v2sf)  }
0x112: {  	[tilespmem:s29+$0x0] =	vst.add.f32.msk $0xffff, v3  }
0x113: {  	v3 =	vld [tilespmem:s19+$0x85D0];
	_ =	sdelay $0x3  }
0x114: {  	s30 =	sor.u32 $0x10, s29  }
0x115: {  	[tilespmem:s30+$0x0] =	vst.add.f32.msk $0xffff, v3  }
0x116: {  	v3 =	vld [tilespmem:s19+$0x85E0];
	_ =	sdelay $0x3  }
0x117: {  	s31 =	sor.u32 $0x20, s29  }
0x118: {  	[tilespmem:s31+$0x0] =	vst.add.f32.msk $0xffff, v3  }
0x119: {  	p0 =	sne.s32 s21, $0x1F00;
	v3 =	vld [tilespmem:s19+$0x85F0]  }
.Ltmp1:
0x11a: {  	_ = 	snop;
	(pc) =	sbr.rel @p0 .LBB2_6-.Ltmp1, $3  }
0x11b: {  	_ =	sdelay $0x1  }
0x11c: {  	s22 =	sor.u32 $0x30, s29  }
0x11d: {  	s20 =	sadd.s32 $0x80, s20;
	s21 =	sadd.s32 $0x100, s21;
	[tilespmem:s22+$0x0] =	vst.add.f32.msk $0xffff, v3  }
0x11e: {  	s18 =	sadd.s32 $0x1, s18  }
0x11f: {  	p0 =	sne.s32 s18, $0x10  }
.Ltmp2:
0x120: {  	_ = 	snop;
	(pc) =	sbr.rel @p0 .LBB2_5-.Ltmp2, $1  }
0x121: {  	_ =	sdelay $0x3  }
0x122: {  	s17 =	sadd.s32 $0x1, s17  }
0x123: {  	p0 =	sne.s32 s17, $0x8  }
.Ltmp3:
0x124: {  	_ = 	snop;
	(pc) =	sbr.rel @p0 .LBB2_4-.Ltmp3, $1  }
0x125: {  	_ =	sdelay $0x3  }
0x126: {  	s17 =	simm.s32 $0x0  }
.LBB2_10:
0x127: {  	s18 =	sshll.u32 s17, $0x8  }
0x128: {  	s18 =	sadd.s32 s18, s5  }
0x129: {  	[tilespmem:s14], [sflag:$0x1] =	stream.strided.gather [hbm4b:s18+s12], $0x2000, s13, s12, $0x38;
	[tilespmem:$0x12200] =	vst v63  }
0x12a: {  	_ =	swait.ge [sflag:s11], $0x2000  }
0x12b: {  	[sflag:s11] =	ssyncset.done $0x0  }
0x12c: {  	s18 =	simm.s32 $0xE220;
	[sflag:s11] =	ssyncadd.s32 $0xFFFFE000  }
0x12d: {  	[tilespmem:s18+$0xFFFFFFE0] =	vst v0  }
0x12e: {  	[tilespmem:s18+$0x10] =	vst v0  }
0x12f: {  	s19 =	simm.s32 $0x0;
	[tilespmem:s18+$0x0] =	vst v0  }
.LBB2_11:
0x130: {  	s19 =	sadd.s32 $0x4, s19  }
0x131: {  	[tilespmem:s18+$0xFFFFFFF0] =	vst v0;
	s18 =	sadd.s32 $0x40, s18;
	p0 =	slt.u32 s19, $0x3FC  }
.Ltmp4:
0x132: {  	[tilespmem:s18+$0xFFFFFFE0] =	vst v0;
	(pc) =	sbr.rel @p0 .LBB2_11-.Ltmp4, $3  }
0x133: {  	_ =	sdelay $0x1  }
0x134: {  	[tilespmem:s18+$0x10] =	vst v0  }
0x135: {  	[tilespmem:s18+$0x0] =	vst v0  }
0x136: {  	[tilespmem:s18+$0xFFFFFFF0] =	vst v0;
	s18 =	simm.s32 $0x0  }
.LBB2_13:
0x137: {  	s20 =	sshll.u32 s18, $0x4  }
0x138: {  	s19 =	sshll.u32 s18, $0x7;
	s21 =	sand.u32 $0x70, s20  }
0x139: {  	s31 =	sshll.u32 s18, $0xA;
	s22 =	simm.s32 $0x0;
	s19 =	sand.u32 $0x400, s19;
	v3 =	vmov s21  }
0x13a: {  	v2 =	vimm.f32 $0.0e+00;
	s20 =	sor.u32 $0xC200, s19;
	s19 =	sand.u32 $0x3FFFFC00, s31;
	s21 =	simm.s32 $0x0  }
.LBB2_14:
0x13b: {  	s23 =	sand.u32 $0x1800, s22  }
0x13c: {  	s24 =	sand.u32 $0x380, s21;
	s23 =	sadd.s32 s23, s20  }
0x13d: {  	s23 =	sadd.s32 s24, s23  }
0x13e: {  	v4 =	vld.idx.msk [tilespmem:v3+s23+$0x0 ss:$0x1], $0xffff;
	_ =	sdelay $0x4  }
0x13f: {  	v5 =	vshll.u32 v4, $0x6  }
0x140: {  	(v2sf) =	vpush v5, $0x0;
	_ =	sdelay $0xe  }
0x141: {  	s30 =	spop (v2sf)  }
0x142: {  	v6 =	vld [tilespmem:s30+$0x0];
	_ =	sdelay $0x3  }
0x143: {  	v4 =	vld.idx.msk [tilespmem:v4+s15+$0x0], $0xffff  }
0x144: {  	[tilespmem:s19+$0xE200] =	vst.add.f32.msk $0xffff, v6  }
0x145: {  	v6 =	vld [tilespmem:s30+$0x10];
	_ =	sdelay $0x1  }
0x146: {  	(v2sf) =	vpush v5, $0x1;
	_ =	sdelay $0x2  }
0x147: {  	[tilespmem:s19+$0xE210] =	vst.add.f32.msk $0xffff, v6  }
0x148: {  	v6 =	vld [tilespmem:s30+$0x20];
	_ =	sdelay $0x4  }
0x149: {  	[tilespmem:s19+$0xE220] =	vst.add.f32.msk $0xffff, v6  }
0x14a: {  	v6 =	vld [tilespmem:s30+$0x30];
	_ =	sdelay $0x4  }
0x14b: {  	s31 =	spop (v2sf);
	[tilespmem:s19+$0xE230] =	vst.add.f32.msk $0xffff, v6  }
0x14c: {  	v6 =	vld [tilespmem:s31+$0x0];
	_ =	sdelay $0x4  }
0x14d: {  	[tilespmem:s19+$0xE240] =	vst.add.f32.msk $0xffff, v6  }
0x14e: {  	v6 =	vld [tilespmem:s31+$0x10];
	_ =	sdelay $0x1  }
0x14f: {  	(v2sf) =	vpush v5, $0x2;
	_ =	sdelay $0x2  }
0x150: {  	[tilespmem:s19+$0xE250] =	vst.add.f32.msk $0xffff, v6  }
0x151: {  	v6 =	vld [tilespmem:s31+$0x20];
	_ =	sdelay $0x4  }
0x152: {  	[tilespmem:s19+$0xE260] =	vst.add.f32.msk $0xffff, v6  }
0x153: {  	v6 =	vld [tilespmem:s31+$0x30];
	_ =	sdelay $0x4  }
0x154: {  	s24 =	spop (v2sf);
	[tilespmem:s19+$0xE270] =	vst.add.f32.msk $0xffff, v6  }
0x155: {  	v6 =	vld [tilespmem:s24+$0x0];
	_ =	sdelay $0x4  }
0x156: {  	[tilespmem:s19+$0xE280] =	vst.add.f32.msk $0xffff, v6  }
0x157: {  	v6 =	vld [tilespmem:s24+$0x10];
	_ =	sdelay $0x1  }
0x158: {  	(v2sf) =	vpush v5, $0x3;
	_ =	sdelay $0x2  }
0x159: {  	[tilespmem:s19+$0xE290] =	vst.add.f32.msk $0xffff, v6  }
0x15a: {  	v6 =	vld [tilespmem:s24+$0x20];
	_ =	sdelay $0x4  }
0x15b: {  	[tilespmem:s19+$0xE2A0] =	vst.add.f32.msk $0xffff, v6  }
0x15c: {  	v6 =	vld [tilespmem:s24+$0x30];
	_ =	sdelay $0x4  }
0x15d: {  	s25 =	spop (v2sf);
	[tilespmem:s19+$0xE2B0] =	vst.add.f32.msk $0xffff, v6  }
0x15e: {  	v6 =	vld [tilespmem:s25+$0x0];
	_ =	sdelay $0x4  }
0x15f: {  	[tilespmem:s19+$0xE2C0] =	vst.add.f32.msk $0xffff, v6  }
0x160: {  	v6 =	vld [tilespmem:s25+$0x10];
	_ =	sdelay $0x1  }
0x161: {  	(v2sf) =	vpush v5, $0x4;
	_ =	sdelay $0x2  }
0x162: {  	[tilespmem:s19+$0xE2D0] =	vst.add.f32.msk $0xffff, v6  }
0x163: {  	v6 =	vld [tilespmem:s25+$0x20];
	_ =	sdelay $0x4  }
0x164: {  	[tilespmem:s19+$0xE2E0] =	vst.add.f32.msk $0xffff, v6  }
0x165: {  	v6 =	vld [tilespmem:s25+$0x30];
	_ =	sdelay $0x4  }
0x166: {  	s26 =	spop (v2sf);
	[tilespmem:s19+$0xE2F0] =	vst.add.f32.msk $0xffff, v6  }
0x167: {  	v6 =	vld [tilespmem:s26+$0x0];
	_ =	sdelay $0x4  }
0x168: {  	[tilespmem:s19+$0xE300] =	vst.add.f32.msk $0xffff, v6  }
0x169: {  	v6 =	vld [tilespmem:s26+$0x10];
	_ =	sdelay $0x1  }
0x16a: {  	(v2sf) =	vpush v5, $0x5;
	_ =	sdelay $0x2  }
0x16b: {  	[tilespmem:s19+$0xE310] =	vst.add.f32.msk $0xffff, v6  }
0x16c: {  	v6 =	vld [tilespmem:s26+$0x20];
	_ =	sdelay $0x4  }
0x16d: {  	[tilespmem:s19+$0xE320] =	vst.add.f32.msk $0xffff, v6  }
0x16e: {  	v6 =	vld [tilespmem:s26+$0x30];
	_ =	sdelay $0x4  }
0x16f: {  	s28 =	spop (v2sf);
	[tilespmem:s19+$0xE330] =	vst.add.f32.msk $0xffff, v6  }
0x170: {  	v6 =	vld [tilespmem:s28+$0x0];
	_ =	sdelay $0x4  }
0x171: {  	[tilespmem:s19+$0xE340] =	vst.add.f32.msk $0xffff, v6  }
0x172: {  	v6 =	vld [tilespmem:s28+$0x10];
	_ =	sdelay $0x1  }
0x173: {  	(v2sf) =	vpush v5, $0x6;
	_ =	sdelay $0x2  }
0x174: {  	[tilespmem:s19+$0xE350] =	vst.add.f32.msk $0xffff, v6  }
0x175: {  	v6 =	vld [tilespmem:s28+$0x20];
	_ =	sdelay $0x4  }
0x176: {  	[tilespmem:s19+$0xE360] =	vst.add.f32.msk $0xffff, v6  }
0x177: {  	v6 =	vld [tilespmem:s28+$0x30];
	_ =	sdelay $0x4  }
0x178: {  	s29 =	spop (v2sf);
	[tilespmem:s19+$0xE370] =	vst.add.f32.msk $0xffff, v6  }
0x179: {  	v6 =	vld [tilespmem:s29+$0x0];
	_ =	sdelay $0x4  }
0x17a: {  	[tilespmem:s19+$0xE380] =	vst.add.f32.msk $0xffff, v6  }
0x17b: {  	v6 =	vld [tilespmem:s29+$0x10];
	_ =	sdelay $0x1  }
0x17c: {  	(v2sf) =	vpush v5, $0x7;
	_ =	sdelay $0x2  }
0x17d: {  	[tilespmem:s19+$0xE390] =	vst.add.f32.msk $0xffff, v6  }
0x17e: {  	v6 =	vld [tilespmem:s29+$0x20];
	_ =	sdelay $0x4  }
0x17f: {  	[tilespmem:s19+$0xE3A0] =	vst.add.f32.msk $0xffff, v6  }
0x180: {  	v6 =	vld [tilespmem:s29+$0x30];
	_ =	sdelay $0x4  }
0x181: {  	s30 =	spop (v2sf);
	[tilespmem:s19+$0xE3B0] =	vst.add.f32.msk $0xffff, v6  }
0x182: {  	v6 =	vld [tilespmem:s30+$0x0];
	_ =	sdelay $0x4  }
0x183: {  	[tilespmem:s19+$0xE3C0] =	vst.add.f32.msk $0xffff, v6  }
0x184: {  	v6 =	vld [tilespmem:s30+$0x10];
	_ =	sdelay $0x1  }
0x185: {  	(v2sf) =	vpush v5, $0x8;
	_ =	sdelay $0x2  }
0x186: {  	[tilespmem:s19+$0xE3D0] =	vst.add.f32.msk $0xffff, v6  }
0x187: {  	v6 =	vld [tilespmem:s30+$0x20];
	_ =	sdelay $0x4  }
0x188: {  	[tilespmem:s19+$0xE3E0] =	vst.add.f32.msk $0xffff, v6  }
0x189: {  	v6 =	vld [tilespmem:s30+$0x30];
	_ =	sdelay $0x4  }
0x18a: {  	s31 =	spop (v2sf);
	[tilespmem:s19+$0xE3F0] =	vst.add.f32.msk $0xffff, v6  }
0x18b: {  	v6 =	vld [tilespmem:s31+$0x0];
	_ =	sdelay $0x4  }
0x18c: {  	[tilespmem:s19+$0xE400] =	vst.add.f32.msk $0xffff, v6  }
0x18d: {  	v6 =	vld [tilespmem:s31+$0x10];
	_ =	sdelay $0x1  }
0x18e: {  	(v2sf) =	vpush v5, $0x9;
	_ =	sdelay $0x2  }
0x18f: {  	[tilespmem:s19+$0xE410] =	vst.add.f32.msk $0xffff, v6  }
0x190: {  	v6 =	vld [tilespmem:s31+$0x20];
	_ =	sdelay $0x4  }
0x191: {  	[tilespmem:s19+$0xE420] =	vst.add.f32.msk $0xffff, v6  }
0x192: {  	v6 =	vld [tilespmem:s31+$0x30];
	_ =	sdelay $0x4  }
0x193: {  	s24 =	spop (v2sf);
	[tilespmem:s19+$0xE430] =	vst.add.f32.msk $0xffff, v6  }
0x194: {  	v6 =	vld [tilespmem:s24+$0x0];
	_ =	sdelay $0x4  }
0x195: {  	[tilespmem:s19+$0xE440] =	vst.add.f32.msk $0xffff, v6  }
0x196: {  	v6 =	vld [tilespmem:s24+$0x10];
	_ =	sdelay $0x1  }
0x197: {  	(v2sf) =	vpush v5, $0xA;
	_ =	sdelay $0x2  }
0x198: {  	[tilespmem:s19+$0xE450] =	vst.add.f32.msk $0xffff, v6  }
0x199: {  	v6 =	vld [tilespmem:s24+$0x20];
	_ =	sdelay $0x4  }
0x19a: {  	[tilespmem:s19+$0xE460] =	vst.add.f32.msk $0xffff, v6  }
0x19b: {  	v6 =	vld [tilespmem:s24+$0x30];
	_ =	sdelay $0x4  }
0x19c: {  	s25 =	spop (v2sf);
	[tilespmem:s19+$0xE470] =	vst.add.f32.msk $0xffff, v6  }
0x19d: {  	v6 =	vld [tilespmem:s25+$0x0];
	_ =	sdelay $0x4  }
0x19e: {  	[tilespmem:s19+$0xE480] =	vst.add.f32.msk $0xffff, v6  }
0x19f: {  	v6 =	vld [tilespmem:s25+$0x10];
	_ =	sdelay $0x1  }
0x1a0: {  	(v2sf) =	vpush v5, $0xB;
	_ =	sdelay $0x2  }
0x1a1: {  	[tilespmem:s19+$0xE490] =	vst.add.f32.msk $0xffff, v6  }
0x1a2: {  	v6 =	vld [tilespmem:s25+$0x20];
	_ =	sdelay $0x4  }
0x1a3: {  	[tilespmem:s19+$0xE4A0] =	vst.add.f32.msk $0xffff, v6  }
0x1a4: {  	v6 =	vld [tilespmem:s25+$0x30];
	_ =	sdelay $0x4  }
0x1a5: {  	s26 =	spop (v2sf);
	[tilespmem:s19+$0xE4B0] =	vst.add.f32.msk $0xffff, v6  }
0x1a6: {  	v6 =	vld [tilespmem:s26+$0x0];
	_ =	sdelay $0x4  }
0x1a7: {  	[tilespmem:s19+$0xE4C0] =	vst.add.f32.msk $0xffff, v6  }
0x1a8: {  	v6 =	vld [tilespmem:s26+$0x10];
	_ =	sdelay $0x1  }
0x1a9: {  	(v2sf) =	vpush v5, $0xC;
	_ =	sdelay $0x2  }
0x1aa: {  	[tilespmem:s19+$0xE4D0] =	vst.add.f32.msk $0xffff, v6  }
0x1ab: {  	v6 =	vld [tilespmem:s26+$0x20];
	_ =	sdelay $0x4  }
0x1ac: {  	[tilespmem:s19+$0xE4E0] =	vst.add.f32.msk $0xffff, v6  }
0x1ad: {  	v6 =	vld [tilespmem:s26+$0x30];
	_ =	sdelay $0x4  }
0x1ae: {  	s28 =	spop (v2sf);
	[tilespmem:s19+$0xE4F0] =	vst.add.f32.msk $0xffff, v6  }
0x1af: {  	v6 =	vld [tilespmem:s28+$0x0];
	_ =	sdelay $0x4  }
0x1b0: {  	[tilespmem:s19+$0xE500] =	vst.add.f32.msk $0xffff, v6  }
0x1b1: {  	v6 =	vld [tilespmem:s28+$0x10];
	_ =	sdelay $0x1  }
0x1b2: {  	(v2sf) =	vpush v5, $0xD;
	_ =	sdelay $0x2  }
0x1b3: {  	[tilespmem:s19+$0xE510] =	vst.add.f32.msk $0xffff, v6  }
0x1b4: {  	v6 =	vld [tilespmem:s28+$0x20];
	_ =	sdelay $0x4  }
0x1b5: {  	[tilespmem:s19+$0xE520] =	vst.add.f32.msk $0xffff, v6  }
0x1b6: {  	v6 =	vld [tilespmem:s28+$0x30];
	_ =	sdelay $0x4  }
0x1b7: {  	s29 =	spop (v2sf);
	[tilespmem:s19+$0xE530] =	vst.add.f32.msk $0xffff, v6  }
0x1b8: {  	v6 =	vld [tilespmem:s29+$0x0];
	_ =	sdelay $0x4  }
0x1b9: {  	[tilespmem:s19+$0xE540] =	vst.add.f32.msk $0xffff, v6  }
0x1ba: {  	v6 =	vld [tilespmem:s29+$0x10];
	_ =	sdelay $0x1  }
0x1bb: {  	(v2sf) =	vpush v5, $0xE;
	_ =	sdelay $0x2  }
0x1bc: {  	[tilespmem:s19+$0xE550] =	vst.add.f32.msk $0xffff, v6  }
0x1bd: {  	v6 =	vld [tilespmem:s29+$0x20];
	_ =	sdelay $0x4  }
0x1be: {  	[tilespmem:s19+$0xE560] =	vst.add.f32.msk $0xffff, v6  }
0x1bf: {  	v6 =	vld [tilespmem:s29+$0x30];
	_ =	sdelay $0x4  }
0x1c0: {  	s30 =	spop (v2sf);
	[tilespmem:s19+$0xE570] =	vst.add.f32.msk $0xffff, v6  }
0x1c1: {  	v6 =	vld [tilespmem:s30+$0x0];
	_ =	sdelay $0x4  }
0x1c2: {  	[tilespmem:s19+$0xE580] =	vst.add.f32.msk $0xffff, v6  }
0x1c3: {  	v6 =	vld [tilespmem:s30+$0x10];
	_ =	sdelay $0x1  }
0x1c4: {  	(v2sf) =	vpush v5, $0xF;
	_ =	sdelay $0x2  }
0x1c5: {  	[tilespmem:s19+$0xE590] =	vst.add.f32.msk $0xffff, v6  }
0x1c6: {  	v5 =	vld [tilespmem:s30+$0x20];
	_ =	sdelay $0x4  }
0x1c7: {  	[tilespmem:s19+$0xE5A0] =	vst.add.f32.msk $0xffff, v5  }
0x1c8: {  	v5 =	vld [tilespmem:s30+$0x30];
	_ =	sdelay $0x4  }
0x1c9: {  	s31 =	spop (v2sf);
	[tilespmem:s19+$0xE5B0] =	vst.add.f32.msk $0xffff, v5  }
0x1ca: {  	v5 =	vld [tilespmem:s31+$0x0];
	_ =	sdelay $0x4  }
0x1cb: {  	[tilespmem:s19+$0xE5C0] =	vst.add.f32.msk $0xffff, v5  }
0x1cc: {  	v5 =	vld [tilespmem:s31+$0x10];
	_ =	sdelay $0x4  }
0x1cd: {  	[tilespmem:s19+$0xE5D0] =	vst.add.f32.msk $0xffff, v5  }
0x1ce: {  	v5 =	vld [tilespmem:s31+$0x20];
	_ =	sdelay $0x4  }
0x1cf: {  	[tilespmem:s19+$0xE5E0] =	vst.add.f32.msk $0xffff, v5  }
0x1d0: {  	p0 =	sne.s32 s22, $0x1F00;
	v5 =	vld [tilespmem:s31+$0x30]  }
.Ltmp5:
0x1d1: {  	_ = 	snop;
	(pc) =	sbr.rel @p0 .LBB2_14-.Ltmp5, $2  }
0x1d2: {  	_ =	sdelay $0x2  }
0x1d3: {  	s21 =	sadd.s32 $0x80, s21;
	s22 =	sadd.s32 $0x100, s22;
	v2 =	vadd.f32 v4, v2;
	[tilespmem:s19+$0xE5F0] =	vst.add.f32.msk $0xffff, v5  }
0x1d4: {  	_ = 	snop  }
0x1d5: {  	v2 =	vmax.f32 v2, $1.000000000e+00  }
0x1d6: {  	(erf) = vrcp.f32 v2;
	_ =	sdelay $0x6  }
0x1d7: {  	v3 =	vld [tilespmem:s19+$0xE200]  }
0x1d8: {  	v4 =	vld [tilespmem:s19+$0xE210]  }
0x1d9: {  	v5 =	vld [tilespmem:s19+$0xE220];
	v2 =	vpop (erf)  }
0x1da: {  	v7 =	vld [tilespmem:s19+$0xE230];
	v6 =	vbroadcast v2, $0x0  }
0x1db: {  	v8 =	vld [tilespmem:s19+$0xE240]  }
0x1dc: {  	v9 =	vld [tilespmem:s19+$0xE250];
	v3 =	vmul.f32 v3, v6  }
0x1dd: {  	v10 =	vld [tilespmem:s19+$0xE260];
	v4 =	vmul.f32 v4, v6  }
0x1de: {  	v11 =	vld [tilespmem:s19+$0xE270];
	v16 =	vbroadcast v2, $0x1;
	[tilespmem:s19+$0xE200] =	vst v3;
	v3 =	vmul.f32 v5, v6  }
0x1df: {  	v18 =	vld [tilespmem:s19+$0xE280];
	v17 =	vmul.f32 v7, v6;
	[tilespmem:s19+$0xE210] =	vst v4  }
0x1e0: {  	v19 =	vld [tilespmem:s19+$0xE290];
	[tilespmem:s19+$0xE220] =	vst v3;
	v3 =	vmul.f32 v8, v16  }
0x1e1: {  	v21 =	vld [tilespmem:s19+$0xE2A0];
	v20 =	vmul.f32 v9, v16;
	[tilespmem:s19+$0xE230] =	vst v17  }
0x1e2: {  	v23 =	vld [tilespmem:s19+$0xE2B0];
	v22 =	vbroadcast v2, $0x2;
	[tilespmem:s19+$0xE240] =	vst v3;
	v3 =	vmul.f32 v10, v16  }
0x1e3: {  	v25 =	vld [tilespmem:s19+$0xE2C0];
	v24 =	vmul.f32 v11, v16;
	[tilespmem:s19+$0xE250] =	vst v20  }
0x1e4: {  	v26 =	vld [tilespmem:s19+$0xE2D0];
	[tilespmem:s19+$0xE260] =	vst v3;
	v3 =	vmul.f32 v18, v22  }
0x1e5: {  	v28 =	vld [tilespmem:s19+$0xE2E0];
	v27 =	vmul.f32 v19, v22;
	[tilespmem:s19+$0xE270] =	vst v24  }
0x1e6: {  	v30 =	vld [tilespmem:s19+$0xE2F0];
	v29 =	vbroadcast v2, $0x3;
	[tilespmem:s19+$0xE280] =	vst v3;
	v3 =	vmul.f32 v21, v22  }
0x1e7: {  	v32 =	vld [tilespmem:s19+$0xE300];
	v31 =	vmul.f32 v23, v22;
	[tilespmem:s19+$0xE290] =	vst v27  }
0x1e8: {  	v33 =	vld [tilespmem:s19+$0xE310];
	[tilespmem:s19+$0xE2A0] =	vst v3;
	v3 =	vmul.f32 v25, v29  }
0x1e9: {  	v35 =	vld [tilespmem:s19+$0xE320];
	v34 =	vmul.f32 v26, v29;
	[tilespmem:s19+$0xE2B0] =	vst v31  }
0x1ea: {  	v37 =	vld [tilespmem:s19+$0xE330];
	v36 =	vbroadcast v2, $0x4;
	[tilespmem:s19+$0xE2C0] =	vst v3;
	v3 =	vmul.f32 v28, v29  }
0x1eb: {  	v39 =	vld [tilespmem:s19+$0xE340];
	v38 =	vmul.f32 v30, v29;
	[tilespmem:s19+$0xE2D0] =	vst v34  }
0x1ec: {  	v40 =	vld [tilespmem:s19+$0xE350];
	[tilespmem:s19+$0xE2E0] =	vst v3;
	v3 =	vmul.f32 v32, v36  }
0x1ed: {  	v42 =	vld [tilespmem:s19+$0xE360];
	v41 =	vmul.f32 v33, v36;
	[tilespmem:s19+$0xE2F0] =	vst v38  }
0x1ee: {  	v44 =	vld [tilespmem:s19+$0xE370];
	v43 =	vbroadcast v2, $0x5;
	[tilespmem:s19+$0xE300] =	vst v3;
	v3 =	vmul.f32 v35, v36  }
0x1ef: {  	v46 =	vld [tilespmem:s19+$0xE380];
	v45 =	vmul.f32 v37, v36;
	[tilespmem:s19+$0xE310] =	vst v41  }
0x1f0: {  	v47 =	vld [tilespmem:s19+$0xE390];
	[tilespmem:s19+$0xE320] =	vst v3;
	v3 =	vmul.f32 v39, v43  }
0x1f1: {  	v49 =	vld [tilespmem:s19+$0xE3A0];
	v48 =	vmul.f32 v40, v43;
	[tilespmem:s19+$0xE330] =	vst v45  }
0x1f2: {  	v51 =	vld [tilespmem:s19+$0xE3B0];
	v50 =	vbroadcast v2, $0x6;
	[tilespmem:s19+$0xE340] =	vst v3;
	v3 =	vmul.f32 v42, v43  }
0x1f3: {  	v53 =	vld [tilespmem:s19+$0xE3C0];
	v52 =	vmul.f32 v44, v43;
	[tilespmem:s19+$0xE350] =	vst v48  }
0x1f4: {  	v54 =	vld [tilespmem:s19+$0xE3D0];
	[tilespmem:s19+$0xE360] =	vst v3;
	v3 =	vmul.f32 v46, v50  }
0x1f5: {  	v56 =	vld [tilespmem:s19+$0xE3E0];
	v55 =	vmul.f32 v47, v50;
	[tilespmem:s19+$0xE370] =	vst v52  }
0x1f6: {  	v58 =	vld [tilespmem:s19+$0xE3F0];
	v57 =	vbroadcast v2, $0x7;
	[tilespmem:s19+$0xE380] =	vst v3;
	v3 =	vmul.f32 v49, v50  }
0x1f7: {  	v60 =	vld [tilespmem:s19+$0xE400];
	v59 =	vmul.f32 v51, v50;
	[tilespmem:s19+$0xE390] =	vst v55  }
0x1f8: {  	v61 =	vld [tilespmem:s19+$0xE410];
	[tilespmem:s19+$0xE3A0] =	vst v3;
	v3 =	vmul.f32 v53, v57  }
0x1f9: {  	v63 =	vld [tilespmem:s19+$0xE420];
	v62 =	vmul.f32 v54, v57;
	[tilespmem:s19+$0xE3B0] =	vst v59  }
0x1fa: {  	v12 =	vbroadcast v2, $0x8;
	v23 =	vld [tilespmem:s19+$0xE490];
	[tilespmem:s19+$0xE3C0] =	vst v3;
	v3 =	vmul.f32 v56, v57  }
0x1fb: {  	v15 =	vld [tilespmem:s19+$0xE440];
	v14 =	vmul.f32 v58, v57;
	[tilespmem:s19+$0xE3D0] =	vst v62  }
0x1fc: {  	v30 =	vld [tilespmem:s19+$0xE4D0];
	[tilespmem:s19+$0xE3E0] =	vst v3;
	v3 =	vmul.f32 v60, v12  }
0x1fd: {  	v26 =	vbroadcast v2, $0xA;
	[tilespmem:s19+$0xE3F0] =	vst v14;
	v17 =	vmul.f32 v61, v12;
	v18 =	vld [tilespmem:s19+$0xE460]  }
0x1fe: {  	v19 =	vbroadcast v2, $0x9;
	v37 =	vld [tilespmem:s19+$0xE510];
	[tilespmem:s19+$0xE400] =	vst v3;
	v3 =	vmul.f32 v63, v12  }
0x1ff: {  	v33 =	vbroadcast v2, $0xB;
	[tilespmem:s19+$0xE410] =	vst v17;
	v31 =	vmul.f32 v23, v26;
	v22 =	vld [tilespmem:s19+$0xE480]  }
0x200: {  	v44 =	vld [tilespmem:s19+$0xE550];
	[tilespmem:s19+$0xE420] =	vst v3;
	v3 =	vmul.f32 v15, v19  }
0x201: {  	v40 =	vbroadcast v2, $0xC;
	v38 =	vmul.f32 v30, v33;
	[tilespmem:s19+$0xE490] =	vst v31;
	v25 =	vld [tilespmem:s19+$0xE4A0]  }
0x202: {  	v51 =	vld [tilespmem:s19+$0xE590];
	[tilespmem:s19+$0xE440] =	vst v3;
	v3 =	vmul.f32 v18, v19  }
0x203: {  	v47 =	vbroadcast v2, $0xD;
	v45 =	vmul.f32 v37, v40;
	[tilespmem:s19+$0xE4D0] =	vst v38;
	v29 =	vld [tilespmem:s19+$0xE4C0]  }
0x204: {  	v55 =	vld [tilespmem:s19+$0xE5B0];
	[tilespmem:s19+$0xE460] =	vst v3;
	v3 =	vmul.f32 v22, v26  }
0x205: {  	v54 =	vbroadcast v2, $0xE;
	v52 =	vmul.f32 v44, v47;
	[tilespmem:s19+$0xE510] =	vst v45;
	v32 =	vld [tilespmem:s19+$0xE4E0]  }
0x206: {  	v13 =	vld [tilespmem:s19+$0xE430];
	[tilespmem:s19+$0xE480] =	vst v3;
	v3 =	vmul.f32 v25, v26  }
0x207: {  	v59 =	vmul.f32 v51, v54;
	[tilespmem:s19+$0xE550] =	vst v52;
	v36 =	vld [tilespmem:s19+$0xE500]  }
0x208: {  	v16 =	vld [tilespmem:s19+$0xE450];
	[tilespmem:s19+$0xE4A0] =	vst v3;
	v3 =	vmul.f32 v29, v33  }
0x209: {  	[tilespmem:s19+$0xE590] =	vst v59;
	v62 =	vmul.f32 v55, v54;
	v39 =	vld [tilespmem:s19+$0xE520]  }
0x20a: {  	v20 =	vld [tilespmem:s19+$0xE470];
	[tilespmem:s19+$0xE4C0] =	vst v3;
	v3 =	vmul.f32 v32, v33  }
0x20b: {  	[tilespmem:s19+$0xE5B0] =	vst v62;
	v21 =	vmul.f32 v13, v12;
	v43 =	vld [tilespmem:s19+$0xE540]  }
0x20c: {  	v27 =	vld [tilespmem:s19+$0xE4B0];
	[tilespmem:s19+$0xE4E0] =	vst v3;
	v3 =	vmul.f32 v36, v40  }
0x20d: {  	v24 =	vmul.f32 v16, v19;
	[tilespmem:s19+$0xE430] =	vst v21;
	v46 =	vld [tilespmem:s19+$0xE560]  }
0x20e: {  	v34 =	vld [tilespmem:s19+$0xE4F0];
	[tilespmem:s19+$0xE500] =	vst v3;
	v3 =	vmul.f32 v39, v40  }
0x20f: {  	[tilespmem:s19+$0xE450] =	vst v24;
	v28 =	vmul.f32 v20, v19;
	v50 =	vld [tilespmem:s19+$0xE580]  }
0x210: {  	v41 =	vld [tilespmem:s19+$0xE530];
	[tilespmem:s19+$0xE520] =	vst v3;
	v3 =	vmul.f32 v43, v47  }
0x211: {  	[tilespmem:s19+$0xE470] =	vst v28;
	v35 =	vmul.f32 v27, v26;
	v53 =	vld [tilespmem:s19+$0xE5A0]  }
0x212: {  	v48 =	vld [tilespmem:s19+$0xE570];
	[tilespmem:s19+$0xE540] =	vst v3;
	v3 =	vmul.f32 v46, v47  }
0x213: {  	[tilespmem:s19+$0xE4B0] =	vst v35;
	v42 =	vmul.f32 v34, v33;
	v57 =	vld [tilespmem:s19+$0xE5C0]  }
0x214: {  	v58 =	vld [tilespmem:s19+$0xE5D0];
	[tilespmem:s19+$0xE560] =	vst v3;
	v3 =	vmul.f32 v50, v54  }
0x215: {  	[tilespmem:s19+$0xE4F0] =	vst v42;
	v49 =	vmul.f32 v41, v40;
	v60 =	vld [tilespmem:s19+$0xE5E0]  }
0x216: {  	v2 =	vbroadcast v2, $0xF;
	v61 =	vld [tilespmem:s19+$0xE5F0];
	[tilespmem:s19+$0xE580] =	vst v3;
	v3 =	vmul.f32 v53, v54  }
0x217: {  	s18 =	sadd.s32 $0x1, s18;
	[tilespmem:s19+$0xE530] =	vst v49;
	v56 =	vmul.f32 v48, v47  }
0x218: {  	p0 =	sne.s32 s18, $0x10;
	[tilespmem:s19+$0xE5A0] =	vst v3;
	v3 =	vmul.f32 v57, v2  }
.Ltmp6:
0x219: {  	[tilespmem:s19+$0xE570] =	vst v56;
	v63 =	vmul.f32 v58, v2;
	(pc) =	sbr.rel @p0 .LBB2_13-.Ltmp6, $4  }
0x21a: {  	[tilespmem:s19+$0xE5C0] =	vst v3;
	v3 =	vmul.f32 v60, v2  }
0x21b: {  	[tilespmem:s19+$0xE5D0] =	vst v63;
	v2 =	vmul.f32 v61, v2  }
0x21c: {  	[tilespmem:s19+$0xE5E0] =	vst v3  }
0x21d: {  	[tilespmem:s19+$0xE5F0] =	vst v2  }
0x21e: {  	s18 =	sshll.u32 s17, $0x4;
	s17 =	sadd.s32 $0x1, s17  }
0x21f: {  	p0 =	sne.s32 s17, $0x8  }
.Ltmp7:
0x220: {  	s18 =	sadd.s32 s18, s6;
	(pc) =	sbr.rel @p0 .LBB2_10-.Ltmp7, $4  }
0x221: {  	[hbm4b:s18+s8] =	stream.strided.scatter [tilespmem:s16], [sflag:$0x1], $0x4000, s9, s8, $0x38;
	[tilespmem:$0x12200] =	vst v63  }
0x222: {  	_ =	swait.ge [sflag:s11], $0x4000  }
0x223: {  	[sflag:s11] =	ssyncset.done $0x0  }
0x224: {  	[sflag:s11] =	ssyncadd.s32 $0xFFFFC000  }
0x225: {  	s2 =	sadd.s32 $0x1, s2  }
0x226: {  	p0 =	sne.s32 s2, s7  }
.Ltmp8:
0x227: {  	_ = 	snop;
	(pc) =	sbr.rel @p0 .LBB2_1-.Ltmp8, $1  }
0x228: {  	_ =	sdelay $0x3  }
0x229: {  	_ =	sfence.sel $0x180000  }
0x22a: {  	[bflag:$0x0] =	sbarrier.arrive $0xFFFF  }
0x22b: {  	p0 =	sne.s32 s1, $0x0;
	_ =	strace $0x90000047  }
0x22c: {  	s0 =	sadd.s32 @!p0 $0x100000, s0;
	[bflag:$0x2] =	sbarrier.arrive $0xFFFF  }
0x22d: {  	[sflag:s0] =	ssyncadd.tile.s32 @!p0 $0x1;
	_ =	shalt  }
.Lfunc_end2:
_tile_overlayer_lowered:
.L_overlay_start_2:
0x22e: {  	(tag) =	ssettag $0x2  }
0x22f: {  	s0 =	rddreg [dreg:$0x0];
	s2 =	stileid.u32  }
0x230: {  	s1 =	rddreg [dreg:$0x1];
	p0 =	sne.s32 s2, $0x0  }
0x231: {  	s3 =	rddreg [dreg:$0x2];
	[bflag:$0x3] =	sbarrier.arrive $0xFFFF;
	s2 =	simm.s32 @!p0 $0x1C01  }
0x232: {  	[timem:s3], [sflag:s2] =	dma.local @!p0 [hbm:s0], s1  }
0x233: {  	s0 =	simm.s32 @!p0 $0x1  }
0x234: {  	_ =	swait.ge @!p0 [sflag:s0], s1  }
0x235: {  	s1 =	ssub.s32 @!p0 $0x0, s1;
	[sflag:s0] =	ssyncset.done @!p0 $0x0  }
0x236: {  	[sflag:s0] =	ssyncadd.s32 @!p0 s1  }
0x237: {  	[bflag:$0x3] =	sbarrier.arrive $0xFFFF  }
0x238: {  	_ =	shalt  }

</sc_bundles>
